<compile_context>
chip_gen: v7x
topology: tpu7x:2x2x1
jax: 0.10.2.dev20260603
libtpu: 0.0.44.dev20260713+nightly
codegen_flags: <defaults>
</compile_context>

<pallas_src>
import functools

import jax
import jax.numpy as jnp
from jax import lax
from jax.experimental import pallas as pl
from jax.experimental.pallas import tpu as pltpu
from jax.experimental.pallas import tpu_sc as plsc

NC = 2
NS = 16
NW = NC * NS
L = 16

B = 16384
D = 64
BPW = B // NW
CHUNK = 128
NCHUNK = BPW // CHUNK
GPC = CHUNK // L


@functools.partial(
    pl.kernel,
    out_type=jax.ShapeDtypeStruct((B,), jnp.float32),
    mesh=plsc.VectorSubcoreMesh(core_axis_name="c", subcore_axis_name="s"),
    scratch_types=[
        pltpu.VMEM((NCHUNK, CHUNK), jnp.int32),
        pltpu.VMEM((NCHUNK, CHUNK), jnp.int32),
        pltpu.VMEM((2, CHUNK, D), jnp.float32),
        pltpu.VMEM((2, CHUNK, D), jnp.float32),
        pltpu.VMEM((BPW,), jnp.float32),
        pltpu.SemaphoreType.DMA,
        pltpu.SemaphoreType.DMA,
    ],
    compiler_params=pltpu.CompilerParams(
        needs_layout_passes=False, use_tc_tiling_on_sc=False),
)
def _dot_gather(user_hbm, item_hbm, uf_hbm, if_hbm, out_hbm,
                idx_u, idx_i, rows_u, rows_i, out_v, sem_u, sem_i):
    wid = lax.axis_index("s") * NC + lax.axis_index("c")
    base = wid * BPW

    pltpu.sync_copy(user_hbm.at[wid], idx_u)
    pltpu.sync_copy(item_hbm.at[wid], idx_i)

    def fire(j):
        buf = j % 2
        cu = pltpu.async_copy(uf_hbm.at[idx_u.at[j]], rows_u.at[buf], sem_u)
        ci = pltpu.async_copy(if_hbm.at[idx_i.at[j]], rows_i.at[buf], sem_i)
        return cu, ci

    copies = {0: fire(0), 1: fire(1)}

    iota = lax.iota(jnp.int32, L)

    for j in range(NCHUNK):
        cu, ci = copies.pop(j)
        cu.wait()
        ci.wait()
        buf = j % 2

        def group_body(g, carry, j=j, buf=buf):
            rows = g * L + iota
            zero = jnp.zeros((L,), jnp.float32)

            def col_block(cb, accs):
                a0, a1 = accs
                cb16 = cb * L
                for cc in range(L):
                    cols = cb16 + cc + jnp.zeros((L,), jnp.int32)
                    u16 = plsc.load_gather(rows_u.at[buf], [rows, cols])
                    v16 = plsc.load_gather(rows_i.at[buf], [rows, cols])
                    if cc % 2:
                        a1 = a1 + u16 * v16
                    else:
                        a0 = a0 + u16 * v16
                return a0, a1

            a0, a1 = lax.fori_loop(0, D // L, col_block, (zero, zero))
            out_v[pl.ds(j * CHUNK + g * L, L)] = a0 + a1
            return carry

        lax.fori_loop(0, GPC, group_body, 0)
        if j + 2 < NCHUNK:
            copies[j + 2] = fire(j + 2)

    pltpu.sync_copy(out_v, out_hbm.at[pl.ds(base, BPW)])


def kernel(user, item, user_factors, item_factors):
    user2 = user.astype(jnp.int32).reshape(NW, NCHUNK, CHUNK)
    item2 = item.astype(jnp.int32).reshape(NW, NCHUNK, CHUNK)
    return _dot_gather(user2, item2, user_factors, item_factors)

# --- scband reference (transcript-rebuilt; emitter-appended) ---
"""Pipeline reference for scband-torch-als-47794396070405 (READ-ONLY COPY).

The authoritative reference and input builder live on the scoring server;
editing this copy changes nothing except your own understanding.
"""

import jax, jax.numpy as jnp
import numpy as np

N_USERS = 1000000
N_ITEMS = 100000
N_FACTORS = 64
BATCH = 16384

def setup_inputs(seed: int = 0) -> dict:
    key = jax.random.key(seed)
    k1, k2, k3, k4 = jax.random.split(key, 4)
    # xavier_normal std = sqrt(2 / (fan_in + fan_out))
    std_u = float(np.sqrt(2.0 / (N_USERS + N_FACTORS)))
    std_i = float(np.sqrt(2.0 / (N_ITEMS + N_FACTORS)))
    user_factors = jax.random.normal(k1, (N_USERS, N_FACTORS), dtype=jnp.float32) * std_u
    item_factors = jax.random.normal(k2, (N_ITEMS, N_FACTORS), dtype=jnp.float32) * std_i
    user = jax.random.randint(k3, (BATCH,), 0, N_USERS, dtype=jnp.int64 if jax.config.jax_enable_x64 else jnp.int32)
    item = jax.random.randint(k4, (BATCH,), 0, N_ITEMS, dtype=jnp.int64 if jax.config.jax_enable_x64 else jnp.int32)
    return {"user": user, "item": item, "user_factors": user_factors, "item_factors": item_factors}

def reference(user, item, user_factors, item_factors):
    # forward: (self.user_factors[user] * self.item_factors[item]).sum(1)
    u = jnp.take(user_factors, user, axis=0)
    v = jnp.take(item_factors, item, axis=0)
    return (u * v).sum(axis=1)

if __name__ == "__main__":
    import jax
    _d = setup_inputs()
    print(jax.jit(kernel)(*tuple(_d.values())))

</pallas_src>

<mosaic_0001>
#map = affine_map<(d0, d1) -> (0, 0, 0)>
#map1 = affine_map<(d0, d1) -> (0, 0)>
#map2 = affine_map<(d0, d1) -> (0)>
module attributes {stable_mosaic.version = 14 : i64} {
  func.func @_dot_gather(%arg0: i32, %arg1: i32, %arg2: memref<32x4x128xi32, #tpu.memory_space<hbm>>, %arg3: memref<32x4x128xi32, #tpu.memory_space<hbm>>, %arg4: memref<1000000x64xf32, #tpu.memory_space<hbm>>, %arg5: memref<100000x64xf32, #tpu.memory_space<hbm>>, %arg6: memref<16384xf32, #tpu.memory_space<hbm>>, %arg7: memref<4x128xi32, #tpu.memory_space<vmem>>, %arg8: memref<4x128xi32, #tpu.memory_space<vmem>>, %arg9: memref<2x128x64xf32, #tpu.memory_space<vmem>>, %arg10: memref<2x128x64xf32, #tpu.memory_space<vmem>>, %arg11: memref<512xf32, #tpu.memory_space<vmem>>, %arg12: memref<!tpu.dma_semaphore, #tpu.memory_space<semaphore_mem>>, %arg13: memref<!tpu.dma_semaphore, #tpu.memory_space<semaphore_mem>>) attributes {dimension_semantics = [#tpu.dimension_semantics<core_parallel>, #tpu.dimension_semantics<subcore_parallel>], iteration_bounds = array<i64: 2, 16>, scalar_prefetch = 0 : i64, scratch_operands = 7 : i64, tpu.core_type = #tpu.core_type<sc_vector_subcore>, window_params = [{transform_indices = #map}, {transform_indices = #map}, {transform_indices = #map1}, {transform_indices = #map1}, {transform_indices = #map2}]} {
    %mul3A = arith.constant 2 : i32
    %mul3A_0 = arith.muli %arg1, %mul3A : i32
    %add3A = arith.addi %mul3A_0, %arg0 : i32
    %mul3A_1 = arith.constant 512 : i32
    %mul3A_2 = arith.muli %add3A, %mul3A_1 : i32
    "tpu.region"() ({
      %run_scoped3A = tpu.sem_alloc : memref<!tpu.dma_semaphore, #tpu.memory_space<semaphore_mem>>
      %dma_start3A_216 = arith.constant 0 : i32
      %dma_start3A_217 = arith.constant 0 : i32
      %dma_start3A_218 = tpu.memref_slice %arg2[%add3A, %dma_start3A_216, %dma_start3A_217] : memref<32x4x128xi32, #tpu.memory_space<hbm>> -> memref<1x4x128xi32, #tpu.memory_space<hbm>>
      %dma_start3A_219 = tpu.memref_squeeze %dma_start3A_218 : memref<1x4x128xi32, #tpu.memory_space<hbm>> -> memref<4x128xi32, #tpu.memory_space<hbm>>
      %dma_start3A_220 = arith.constant 0 : i32
      %dma_start3A_221 = arith.constant 0 : i32
      %dma_start3A_222 = tpu.memref_slice %arg2[%add3A, %dma_start3A_220, %dma_start3A_221] : memref<32x4x128xi32, #tpu.memory_space<hbm>> -> memref<1x4x128xi32, #tpu.memory_space<hbm>>
      %dma_start3A_223 = tpu.memref_squeeze %dma_start3A_222 : memref<1x4x128xi32, #tpu.memory_space<hbm>> -> memref<4x128xi32, #tpu.memory_space<hbm>>
      tpu.enqueue_dma source(%dma_start3A_223 : memref<4x128xi32, #tpu.memory_space<hbm>>) target(%arg7 : memref<4x128xi32, #tpu.memory_space<vmem>>) target_semaphore(%run_scoped3A : memref<!tpu.dma_semaphore, #tpu.memory_space<semaphore_mem>>)
      %dma_wait3A_224 = arith.constant 0 : i32
      %dma_wait3A_225 = arith.constant 0 : i32
      %dma_wait3A_226 = tpu.memref_slice %arg2[%add3A, %dma_wait3A_224, %dma_wait3A_225] : memref<32x4x128xi32, #tpu.memory_space<hbm>> -> memref<1x4x128xi32, #tpu.memory_space<hbm>>
      %dma_wait3A_227 = tpu.memref_squeeze %dma_wait3A_226 : memref<1x4x128xi32, #tpu.memory_space<hbm>> -> memref<4x128xi32, #tpu.memory_space<hbm>>
      %dma_wait3A_228 = arith.constant 0 : i32
      %dma_wait3A_229 = arith.constant 0 : i32
      %dma_wait3A_230 = tpu.memref_slice %arg2[%add3A, %dma_wait3A_228, %dma_wait3A_229] : memref<32x4x128xi32, #tpu.memory_space<hbm>> -> memref<1x4x128xi32, #tpu.memory_space<hbm>>
      %dma_wait3A_231 = tpu.memref_squeeze %dma_wait3A_230 : memref<1x4x128xi32, #tpu.memory_space<hbm>> -> memref<4x128xi32, #tpu.memory_space<hbm>>
      tpu.wait_dma2 semaphore(%run_scoped3A : memref<!tpu.dma_semaphore, #tpu.memory_space<semaphore_mem>>) src(%dma_wait3A_231 : memref<4x128xi32, #tpu.memory_space<hbm>>) dst(%arg7 : memref<4x128xi32, #tpu.memory_space<vmem>>)
      tpu.yield
    }) : () -> ()
    "tpu.region"() ({
      %run_scoped3A = tpu.sem_alloc : memref<!tpu.dma_semaphore, #tpu.memory_space<semaphore_mem>>
      %dma_start3A_216 = arith.constant 0 : i32
      %dma_start3A_217 = arith.constant 0 : i32
      %dma_start3A_218 = tpu.memref_slice %arg3[%add3A, %dma_start3A_216, %dma_start3A_217] : memref<32x4x128xi32, #tpu.memory_space<hbm>> -> memref<1x4x128xi32, #tpu.memory_space<hbm>>
      %dma_start3A_219 = tpu.memref_squeeze %dma_start3A_218 : memref<1x4x128xi32, #tpu.memory_space<hbm>> -> memref<4x128xi32, #tpu.memory_space<hbm>>
      %dma_start3A_220 = arith.constant 0 : i32
      %dma_start3A_221 = arith.constant 0 : i32
      %dma_start3A_222 = tpu.memref_slice %arg3[%add3A, %dma_start3A_220, %dma_start3A_221] : memref<32x4x128xi32, #tpu.memory_space<hbm>> -> memref<1x4x128xi32, #tpu.memory_space<hbm>>
      %dma_start3A_223 = tpu.memref_squeeze %dma_start3A_222 : memref<1x4x128xi32, #tpu.memory_space<hbm>> -> memref<4x128xi32, #tpu.memory_space<hbm>>
      tpu.enqueue_dma source(%dma_start3A_223 : memref<4x128xi32, #tpu.memory_space<hbm>>) target(%arg8 : memref<4x128xi32, #tpu.memory_space<vmem>>) target_semaphore(%run_scoped3A : memref<!tpu.dma_semaphore, #tpu.memory_space<semaphore_mem>>)
      %dma_wait3A_224 = arith.constant 0 : i32
      %dma_wait3A_225 = arith.constant 0 : i32
      %dma_wait3A_226 = tpu.memref_slice %arg3[%add3A, %dma_wait3A_224, %dma_wait3A_225] : memref<32x4x128xi32, #tpu.memory_space<hbm>> -> memref<1x4x128xi32, #tpu.memory_space<hbm>>
      %dma_wait3A_227 = tpu.memref_squeeze %dma_wait3A_226 : memref<1x4x128xi32, #tpu.memory_space<hbm>> -> memref<4x128xi32, #tpu.memory_space<hbm>>
      %dma_wait3A_228 = arith.constant 0 : i32
      %dma_wait3A_229 = arith.constant 0 : i32
      %dma_wait3A_230 = tpu.memref_slice %arg3[%add3A, %dma_wait3A_228, %dma_wait3A_229] : memref<32x4x128xi32, #tpu.memory_space<hbm>> -> memref<1x4x128xi32, #tpu.memory_space<hbm>>
      %dma_wait3A_231 = tpu.memref_squeeze %dma_wait3A_230 : memref<1x4x128xi32, #tpu.memory_space<hbm>> -> memref<4x128xi32, #tpu.memory_space<hbm>>
      tpu.wait_dma2 semaphore(%run_scoped3A : memref<!tpu.dma_semaphore, #tpu.memory_space<semaphore_mem>>) src(%dma_wait3A_231 : memref<4x128xi32, #tpu.memory_space<hbm>>) dst(%arg8 : memref<4x128xi32, #tpu.memory_space<vmem>>)
      tpu.yield
    }) : () -> ()
    %dma_start3A = arith.constant 0 : i32
    %dma_start3A_3 = arith.constant 0 : i32
    %dma_start3A_4 = arith.constant 0 : i32
    %dma_start3A_5 = arith.constant 0 : i32
    %dma_start3A_6 = tpu.memref_slice %arg9[%dma_start3A_3, %dma_start3A_4, %dma_start3A_5] : memref<2x128x64xf32, #tpu.memory_space<vmem>> -> memref<1x128x64xf32, #tpu.memory_space<vmem>>
    %dma_start3A_7 = tpu.memref_squeeze %dma_start3A_6 : memref<1x128x64xf32, #tpu.memory_space<vmem>> -> memref<128x64xf32, #tpu.memory_space<vmem>>
    %dma_start3A_8 = arith.constant 0 : i32
    %dma_start3A_9 = tpu.memref_slice %arg7[%dma_start3A, %dma_start3A_8] : memref<4x128xi32, #tpu.memory_space<vmem>> -> memref<1x128xi32, #tpu.memory_space<vmem>>
    %dma_start3A_10 = tpu.memref_squeeze %dma_start3A_9 : memref<1x128xi32, #tpu.memory_space<vmem>> -> memref<128xi32, #tpu.memory_space<vmem>>
    %dma_start3A_11 = arith.constant 0 : i32
    %dma_start3A_12 = arith.constant 0 : i32
    %dma_start3A_13 = tpu.memref_slice %arg4[%dma_start3A_11, %dma_start3A_12] : memref<1000000x64xf32, #tpu.memory_space<hbm>> -> memref<1000000x64xf32, #tpu.memory_space<hbm>>
    tpu.enqueue_indirect_dma source(%dma_start3A_13 : memref<1000000x64xf32, #tpu.memory_space<hbm>>) target(%dma_start3A_7 : memref<128x64xf32, #tpu.memory_space<vmem>>) offsets(%dma_start3A_10 : memref<128xi32, #tpu.memory_space<vmem>>) semaphore(%arg12 : memref<!tpu.dma_semaphore, #tpu.memory_space<semaphore_mem>>)
    %dma_start3A_14 = arith.constant 0 : i32
    %dma_start3A_15 = arith.constant 0 : i32
    %dma_start3A_16 = arith.constant 0 : i32
    %dma_start3A_17 = arith.constant 0 : i32
    %dma_start3A_18 = tpu.memref_slice %arg10[%dma_start3A_15, %dma_start3A_16, %dma_start3A_17] : memref<2x128x64xf32, #tpu.memory_space<vmem>> -> memref<1x128x64xf32, #tpu.memory_space<vmem>>
    %dma_start3A_19 = tpu.memref_squeeze %dma_start3A_18 : memref<1x128x64xf32, #tpu.memory_space<vmem>> -> memref<128x64xf32, #tpu.memory_space<vmem>>
    %dma_start3A_20 = arith.constant 0 : i32
    %dma_start3A_21 = tpu.memref_slice %arg8[%dma_start3A_14, %dma_start3A_20] : memref<4x128xi32, #tpu.memory_space<vmem>> -> memref<1x128xi32, #tpu.memory_space<vmem>>
    %dma_start3A_22 = tpu.memref_squeeze %dma_start3A_21 : memref<1x128xi32, #tpu.memory_space<vmem>> -> memref<128xi32, #tpu.memory_space<vmem>>
    %dma_start3A_23 = arith.constant 0 : i32
    %dma_start3A_24 = arith.constant 0 : i32
    %dma_start3A_25 = tpu.memref_slice %arg5[%dma_start3A_23, %dma_start3A_24] : memref<100000x64xf32, #tpu.memory_space<hbm>> -> memref<100000x64xf32, #tpu.memory_space<hbm>>
    tpu.enqueue_indirect_dma source(%dma_start3A_25 : memref<100000x64xf32, #tpu.memory_space<hbm>>) target(%dma_start3A_19 : memref<128x64xf32, #tpu.memory_space<vmem>>) offsets(%dma_start3A_22 : memref<128xi32, #tpu.memory_space<vmem>>) semaphore(%arg13 : memref<!tpu.dma_semaphore, #tpu.memory_space<semaphore_mem>>)
    %dma_start3A_26 = arith.constant 1 : i32
    %dma_start3A_27 = arith.constant 1 : i32
    %dma_start3A_28 = arith.constant 0 : i32
    %dma_start3A_29 = arith.constant 0 : i32
    %dma_start3A_30 = tpu.memref_slice %arg9[%dma_start3A_27, %dma_start3A_28, %dma_start3A_29] : memref<2x128x64xf32, #tpu.memory_space<vmem>> -> memref<1x128x64xf32, #tpu.memory_space<vmem>>
    %dma_start3A_31 = tpu.memref_squeeze %dma_start3A_30 : memref<1x128x64xf32, #tpu.memory_space<vmem>> -> memref<128x64xf32, #tpu.memory_space<vmem>>
    %dma_start3A_32 = arith.constant 0 : i32
    %dma_start3A_33 = tpu.memref_slice %arg7[%dma_start3A_26, %dma_start3A_32] : memref<4x128xi32, #tpu.memory_space<vmem>> -> memref<1x128xi32, #tpu.memory_space<vmem>>
    %dma_start3A_34 = tpu.memref_squeeze %dma_start3A_33 : memref<1x128xi32, #tpu.memory_space<vmem>> -> memref<128xi32, #tpu.memory_space<vmem>>
    %dma_start3A_35 = arith.constant 0 : i32
    %dma_start3A_36 = arith.constant 0 : i32
    %dma_start3A_37 = tpu.memref_slice %arg4[%dma_start3A_35, %dma_start3A_36] : memref<1000000x64xf32, #tpu.memory_space<hbm>> -> memref<1000000x64xf32, #tpu.memory_space<hbm>>
    tpu.enqueue_indirect_dma source(%dma_start3A_37 : memref<1000000x64xf32, #tpu.memory_space<hbm>>) target(%dma_start3A_31 : memref<128x64xf32, #tpu.memory_space<vmem>>) offsets(%dma_start3A_34 : memref<128xi32, #tpu.memory_space<vmem>>) semaphore(%arg12 : memref<!tpu.dma_semaphore, #tpu.memory_space<semaphore_mem>>)
    %dma_start3A_38 = arith.constant 1 : i32
    %dma_start3A_39 = arith.constant 1 : i32
    %dma_start3A_40 = arith.constant 0 : i32
    %dma_start3A_41 = arith.constant 0 : i32
    %dma_start3A_42 = tpu.memref_slice %arg10[%dma_start3A_39, %dma_start3A_40, %dma_start3A_41] : memref<2x128x64xf32, #tpu.memory_space<vmem>> -> memref<1x128x64xf32, #tpu.memory_space<vmem>>
    %dma_start3A_43 = tpu.memref_squeeze %dma_start3A_42 : memref<1x128x64xf32, #tpu.memory_space<vmem>> -> memref<128x64xf32, #tpu.memory_space<vmem>>
    %dma_start3A_44 = arith.constant 0 : i32
    %dma_start3A_45 = tpu.memref_slice %arg8[%dma_start3A_38, %dma_start3A_44] : memref<4x128xi32, #tpu.memory_space<vmem>> -> memref<1x128xi32, #tpu.memory_space<vmem>>
    %dma_start3A_46 = tpu.memref_squeeze %dma_start3A_45 : memref<1x128xi32, #tpu.memory_space<vmem>> -> memref<128xi32, #tpu.memory_space<vmem>>
    %dma_start3A_47 = arith.constant 0 : i32
    %dma_start3A_48 = arith.constant 0 : i32
    %dma_start3A_49 = tpu.memref_slice %arg5[%dma_start3A_47, %dma_start3A_48] : memref<100000x64xf32, #tpu.memory_space<hbm>> -> memref<100000x64xf32, #tpu.memory_space<hbm>>
    tpu.enqueue_indirect_dma source(%dma_start3A_49 : memref<100000x64xf32, #tpu.memory_space<hbm>>) target(%dma_start3A_43 : memref<128x64xf32, #tpu.memory_space<vmem>>) offsets(%dma_start3A_46 : memref<128xi32, #tpu.memory_space<vmem>>) semaphore(%arg13 : memref<!tpu.dma_semaphore, #tpu.memory_space<semaphore_mem>>)
    %iota3A = tpu.iota {dimensions = array<i32: 0>} : vector<16xi32>
    %dma_wait3A = arith.constant 0 : i32
    %dma_wait3A_50 = arith.constant 0 : i32
    %dma_wait3A_51 = arith.constant 0 : i32
    %dma_wait3A_52 = arith.constant 0 : i32
    %dma_wait3A_53 = tpu.memref_slice %arg9[%dma_wait3A_50, %dma_wait3A_51, %dma_wait3A_52] : memref<2x128x64xf32, #tpu.memory_space<vmem>> -> memref<1x128x64xf32, #tpu.memory_space<vmem>>
    %dma_wait3A_54 = tpu.memref_squeeze %dma_wait3A_53 : memref<1x128x64xf32, #tpu.memory_space<vmem>> -> memref<128x64xf32, #tpu.memory_space<vmem>>
    %dma_wait3A_55 = arith.constant 0 : i32
    %dma_wait3A_56 = tpu.memref_slice %arg7[%dma_wait3A, %dma_wait3A_55] : memref<4x128xi32, #tpu.memory_space<vmem>> -> memref<1x128xi32, #tpu.memory_space<vmem>>
    %dma_wait3A_57 = tpu.memref_squeeze %dma_wait3A_56 : memref<1x128xi32, #tpu.memory_space<vmem>> -> memref<128xi32, #tpu.memory_space<vmem>>
    %dma_wait3A_58 = arith.constant 0 : i32
    %dma_wait3A_59 = arith.constant 0 : i32
    %dma_wait3A_60 = tpu.memref_slice %arg4[%dma_wait3A_58, %dma_wait3A_59] : memref<1000000x64xf32, #tpu.memory_space<hbm>> -> memref<1000000x64xf32, #tpu.memory_space<hbm>>
    tpu.wait_indirect_dma semaphore(%arg12 : memref<!tpu.dma_semaphore, #tpu.memory_space<semaphore_mem>>) src(%dma_wait3A_60 : memref<1000000x64xf32, #tpu.memory_space<hbm>>) dst(%dma_wait3A_54 : memref<128x64xf32, #tpu.memory_space<vmem>>)
    %dma_wait3A_61 = arith.constant 0 : i32
    %dma_wait3A_62 = arith.constant 0 : i32
    %dma_wait3A_63 = arith.constant 0 : i32
    %dma_wait3A_64 = arith.constant 0 : i32
    %dma_wait3A_65 = tpu.memref_slice %arg10[%dma_wait3A_62, %dma_wait3A_63, %dma_wait3A_64] : memref<2x128x64xf32, #tpu.memory_space<vmem>> -> memref<1x128x64xf32, #tpu.memory_space<vmem>>
    %dma_wait3A_66 = tpu.memref_squeeze %dma_wait3A_65 : memref<1x128x64xf32, #tpu.memory_space<vmem>> -> memref<128x64xf32, #tpu.memory_space<vmem>>
    %dma_wait3A_67 = arith.constant 0 : i32
    %dma_wait3A_68 = tpu.memref_slice %arg8[%dma_wait3A_61, %dma_wait3A_67] : memref<4x128xi32, #tpu.memory_space<vmem>> -> memref<1x128xi32, #tpu.memory_space<vmem>>
    %dma_wait3A_69 = tpu.memref_squeeze %dma_wait3A_68 : memref<1x128xi32, #tpu.memory_space<vmem>> -> memref<128xi32, #tpu.memory_space<vmem>>
    %dma_wait3A_70 = arith.constant 0 : i32
    %dma_wait3A_71 = arith.constant 0 : i32
    %dma_wait3A_72 = tpu.memref_slice %arg5[%dma_wait3A_70, %dma_wait3A_71] : memref<100000x64xf32, #tpu.memory_space<hbm>> -> memref<100000x64xf32, #tpu.memory_space<hbm>>
    tpu.wait_indirect_dma semaphore(%arg13 : memref<!tpu.dma_semaphore, #tpu.memory_space<semaphore_mem>>) src(%dma_wait3A_72 : memref<100000x64xf32, #tpu.memory_space<hbm>>) dst(%dma_wait3A_66 : memref<128x64xf32, #tpu.memory_space<vmem>>)
    %scan3A = arith.constant 0 : i32
    %scan3A_73 = arith.constant 0 : i32
    %scan3A_74 = arith.constant 8 : i32
    %scan3A_75 = arith.addi %scan3A_73, %scan3A_74 : i32
    %scan3A_76 = arith.constant 1 : i32
    scf.for %scan3A_216 = %scan3A_73 to %scan3A_75 step %scan3A_76  : i32 {
      %mul3A_217 = arith.constant 16 : i32
      %mul3A_218 = arith.muli %scan3A_216, %mul3A_217 : i32
      %add3A_219 = vector.broadcast %mul3A_218 : i32 to vector<16xi32>
      %add3A_220 = arith.addi %add3A_219, %iota3A : vector<16xi32>
      %broadcast_in_dim3A = arith.constant 0.000000e+00 : f32
      %broadcast_in_dim3A_221 = vector.broadcast %broadcast_in_dim3A : f32 to vector<16xf32>
      %scan3A_222 = arith.constant 0 : i32
      %scan3A_223 = arith.constant 4 : i32
      %scan3A_224 = arith.addi %scan3A_222, %scan3A_223 : i32
      %scan3A_225 = arith.constant 1 : i32
      %scan3A_226:2 = scf.for %scan3A_234 = %scan3A_222 to %scan3A_224 step %scan3A_225 iter_args(%scan3A_235 = %broadcast_in_dim3A_221, %scan3A_236 = %broadcast_in_dim3A_221) -> (vector<16xf32>, vector<16xf32>)  : i32 {
        %mul3A_237 = arith.constant 16 : i32
        %mul3A_238 = arith.muli %scan3A_234, %mul3A_237 : i32
        %add3A_239 = arith.constant 0 : i32
        %add3A_240 = arith.addi %mul3A_238, %add3A_239 : i32
        %broadcast_in_dim3A_241 = arith.constant 0 : i32
        %broadcast_in_dim3A_242 = vector.broadcast %broadcast_in_dim3A_241 : i32 to vector<16xi32>
        %add3A_243 = vector.broadcast %add3A_240 : i32 to vector<16xi32>
        %add3A_244 = arith.addi %add3A_243, %broadcast_in_dim3A_242 : vector<16xi32>
        %gather3A = arith.constant 0 : i32
        %gather3A_245 = arith.constant 0 : i32
        %gather3A_246 = arith.constant 0 : i32
        %gather3A_247 = tpu.memref_slice %arg9[%gather3A, %gather3A_245, %gather3A_246] : memref<2x128x64xf32, #tpu.memory_space<vmem>> -> memref<1x128x64xf32, #tpu.memory_space<vmem>>
        %gather3A_248 = tpu.memref_squeeze %gather3A_247 : memref<1x128x64xf32, #tpu.memory_space<vmem>> -> memref<128x64xf32, #tpu.memory_space<vmem>>
        %gather3A_249 = tpu.vector_load_idx %gather3A_248[%add3A_220, %add3A_244] : memref<128x64xf32, #tpu.memory_space<vmem>>[vector<16xi32>, vector<16xi32>], vector<16xf32>,
        %gather3A_250 = arith.constant 0 : i32
        %gather3A_251 = arith.constant 0 : i32
        %gather3A_252 = arith.constant 0 : i32
        %gather3A_253 = tpu.memref_slice %arg10[%gather3A_250, %gather3A_251, %gather3A_252] : memref<2x128x64xf32, #tpu.memory_space<vmem>> -> memref<1x128x64xf32, #tpu.memory_space<vmem>>
        %gather3A_254 = tpu.memref_squeeze %gather3A_253 : memref<1x128x64xf32, #tpu.memory_space<vmem>> -> memref<128x64xf32, #tpu.memory_space<vmem>>
        %gather3A_255 = tpu.vector_load_idx %gather3A_254[%add3A_220, %add3A_244] : memref<128x64xf32, #tpu.memory_space<vmem>>[vector<16xi32>, vector<16xi32>], vector<16xf32>,
        %mul3A_256 = arith.mulf %gather3A_249, %gather3A_255 : vector<16xf32>
        %add3A_257 = arith.addf %scan3A_235, %mul3A_256 : vector<16xf32>
        %add3A_258 = arith.constant 1 : i32
        %add3A_259 = arith.addi %mul3A_238, %add3A_258 : i32
        %broadcast_in_dim3A_260 = arith.constant 0 : i32
        %broadcast_in_dim3A_261 = vector.broadcast %broadcast_in_dim3A_260 : i32 to vector<16xi32>
        %add3A_262 = vector.broadcast %add3A_259 : i32 to vector<16xi32>
        %add3A_263 = arith.addi %add3A_262, %broadcast_in_dim3A_261 : vector<16xi32>
        %gather3A_264 = arith.constant 0 : i32
        %gather3A_265 = arith.constant 0 : i32
        %gather3A_266 = arith.constant 0 : i32
        %gather3A_267 = tpu.memref_slice %arg9[%gather3A_264, %gather3A_265, %gather3A_266] : memref<2x128x64xf32, #tpu.memory_space<vmem>> -> memref<1x128x64xf32, #tpu.memory_space<vmem>>
        %gather3A_268 = tpu.memref_squeeze %gather3A_267 : memref<1x128x64xf32, #tpu.memory_space<vmem>> -> memref<128x64xf32, #tpu.memory_space<vmem>>
        %gather3A_269 = tpu.vector_load_idx %gather3A_268[%add3A_220, %add3A_263] : memref<128x64xf32, #tpu.memory_space<vmem>>[vector<16xi32>, vector<16xi32>], vector<16xf32>,
        %gather3A_270 = arith.constant 0 : i32
        %gather3A_271 = arith.constant 0 : i32
        %gather3A_272 = arith.constant 0 : i32
        %gather3A_273 = tpu.memref_slice %arg10[%gather3A_270, %gather3A_271, %gather3A_272] : memref<2x128x64xf32, #tpu.memory_space<vmem>> -> memref<1x128x64xf32, #tpu.memory_space<vmem>>
        %gather3A_274 = tpu.memref_squeeze %gather3A_273 : memref<1x128x64xf32, #tpu.memory_space<vmem>> -> memref<128x64xf32, #tpu.memory_space<vmem>>
        %gather3A_275 = tpu.vector_load_idx %gather3A_274[%add3A_220, %add3A_263] : memref<128x64xf32, #tpu.memory_space<vmem>>[vector<16xi32>, vector<16xi32>], vector<16xf32>,
        %mul3A_276 = arith.mulf %gather3A_269, %gather3A_275 : vector<16xf32>
        %add3A_277 = arith.addf %scan3A_236, %mul3A_276 : vector<16xf32>
        %add3A_278 = arith.constant 2 : i32
        %add3A_279 = arith.addi %mul3A_238, %add3A_278 : i32
        %broadcast_in_dim3A_280 = arith.constant 0 : i32
        %broadcast_in_dim3A_281 = vector.broadcast %broadcast_in_dim3A_280 : i32 to vector<16xi32>
        %add3A_282 = vector.broadcast %add3A_279 : i32 to vector<16xi32>
        %add3A_283 = arith.addi %add3A_282, %broadcast_in_dim3A_281 : vector<16xi32>
        %gather3A_284 = arith.constant 0 : i32
        %gather3A_285 = arith.constant 0 : i32
        %gather3A_286 = arith.constant 0 : i32
        %gather3A_287 = tpu.memref_slice %arg9[%gather3A_284, %gather3A_285, %gather3A_286] : memref<2x128x64xf32, #tpu.memory_space<vmem>> -> memref<1x128x64xf32, #tpu.memory_space<vmem>>
        %gather3A_288 = tpu.memref_squeeze %gather3A_287 : memref<1x128x64xf32, #tpu.memory_space<vmem>> -> memref<128x64xf32, #tpu.memory_space<vmem>>
        %gather3A_289 = tpu.vector_load_idx %gather3A_288[%add3A_220, %add3A_283] : memref<128x64xf32, #tpu.memory_space<vmem>>[vector<16xi32>, vector<16xi32>], vector<16xf32>,
        %gather3A_290 = arith.constant 0 : i32
        %gather3A_291 = arith.constant 0 : i32
        %gather3A_292 = arith.constant 0 : i32
        %gather3A_293 = tpu.memref_slice %arg10[%gather3A_290, %gather3A_291, %gather3A_292] : memref<2x128x64xf32, #tpu.memory_space<vmem>> -> memref<1x128x64xf32, #tpu.memory_space<vmem>>
        %gather3A_294 = tpu.memref_squeeze %gather3A_293 : memref<1x128x64xf32, #tpu.memory_space<vmem>> -> memref<128x64xf32, #tpu.memory_space<vmem>>
        %gather3A_295 = tpu.vector_load_idx %gather3A_294[%add3A_220, %add3A_283] : memref<128x64xf32, #tpu.memory_space<vmem>>[vector<16xi32>, vector<16xi32>], vector<16xf32>,
        %mul3A_296 = arith.mulf %gather3A_289, %gather3A_295 : vector<16xf32>
        %add3A_297 = arith.addf %add3A_257, %mul3A_296 : vector<16xf32>
        %add3A_298 = arith.constant 3 : i32
        %add3A_299 = arith.addi %mul3A_238, %add3A_298 : i32
        %broadcast_in_dim3A_300 = arith.constant 0 : i32
        %broadcast_in_dim3A_301 = vector.broadcast %broadcast_in_dim3A_300 : i32 to vector<16xi32>
        %add3A_302 = vector.broadcast %add3A_299 : i32 to vector<16xi32>
        %add3A_303 = arith.addi %add3A_302, %broadcast_in_dim3A_301 : vector<16xi32>
        %gather3A_304 = arith.constant 0 : i32
        %gather3A_305 = arith.constant 0 : i32
        %gather3A_306 = arith.constant 0 : i32
        %gather3A_307 = tpu.memref_slice %arg9[%gather3A_304, %gather3A_305, %gather3A_306] : memref<2x128x64xf32, #tpu.memory_space<vmem>> -> memref<1x128x64xf32, #tpu.memory_space<vmem>>
        %gather3A_308 = tpu.memref_squeeze %gather3A_307 : memref<1x128x64xf32, #tpu.memory_space<vmem>> -> memref<128x64xf32, #tpu.memory_space<vmem>>
        %gather3A_309 = tpu.vector_load_idx %gather3A_308[%add3A_220, %add3A_303] : memref<128x64xf32, #tpu.memory_space<vmem>>[vector<16xi32>, vector<16xi32>], vector<16xf32>,
        %gather3A_310 = arith.constant 0 : i32
        %gather3A_311 = arith.constant 0 : i32
        %gather3A_312 = arith.constant 0 : i32
        %gather3A_313 = tpu.memref_slice %arg10[%gather3A_310, %gather3A_311, %gather3A_312] : memref<2x128x64xf32, #tpu.memory_space<vmem>> -> memref<1x128x64xf32, #tpu.memory_space<vmem>>
        %gather3A_314 = tpu.memref_squeeze %gather3A_313 : memref<1x128x64xf32, #tpu.memory_space<vmem>> -> memref<128x64xf32, #tpu.memory_space<vmem>>
        %gather3A_315 = tpu.vector_load_idx %gather3A_314[%add3A_220, %add3A_303] : memref<128x64xf32, #tpu.memory_space<vmem>>[vector<16xi32>, vector<16xi32>], vector<16xf32>,
        %mul3A_316 = arith.mulf %gather3A_309, %gather3A_315 : vector<16xf32>
        %add3A_317 = arith.addf %add3A_277, %mul3A_316 : vector<16xf32>
        %add3A_318 = arith.constant 4 : i32
        %add3A_319 = arith.addi %mul3A_238, %add3A_318 : i32
        %broadcast_in_dim3A_320 = arith.constant 0 : i32
        %broadcast_in_dim3A_321 = vector.broadcast %broadcast_in_dim3A_320 : i32 to vector<16xi32>
        %add3A_322 = vector.broadcast %add3A_319 : i32 to vector<16xi32>
        %add3A_323 = arith.addi %add3A_322, %broadcast_in_dim3A_321 : vector<16xi32>
        %gather3A_324 = arith.constant 0 : i32
        %gather3A_325 = arith.constant 0 : i32
        %gather3A_326 = arith.constant 0 : i32
        %gather3A_327 = tpu.memref_slice %arg9[%gather3A_324, %gather3A_325, %gather3A_326] : memref<2x128x64xf32, #tpu.memory_space<vmem>> -> memref<1x128x64xf32, #tpu.memory_space<vmem>>
        %gather3A_328 = tpu.memref_squeeze %gather3A_327 : memref<1x128x64xf32, #tpu.memory_space<vmem>> -> memref<128x64xf32, #tpu.memory_space<vmem>>
        %gather3A_329 = tpu.vector_load_idx %gather3A_328[%add3A_220, %add3A_323] : memref<128x64xf32, #tpu.memory_space<vmem>>[vector<16xi32>, vector<16xi32>], vector<16xf32>,
        %gather3A_330 = arith.constant 0 : i32
        %gather3A_331 = arith.constant 0 : i32
        %gather3A_332 = arith.constant 0 : i32
        %gather3A_333 = tpu.memref_slice %arg10[%gather3A_330, %gather3A_331, %gather3A_332] : memref<2x128x64xf32, #tpu.memory_space<vmem>> -> memref<1x128x64xf32, #tpu.memory_space<vmem>>
        %gather3A_334 = tpu.memref_squeeze %gather3A_333 : memref<1x128x64xf32, #tpu.memory_space<vmem>> -> memref<128x64xf32, #tpu.memory_space<vmem>>
        %gather3A_335 = tpu.vector_load_idx %gather3A_334[%add3A_220, %add3A_323] : memref<128x64xf32, #tpu.memory_space<vmem>>[vector<16xi32>, vector<16xi32>], vector<16xf32>,
        %mul3A_336 = arith.mulf %gather3A_329, %gather3A_335 : vector<16xf32>
        %add3A_337 = arith.addf %add3A_297, %mul3A_336 : vector<16xf32>
        %add3A_338 = arith.constant 5 : i32
        %add3A_339 = arith.addi %mul3A_238, %add3A_338 : i32
        %broadcast_in_dim3A_340 = arith.constant 0 : i32
        %broadcast_in_dim3A_341 = vector.broadcast %broadcast_in_dim3A_340 : i32 to vector<16xi32>
        %add3A_342 = vector.broadcast %add3A_339 : i32 to vector<16xi32>
        %add3A_343 = arith.addi %add3A_342, %broadcast_in_dim3A_341 : vector<16xi32>
        %gather3A_344 = arith.constant 0 : i32
        %gather3A_345 = arith.constant 0 : i32
        %gather3A_346 = arith.constant 0 : i32
        %gather3A_347 = tpu.memref_slice %arg9[%gather3A_344, %gather3A_345, %gather3A_346] : memref<2x128x64xf32, #tpu.memory_space<vmem>> -> memref<1x128x64xf32, #tpu.memory_space<vmem>>
        %gather3A_348 = tpu.memref_squeeze %gather3A_347 : memref<1x128x64xf32, #tpu.memory_space<vmem>> -> memref<128x64xf32, #tpu.memory_space<vmem>>
        %gather3A_349 = tpu.vector_load_idx %gather3A_348[%add3A_220, %add3A_343] : memref<128x64xf32, #tpu.memory_space<vmem>>[vector<16xi32>, vector<16xi32>], vector<16xf32>,
        %gather3A_350 = arith.constant 0 : i32
        %gather3A_351 = arith.constant 0 : i32
        %gather3A_352 = arith.constant 0 : i32
        %gather3A_353 = tpu.memref_slice %arg10[%gather3A_350, %gather3A_351, %gather3A_352] : memref<2x128x64xf32, #tpu.memory_space<vmem>> -> memref<1x128x64xf32, #tpu.memory_space<vmem>>
        %gather3A_354 = tpu.memref_squeeze %gather3A_353 : memref<1x128x64xf32, #tpu.memory_space<vmem>> -> memref<128x64xf32, #tpu.memory_space<vmem>>
        %gather3A_355 = tpu.vector_load_idx %gather3A_354[%add3A_220, %add3A_343] : memref<128x64xf32, #tpu.memory_space<vmem>>[vector<16xi32>, vector<16xi32>], vector<16xf32>,
        %mul3A_356 = arith.mulf %gather3A_349, %gather3A_355 : vector<16xf32>
        %add3A_357 = arith.addf %add3A_317, %mul3A_356 : vector<16xf32>
        %add3A_358 = arith.constant 6 : i32
        %add3A_359 = arith.addi %mul3A_238, %add3A_358 : i32
        %broadcast_in_dim3A_360 = arith.constant 0 : i32
        %broadcast_in_dim3A_361 = vector.broadcast %broadcast_in_dim3A_360 : i32 to vector<16xi32>
        %add3A_362 = vector.broadcast %add3A_359 : i32 to vector<16xi32>
        %add3A_363 = arith.addi %add3A_362, %broadcast_in_dim3A_361 : vector<16xi32>
        %gather3A_364 = arith.constant 0 : i32
        %gather3A_365 = arith.constant 0 : i32
        %gather3A_366 = arith.constant 0 : i32
        %gather3A_367 = tpu.memref_slice %arg9[%gather3A_364, %gather3A_365, %gather3A_366] : memref<2x128x64xf32, #tpu.memory_space<vmem>> -> memref<1x128x64xf32, #tpu.memory_space<vmem>>
        %gather3A_368 = tpu.memref_squeeze %gather3A_367 : memref<1x128x64xf32, #tpu.memory_space<vmem>> -> memref<128x64xf32, #tpu.memory_space<vmem>>
        %gather3A_369 = tpu.vector_load_idx %gather3A_368[%add3A_220, %add3A_363] : memref<128x64xf32, #tpu.memory_space<vmem>>[vector<16xi32>, vector<16xi32>], vector<16xf32>,
        %gather3A_370 = arith.constant 0 : i32
        %gather3A_371 = arith.constant 0 : i32
        %gather3A_372 = arith.constant 0 : i32
        %gather3A_373 = tpu.memref_slice %arg10[%gather3A_370, %gather3A_371, %gather3A_372] : memref<2x128x64xf32, #tpu.memory_space<vmem>> -> memref<1x128x64xf32, #tpu.memory_space<vmem>>
        %gather3A_374 = tpu.memref_squeeze %gather3A_373 : memref<1x128x64xf32, #tpu.memory_space<vmem>> -> memref<128x64xf32, #tpu.memory_space<vmem>>
        %gather3A_375 = tpu.vector_load_idx %gather3A_374[%add3A_220, %add3A_363] : memref<128x64xf32, #tpu.memory_space<vmem>>[vector<16xi32>, vector<16xi32>], vector<16xf32>,
        %mul3A_376 = arith.mulf %gather3A_369, %gather3A_375 : vector<16xf32>
        %add3A_377 = arith.addf %add3A_337, %mul3A_376 : vector<16xf32>
        %add3A_378 = arith.constant 7 : i32
        %add3A_379 = arith.addi %mul3A_238, %add3A_378 : i32
        %broadcast_in_dim3A_380 = arith.constant 0 : i32
        %broadcast_in_dim3A_381 = vector.broadcast %broadcast_in_dim3A_380 : i32 to vector<16xi32>
        %add3A_382 = vector.broadcast %add3A_379 : i32 to vector<16xi32>
        %add3A_383 = arith.addi %add3A_382, %broadcast_in_dim3A_381 : vector<16xi32>
        %gather3A_384 = arith.constant 0 : i32
        %gather3A_385 = arith.constant 0 : i32
        %gather3A_386 = arith.constant 0 : i32
        %gather3A_387 = tpu.memref_slice %arg9[%gather3A_384, %gather3A_385, %gather3A_386] : memref<2x128x64xf32, #tpu.memory_space<vmem>> -> memref<1x128x64xf32, #tpu.memory_space<vmem>>
        %gather3A_388 = tpu.memref_squeeze %gather3A_387 : memref<1x128x64xf32, #tpu.memory_space<vmem>> -> memref<128x64xf32, #tpu.memory_space<vmem>>
        %gather3A_389 = tpu.vector_load_idx %gather3A_388[%add3A_220, %add3A_383] : memref<128x64xf32, #tpu.memory_space<vmem>>[vector<16xi32>, vector<16xi32>], vector<16xf32>,
        %gather3A_390 = arith.constant 0 : i32
        %gather3A_391 = arith.constant 0 : i32
        %gather3A_392 = arith.constant 0 : i32
        %gather3A_393 = tpu.memref_slice %arg10[%gather3A_390, %gather3A_391, %gather3A_392] : memref<2x128x64xf32, #tpu.memory_space<vmem>> -> memref<1x128x64xf32, #tpu.memory_space<vmem>>
        %gather3A_394 = tpu.memref_squeeze %gather3A_393 : memref<1x128x64xf32, #tpu.memory_space<vmem>> -> memref<128x64xf32, #tpu.memory_space<vmem>>
        %gather3A_395 = tpu.vector_load_idx %gather3A_394[%add3A_220, %add3A_383] : memref<128x64xf32, #tpu.memory_space<vmem>>[vector<16xi32>, vector<16xi32>], vector<16xf32>,
        %mul3A_396 = arith.mulf %gather3A_389, %gather3A_395 : vector<16xf32>
        %add3A_397 = arith.addf %add3A_357, %mul3A_396 : vector<16xf32>
        %add3A_398 = arith.constant 8 : i32
        %add3A_399 = arith.addi %mul3A_238, %add3A_398 : i32
        %broadcast_in_dim3A_400 = arith.constant 0 : i32
        %broadcast_in_dim3A_401 = vector.broadcast %broadcast_in_dim3A_400 : i32 to vector<16xi32>
        %add3A_402 = vector.broadcast %add3A_399 : i32 to vector<16xi32>
        %add3A_403 = arith.addi %add3A_402, %broadcast_in_dim3A_401 : vector<16xi32>
        %gather3A_404 = arith.constant 0 : i32
        %gather3A_405 = arith.constant 0 : i32
        %gather3A_406 = arith.constant 0 : i32
        %gather3A_407 = tpu.memref_slice %arg9[%gather3A_404, %gather3A_405, %gather3A_406] : memref<2x128x64xf32, #tpu.memory_space<vmem>> -> memref<1x128x64xf32, #tpu.memory_space<vmem>>
        %gather3A_408 = tpu.memref_squeeze %gather3A_407 : memref<1x128x64xf32, #tpu.memory_space<vmem>> -> memref<128x64xf32, #tpu.memory_space<vmem>>
        %gather3A_409 = tpu.vector_load_idx %gather3A_408[%add3A_220, %add3A_403] : memref<128x64xf32, #tpu.memory_space<vmem>>[vector<16xi32>, vector<16xi32>], vector<16xf32>,
        %gather3A_410 = arith.constant 0 : i32
        %gather3A_411 = arith.constant 0 : i32
        %gather3A_412 = arith.constant 0 : i32
        %gather3A_413 = tpu.memref_slice %arg10[%gather3A_410, %gather3A_411, %gather3A_412] : memref<2x128x64xf32, #tpu.memory_space<vmem>> -> memref<1x128x64xf32, #tpu.memory_space<vmem>>
        %gather3A_414 = tpu.memref_squeeze %gather3A_413 : memref<1x128x64xf32, #tpu.memory_space<vmem>> -> memref<128x64xf32, #tpu.memory_space<vmem>>
        %gather3A_415 = tpu.vector_load_idx %gather3A_414[%add3A_220, %add3A_403] : memref<128x64xf32, #tpu.memory_space<vmem>>[vector<16xi32>, vector<16xi32>], vector<16xf32>,
        %mul3A_416 = arith.mulf %gather3A_409, %gather3A_415 : vector<16xf32>
        %add3A_417 = arith.addf %add3A_377, %mul3A_416 : vector<16xf32>
        %add3A_418 = arith.constant 9 : i32
        %add3A_419 = arith.addi %mul3A_238, %add3A_418 : i32
        %broadcast_in_dim3A_420 = arith.constant 0 : i32
        %broadcast_in_dim3A_421 = vector.broadcast %broadcast_in_dim3A_420 : i32 to vector<16xi32>
        %add3A_422 = vector.broadcast %add3A_419 : i32 to vector<16xi32>
        %add3A_423 = arith.addi %add3A_422, %broadcast_in_dim3A_421 : vector<16xi32>
        %gather3A_424 = arith.constant 0 : i32
        %gather3A_425 = arith.constant 0 : i32
        %gather3A_426 = arith.constant 0 : i32
        %gather3A_427 = tpu.memref_slice %arg9[%gather3A_424, %gather3A_425, %gather3A_426] : memref<2x128x64xf32, #tpu.memory_space<vmem>> -> memref<1x128x64xf32, #tpu.memory_space<vmem>>
        %gather3A_428 = tpu.memref_squeeze %gather3A_427 : memref<1x128x64xf32, #tpu.memory_space<vmem>> -> memref<128x64xf32, #tpu.memory_space<vmem>>
        %gather3A_429 = tpu.vector_load_idx %gather3A_428[%add3A_220, %add3A_423] : memref<128x64xf32, #tpu.memory_space<vmem>>[vector<16xi32>, vector<16xi32>], vector<16xf32>,
        %gather3A_430 = arith.constant 0 : i32
        %gather3A_431 = arith.constant 0 : i32
        %gather3A_432 = arith.constant 0 : i32
        %gather3A_433 = tpu.memref_slice %arg10[%gather3A_430, %gather3A_431, %gather3A_432] : memref<2x128x64xf32, #tpu.memory_space<vmem>> -> memref<1x128x64xf32, #tpu.memory_space<vmem>>
        %gather3A_434 = tpu.memref_squeeze %gather3A_433 : memref<1x128x64xf32, #tpu.memory_space<vmem>> -> memref<128x64xf32, #tpu.memory_space<vmem>>
        %gather3A_435 = tpu.vector_load_idx %gather3A_434[%add3A_220, %add3A_423] : memref<128x64xf32, #tpu.memory_space<vmem>>[vector<16xi32>, vector<16xi32>], vector<16xf32>,
        %mul3A_436 = arith.mulf %gather3A_429, %gather3A_435 : vector<16xf32>
        %add3A_437 = arith.addf %add3A_397, %mul3A_436 : vector<16xf32>
        %add3A_438 = arith.constant 10 : i32
        %add3A_439 = arith.addi %mul3A_238, %add3A_438 : i32
        %broadcast_in_dim3A_440 = arith.constant 0 : i32
        %broadcast_in_dim3A_441 = vector.broadcast %broadcast_in_dim3A_440 : i32 to vector<16xi32>
        %add3A_442 = vector.broadcast %add3A_439 : i32 to vector<16xi32>
        %add3A_443 = arith.addi %add3A_442, %broadcast_in_dim3A_441 : vector<16xi32>
        %gather3A_444 = arith.constant 0 : i32
        %gather3A_445 = arith.constant 0 : i32
        %gather3A_446 = arith.constant 0 : i32
        %gather3A_447 = tpu.memref_slice %arg9[%gather3A_444, %gather3A_445, %gather3A_446] : memref<2x128x64xf32, #tpu.memory_space<vmem>> -> memref<1x128x64xf32, #tpu.memory_space<vmem>>
        %gather3A_448 = tpu.memref_squeeze %gather3A_447 : memref<1x128x64xf32, #tpu.memory_space<vmem>> -> memref<128x64xf32, #tpu.memory_space<vmem>>
        %gather3A_449 = tpu.vector_load_idx %gather3A_448[%add3A_220, %add3A_443] : memref<128x64xf32, #tpu.memory_space<vmem>>[vector<16xi32>, vector<16xi32>], vector<16xf32>,
        %gather3A_450 = arith.constant 0 : i32
        %gather3A_451 = arith.constant 0 : i32
        %gather3A_452 = arith.constant 0 : i32
        %gather3A_453 = tpu.memref_slice %arg10[%gather3A_450, %gather3A_451, %gather3A_452] : memref<2x128x64xf32, #tpu.memory_space<vmem>> -> memref<1x128x64xf32, #tpu.memory_space<vmem>>
        %gather3A_454 = tpu.memref_squeeze %gather3A_453 : memref<1x128x64xf32, #tpu.memory_space<vmem>> -> memref<128x64xf32, #tpu.memory_space<vmem>>
        %gather3A_455 = tpu.vector_load_idx %gather3A_454[%add3A_220, %add3A_443] : memref<128x64xf32, #tpu.memory_space<vmem>>[vector<16xi32>, vector<16xi32>], vector<16xf32>,
        %mul3A_456 = arith.mulf %gather3A_449, %gather3A_455 : vector<16xf32>
        %add3A_457 = arith.addf %add3A_417, %mul3A_456 : vector<16xf32>
        %add3A_458 = arith.constant 11 : i32
        %add3A_459 = arith.addi %mul3A_238, %add3A_458 : i32
        %broadcast_in_dim3A_460 = arith.constant 0 : i32
        %broadcast_in_dim3A_461 = vector.broadcast %broadcast_in_dim3A_460 : i32 to vector<16xi32>
        %add3A_462 = vector.broadcast %add3A_459 : i32 to vector<16xi32>
        %add3A_463 = arith.addi %add3A_462, %broadcast_in_dim3A_461 : vector<16xi32>
        %gather3A_464 = arith.constant 0 : i32
        %gather3A_465 = arith.constant 0 : i32
        %gather3A_466 = arith.constant 0 : i32
        %gather3A_467 = tpu.memref_slice %arg9[%gather3A_464, %gather3A_465, %gather3A_466] : memref<2x128x64xf32, #tpu.memory_space<vmem>> -> memref<1x128x64xf32, #tpu.memory_space<vmem>>
        %gather3A_468 = tpu.memref_squeeze %gather3A_467 : memref<1x128x64xf32, #tpu.memory_space<vmem>> -> memref<128x64xf32, #tpu.memory_space<vmem>>
        %gather3A_469 = tpu.vector_load_idx %gather3A_468[%add3A_220, %add3A_463] : memref<128x64xf32, #tpu.memory_space<vmem>>[vector<16xi32>, vector<16xi32>], vector<16xf32>,
        %gather3A_470 = arith.constant 0 : i32
        %gather3A_471 = arith.constant 0 : i32
        %gather3A_472 = arith.constant 0 : i32
        %gather3A_473 = tpu.memref_slice %arg10[%gather3A_470, %gather3A_471, %gather3A_472] : memref<2x128x64xf32, #tpu.memory_space<vmem>> -> memref<1x128x64xf32, #tpu.memory_space<vmem>>
        %gather3A_474 = tpu.memref_squeeze %gather3A_473 : memref<1x128x64xf32, #tpu.memory_space<vmem>> -> memref<128x64xf32, #tpu.memory_space<vmem>>
        %gather3A_475 = tpu.vector_load_idx %gather3A_474[%add3A_220, %add3A_463] : memref<128x64xf32, #tpu.memory_space<vmem>>[vector<16xi32>, vector<16xi32>], vector<16xf32>,
        %mul3A_476 = arith.mulf %gather3A_469, %gather3A_475 : vector<16xf32>
        %add3A_477 = arith.addf %add3A_437, %mul3A_476 : vector<16xf32>
        %add3A_478 = arith.constant 12 : i32
        %add3A_479 = arith.addi %mul3A_238, %add3A_478 : i32
        %broadcast_in_dim3A_480 = arith.constant 0 : i32
        %broadcast_in_dim3A_481 = vector.broadcast %broadcast_in_dim3A_480 : i32 to vector<16xi32>
        %add3A_482 = vector.broadcast %add3A_479 : i32 to vector<16xi32>
        %add3A_483 = arith.addi %add3A_482, %broadcast_in_dim3A_481 : vector<16xi32>
        %gather3A_484 = arith.constant 0 : i32
        %gather3A_485 = arith.constant 0 : i32
        %gather3A_486 = arith.constant 0 : i32
        %gather3A_487 = tpu.memref_slice %arg9[%gather3A_484, %gather3A_485, %gather3A_486] : memref<2x128x64xf32, #tpu.memory_space<vmem>> -> memref<1x128x64xf32, #tpu.memory_space<vmem>>
        %gather3A_488 = tpu.memref_squeeze %gather3A_487 : memref<1x128x64xf32, #tpu.memory_space<vmem>> -> memref<128x64xf32, #tpu.memory_space<vmem>>
        %gather3A_489 = tpu.vector_load_idx %gather3A_488[%add3A_220, %add3A_483] : memref<128x64xf32, #tpu.memory_space<vmem>>[vector<16xi32>, vector<16xi32>], vector<16xf32>,
        %gather3A_490 = arith.constant 0 : i32
        %gather3A_491 = arith.constant 0 : i32
        %gather3A_492 = arith.constant 0 : i32
        %gather3A_493 = tpu.memref_slice %arg10[%gather3A_490, %gather3A_491, %gather3A_492] : memref<2x128x64xf32, #tpu.memory_space<vmem>> -> memref<1x128x64xf32, #tpu.memory_space<vmem>>
        %gather3A_494 = tpu.memref_squeeze %gather3A_493 : memref<1x128x64xf32, #tpu.memory_space<vmem>> -> memref<128x64xf32, #tpu.memory_space<vmem>>
        %gather3A_495 = tpu.vector_load_idx %gather3A_494[%add3A_220, %add3A_483] : memref<128x64xf32, #tpu.memory_space<vmem>>[vector<16xi32>, vector<16xi32>], vector<16xf32>,
        %mul3A_496 = arith.mulf %gather3A_489, %gather3A_495 : vector<16xf32>
        %add3A_497 = arith.addf %add3A_457, %mul3A_496 : vector<16xf32>
        %add3A_498 = arith.constant 13 : i32
        %add3A_499 = arith.addi %mul3A_238, %add3A_498 : i32
        %broadcast_in_dim3A_500 = arith.constant 0 : i32
        %broadcast_in_dim3A_501 = vector.broadcast %broadcast_in_dim3A_500 : i32 to vector<16xi32>
        %add3A_502 = vector.broadcast %add3A_499 : i32 to vector<16xi32>
        %add3A_503 = arith.addi %add3A_502, %broadcast_in_dim3A_501 : vector<16xi32>
        %gather3A_504 = arith.constant 0 : i32
        %gather3A_505 = arith.constant 0 : i32
        %gather3A_506 = arith.constant 0 : i32
        %gather3A_507 = tpu.memref_slice %arg9[%gather3A_504, %gather3A_505, %gather3A_506] : memref<2x128x64xf32, #tpu.memory_space<vmem>> -> memref<1x128x64xf32, #tpu.memory_space<vmem>>
        %gather3A_508 = tpu.memref_squeeze %gather3A_507 : memref<1x128x64xf32, #tpu.memory_space<vmem>> -> memref<128x64xf32, #tpu.memory_space<vmem>>
        %gather3A_509 = tpu.vector_load_idx %gather3A_508[%add3A_220, %add3A_503] : memref<128x64xf32, #tpu.memory_space<vmem>>[vector<16xi32>, vector<16xi32>], vector<16xf32>,
        %gather3A_510 = arith.constant 0 : i32
        %gather3A_511 = arith.constant 0 : i32
        %gather3A_512 = arith.constant 0 : i32
        %gather3A_513 = tpu.memref_slice %arg10[%gather3A_510, %gather3A_511, %gather3A_512] : memref<2x128x64xf32, #tpu.memory_space<vmem>> -> memref<1x128x64xf32, #tpu.memory_space<vmem>>
        %gather3A_514 = tpu.memref_squeeze %gather3A_513 : memref<1x128x64xf32, #tpu.memory_space<vmem>> -> memref<128x64xf32, #tpu.memory_space<vmem>>
        %gather3A_515 = tpu.vector_load_idx %gather3A_514[%add3A_220, %add3A_503] : memref<128x64xf32, #tpu.memory_space<vmem>>[vector<16xi32>, vector<16xi32>], vector<16xf32>,
        %mul3A_516 = arith.mulf %gather3A_509, %gather3A_515 : vector<16xf32>
        %add3A_517 = arith.addf %add3A_477, %mul3A_516 : vector<16xf32>
        %add3A_518 = arith.constant 14 : i32
        %add3A_519 = arith.addi %mul3A_238, %add3A_518 : i32
        %broadcast_in_dim3A_520 = arith.constant 0 : i32
        %broadcast_in_dim3A_521 = vector.broadcast %broadcast_in_dim3A_520 : i32 to vector<16xi32>
        %add3A_522 = vector.broadcast %add3A_519 : i32 to vector<16xi32>
        %add3A_523 = arith.addi %add3A_522, %broadcast_in_dim3A_521 : vector<16xi32>
        %gather3A_524 = arith.constant 0 : i32
        %gather3A_525 = arith.constant 0 : i32
        %gather3A_526 = arith.constant 0 : i32
        %gather3A_527 = tpu.memref_slice %arg9[%gather3A_524, %gather3A_525, %gather3A_526] : memref<2x128x64xf32, #tpu.memory_space<vmem>> -> memref<1x128x64xf32, #tpu.memory_space<vmem>>
        %gather3A_528 = tpu.memref_squeeze %gather3A_527 : memref<1x128x64xf32, #tpu.memory_space<vmem>> -> memref<128x64xf32, #tpu.memory_space<vmem>>
        %gather3A_529 = tpu.vector_load_idx %gather3A_528[%add3A_220, %add3A_523] : memref<128x64xf32, #tpu.memory_space<vmem>>[vector<16xi32>, vector<16xi32>], vector<16xf32>,
        %gather3A_530 = arith.constant 0 : i32
        %gather3A_531 = arith.constant 0 : i32
        %gather3A_532 = arith.constant 0 : i32
        %gather3A_533 = tpu.memref_slice %arg10[%gather3A_530, %gather3A_531, %gather3A_532] : memref<2x128x64xf32, #tpu.memory_space<vmem>> -> memref<1x128x64xf32, #tpu.memory_space<vmem>>
        %gather3A_534 = tpu.memref_squeeze %gather3A_533 : memref<1x128x64xf32, #tpu.memory_space<vmem>> -> memref<128x64xf32, #tpu.memory_space<vmem>>
        %gather3A_535 = tpu.vector_load_idx %gather3A_534[%add3A_220, %add3A_523] : memref<128x64xf32, #tpu.memory_space<vmem>>[vector<16xi32>, vector<16xi32>], vector<16xf32>,
        %mul3A_536 = arith.mulf %gather3A_529, %gather3A_535 : vector<16xf32>
        %add3A_537 = arith.addf %add3A_497, %mul3A_536 : vector<16xf32>
        %add3A_538 = arith.constant 15 : i32
        %add3A_539 = arith.addi %mul3A_238, %add3A_538 : i32
        %broadcast_in_dim3A_540 = arith.constant 0 : i32
        %broadcast_in_dim3A_541 = vector.broadcast %broadcast_in_dim3A_540 : i32 to vector<16xi32>
        %add3A_542 = vector.broadcast %add3A_539 : i32 to vector<16xi32>
        %add3A_543 = arith.addi %add3A_542, %broadcast_in_dim3A_541 : vector<16xi32>
        %gather3A_544 = arith.constant 0 : i32
        %gather3A_545 = arith.constant 0 : i32
        %gather3A_546 = arith.constant 0 : i32
        %gather3A_547 = tpu.memref_slice %arg9[%gather3A_544, %gather3A_545, %gather3A_546] : memref<2x128x64xf32, #tpu.memory_space<vmem>> -> memref<1x128x64xf32, #tpu.memory_space<vmem>>
        %gather3A_548 = tpu.memref_squeeze %gather3A_547 : memref<1x128x64xf32, #tpu.memory_space<vmem>> -> memref<128x64xf32, #tpu.memory_space<vmem>>
        %gather3A_549 = tpu.vector_load_idx %gather3A_548[%add3A_220, %add3A_543] : memref<128x64xf32, #tpu.memory_space<vmem>>[vector<16xi32>, vector<16xi32>], vector<16xf32>,
        %gather3A_550 = arith.constant 0 : i32
        %gather3A_551 = arith.constant 0 : i32
        %gather3A_552 = arith.constant 0 : i32
        %gather3A_553 = tpu.memref_slice %arg10[%gather3A_550, %gather3A_551, %gather3A_552] : memref<2x128x64xf32, #tpu.memory_space<vmem>> -> memref<1x128x64xf32, #tpu.memory_space<vmem>>
        %gather3A_554 = tpu.memref_squeeze %gather3A_553 : memref<1x128x64xf32, #tpu.memory_space<vmem>> -> memref<128x64xf32, #tpu.memory_space<vmem>>
        %gather3A_555 = tpu.vector_load_idx %gather3A_554[%add3A_220, %add3A_543] : memref<128x64xf32, #tpu.memory_space<vmem>>[vector<16xi32>, vector<16xi32>], vector<16xf32>,
        %mul3A_556 = arith.mulf %gather3A_549, %gather3A_555 : vector<16xf32>
        %add3A_557 = arith.addf %add3A_517, %mul3A_556 : vector<16xf32>
        scf.yield %add3A_537, %add3A_557 : vector<16xf32>, vector<16xf32>
      }
      %scan3A_227 = arith.constant 4 : i32
      %add3A_228 = arith.addf %scan3A_226#0, %scan3A_226#1 : vector<16xf32>
      %mul3A_229 = arith.constant 16 : i32
      %mul3A_230 = arith.muli %scan3A_216, %mul3A_229 : i32
      %add3A_231 = arith.constant 0 : i32
      %add3A_232 = arith.addi %add3A_231, %mul3A_230 : i32
      %swap3A = arith.index_cast %add3A_232 : i32 to index
      %swap3A_233 = tpu.vector_load %arg11[%swap3A] {strides = array<i32>} : memref<512xf32, #tpu.memory_space<vmem>>, vector<16xf32>,
      tpu.vector_store %arg11[%swap3A], %add3A_228 {strides = array<i32>} : memref<512xf32, #tpu.memory_space<vmem>>, vector<16xf32>,
    }
    %scan3A_77 = arith.constant 8 : i32
    %dma_start3A_78 = arith.constant 2 : i32
    %dma_start3A_79 = arith.constant 0 : i32
    %dma_start3A_80 = arith.constant 0 : i32
    %dma_start3A_81 = arith.constant 0 : i32
    %dma_start3A_82 = tpu.memref_slice %arg9[%dma_start3A_79, %dma_start3A_80, %dma_start3A_81] : memref<2x128x64xf32, #tpu.memory_space<vmem>> -> memref<1x128x64xf32, #tpu.memory_space<vmem>>
    %dma_start3A_83 = tpu.memref_squeeze %dma_start3A_82 : memref<1x128x64xf32, #tpu.memory_space<vmem>> -> memref<128x64xf32, #tpu.memory_space<vmem>>
    %dma_start3A_84 = arith.constant 0 : i32
    %dma_start3A_85 = tpu.memref_slice %arg7[%dma_start3A_78, %dma_start3A_84] : memref<4x128xi32, #tpu.memory_space<vmem>> -> memref<1x128xi32, #tpu.memory_space<vmem>>
    %dma_start3A_86 = tpu.memref_squeeze %dma_start3A_85 : memref<1x128xi32, #tpu.memory_space<vmem>> -> memref<128xi32, #tpu.memory_space<vmem>>
    %dma_start3A_87 = arith.constant 0 : i32
    %dma_start3A_88 = arith.constant 0 : i32
    %dma_start3A_89 = tpu.memref_slice %arg4[%dma_start3A_87, %dma_start3A_88] : memref<1000000x64xf32, #tpu.memory_space<hbm>> -> memref<1000000x64xf32, #tpu.memory_space<hbm>>
    tpu.enqueue_indirect_dma source(%dma_start3A_89 : memref<1000000x64xf32, #tpu.memory_space<hbm>>) target(%dma_start3A_83 : memref<128x64xf32, #tpu.memory_space<vmem>>) offsets(%dma_start3A_86 : memref<128xi32, #tpu.memory_space<vmem>>) semaphore(%arg12 : memref<!tpu.dma_semaphore, #tpu.memory_space<semaphore_mem>>)
    %dma_start3A_90 = arith.constant 2 : i32
    %dma_start3A_91 = arith.constant 0 : i32
    %dma_start3A_92 = arith.constant 0 : i32
    %dma_start3A_93 = arith.constant 0 : i32
    %dma_start3A_94 = tpu.memref_slice %arg10[%dma_start3A_91, %dma_start3A_92, %dma_start3A_93] : memref<2x128x64xf32, #tpu.memory_space<vmem>> -> memref<1x128x64xf32, #tpu.memory_space<vmem>>
    %dma_start3A_95 = tpu.memref_squeeze %dma_start3A_94 : memref<1x128x64xf32, #tpu.memory_space<vmem>> -> memref<128x64xf32, #tpu.memory_space<vmem>>
    %dma_start3A_96 = arith.constant 0 : i32
    %dma_start3A_97 = tpu.memref_slice %arg8[%dma_start3A_90, %dma_start3A_96] : memref<4x128xi32, #tpu.memory_space<vmem>> -> memref<1x128xi32, #tpu.memory_space<vmem>>
    %dma_start3A_98 = tpu.memref_squeeze %dma_start3A_97 : memref<1x128xi32, #tpu.memory_space<vmem>> -> memref<128xi32, #tpu.memory_space<vmem>>
    %dma_start3A_99 = arith.constant 0 : i32
    %dma_start3A_100 = arith.constant 0 : i32
    %dma_start3A_101 = tpu.memref_slice %arg5[%dma_start3A_99, %dma_start3A_100] : memref<100000x64xf32, #tpu.memory_space<hbm>> -> memref<100000x64xf32, #tpu.memory_space<hbm>>
    tpu.enqueue_indirect_dma source(%dma_start3A_101 : memref<100000x64xf32, #tpu.memory_space<hbm>>) target(%dma_start3A_95 : memref<128x64xf32, #tpu.memory_space<vmem>>) offsets(%dma_start3A_98 : memref<128xi32, #tpu.memory_space<vmem>>) semaphore(%arg13 : memref<!tpu.dma_semaphore, #tpu.memory_space<semaphore_mem>>)
    %dma_wait3A_102 = arith.constant 1 : i32
    %dma_wait3A_103 = arith.constant 1 : i32
    %dma_wait3A_104 = arith.constant 0 : i32
    %dma_wait3A_105 = arith.constant 0 : i32
    %dma_wait3A_106 = tpu.memref_slice %arg9[%dma_wait3A_103, %dma_wait3A_104, %dma_wait3A_105] : memref<2x128x64xf32, #tpu.memory_space<vmem>> -> memref<1x128x64xf32, #tpu.memory_space<vmem>>
    %dma_wait3A_107 = tpu.memref_squeeze %dma_wait3A_106 : memref<1x128x64xf32, #tpu.memory_space<vmem>> -> memref<128x64xf32, #tpu.memory_space<vmem>>
    %dma_wait3A_108 = arith.constant 0 : i32
    %dma_wait3A_109 = tpu.memref_slice %arg7[%dma_wait3A_102, %dma_wait3A_108] : memref<4x128xi32, #tpu.memory_space<vmem>> -> memref<1x128xi32, #tpu.memory_space<vmem>>
    %dma_wait3A_110 = tpu.memref_squeeze %dma_wait3A_109 : memref<1x128xi32, #tpu.memory_space<vmem>> -> memref<128xi32, #tpu.memory_space<vmem>>
    %dma_wait3A_111 = arith.constant 0 : i32
    %dma_wait3A_112 = arith.constant 0 : i32
    %dma_wait3A_113 = tpu.memref_slice %arg4[%dma_wait3A_111, %dma_wait3A_112] : memref<1000000x64xf32, #tpu.memory_space<hbm>> -> memref<1000000x64xf32, #tpu.memory_space<hbm>>
    tpu.wait_indirect_dma semaphore(%arg12 : memref<!tpu.dma_semaphore, #tpu.memory_space<semaphore_mem>>) src(%dma_wait3A_113 : memref<1000000x64xf32, #tpu.memory_space<hbm>>) dst(%dma_wait3A_107 : memref<128x64xf32, #tpu.memory_space<vmem>>)
    %dma_wait3A_114 = arith.constant 1 : i32
    %dma_wait3A_115 = arith.constant 1 : i32
    %dma_wait3A_116 = arith.constant 0 : i32
    %dma_wait3A_117 = arith.constant 0 : i32
    %dma_wait3A_118 = tpu.memref_slice %arg10[%dma_wait3A_115, %dma_wait3A_116, %dma_wait3A_117] : memref<2x128x64xf32, #tpu.memory_space<vmem>> -> memref<1x128x64xf32, #tpu.memory_space<vmem>>
    %dma_wait3A_119 = tpu.memref_squeeze %dma_wait3A_118 : memref<1x128x64xf32, #tpu.memory_space<vmem>> -> memref<128x64xf32, #tpu.memory_space<vmem>>
    %dma_wait3A_120 = arith.constant 0 : i32
    %dma_wait3A_121 = tpu.memref_slice %arg8[%dma_wait3A_114, %dma_wait3A_120] : memref<4x128xi32, #tpu.memory_space<vmem>> -> memref<1x128xi32, #tpu.memory_space<vmem>>
    %dma_wait3A_122 = tpu.memref_squeeze %dma_wait3A_121 : memref<1x128xi32, #tpu.memory_space<vmem>> -> memref<128xi32, #tpu.memory_space<vmem>>
    %dma_wait3A_123 = arith.constant 0 : i32
    %dma_wait3A_124 = arith.constant 0 : i32
    %dma_wait3A_125 = tpu.memref_slice %arg5[%dma_wait3A_123, %dma_wait3A_124] : memref<100000x64xf32, #tpu.memory_space<hbm>> -> memref<100000x64xf32, #tpu.memory_space<hbm>>
    tpu.wait_indirect_dma semaphore(%arg13 : memref<!tpu.dma_semaphore, #tpu.memory_space<semaphore_mem>>) src(%dma_wait3A_125 : memref<100000x64xf32, #tpu.memory_space<hbm>>) dst(%dma_wait3A_119 : memref<128x64xf32, #tpu.memory_space<vmem>>)
    %scan3A_126 = arith.constant 0 : i32
    %scan3A_127 = arith.constant 0 : i32
    %scan3A_128 = arith.constant 8 : i32
    %scan3A_129 = arith.addi %scan3A_127, %scan3A_128 : i32
    %scan3A_130 = arith.constant 1 : i32
    scf.for %scan3A_216 = %scan3A_127 to %scan3A_129 step %scan3A_130  : i32 {
      %mul3A_217 = arith.constant 16 : i32
      %mul3A_218 = arith.muli %scan3A_216, %mul3A_217 : i32
      %add3A_219 = vector.broadcast %mul3A_218 : i32 to vector<16xi32>
      %add3A_220 = arith.addi %add3A_219, %iota3A : vector<16xi32>
      %broadcast_in_dim3A = arith.constant 0.000000e+00 : f32
      %broadcast_in_dim3A_221 = vector.broadcast %broadcast_in_dim3A : f32 to vector<16xf32>
      %scan3A_222 = arith.constant 0 : i32
      %scan3A_223 = arith.constant 4 : i32
      %scan3A_224 = arith.addi %scan3A_222, %scan3A_223 : i32
      %scan3A_225 = arith.constant 1 : i32
      %scan3A_226:2 = scf.for %scan3A_234 = %scan3A_222 to %scan3A_224 step %scan3A_225 iter_args(%scan3A_235 = %broadcast_in_dim3A_221, %scan3A_236 = %broadcast_in_dim3A_221) -> (vector<16xf32>, vector<16xf32>)  : i32 {
        %mul3A_237 = arith.constant 16 : i32
        %mul3A_238 = arith.muli %scan3A_234, %mul3A_237 : i32
        %add3A_239 = arith.constant 0 : i32
        %add3A_240 = arith.addi %mul3A_238, %add3A_239 : i32
        %broadcast_in_dim3A_241 = arith.constant 0 : i32
        %broadcast_in_dim3A_242 = vector.broadcast %broadcast_in_dim3A_241 : i32 to vector<16xi32>
        %add3A_243 = vector.broadcast %add3A_240 : i32 to vector<16xi32>
        %add3A_244 = arith.addi %add3A_243, %broadcast_in_dim3A_242 : vector<16xi32>
        %gather3A = arith.constant 1 : i32
        %gather3A_245 = arith.constant 0 : i32
        %gather3A_246 = arith.constant 0 : i32
        %gather3A_247 = tpu.memref_slice %arg9[%gather3A, %gather3A_245, %gather3A_246] : memref<2x128x64xf32, #tpu.memory_space<vmem>> -> memref<1x128x64xf32, #tpu.memory_space<vmem>>
        %gather3A_248 = tpu.memref_squeeze %gather3A_247 : memref<1x128x64xf32, #tpu.memory_space<vmem>> -> memref<128x64xf32, #tpu.memory_space<vmem>>
        %gather3A_249 = tpu.vector_load_idx %gather3A_248[%add3A_220, %add3A_244] : memref<128x64xf32, #tpu.memory_space<vmem>>[vector<16xi32>, vector<16xi32>], vector<16xf32>,
        %gather3A_250 = arith.constant 1 : i32
        %gather3A_251 = arith.constant 0 : i32
        %gather3A_252 = arith.constant 0 : i32
        %gather3A_253 = tpu.memref_slice %arg10[%gather3A_250, %gather3A_251, %gather3A_252] : memref<2x128x64xf32, #tpu.memory_space<vmem>> -> memref<1x128x64xf32, #tpu.memory_space<vmem>>
        %gather3A_254 = tpu.memref_squeeze %gather3A_253 : memref<1x128x64xf32, #tpu.memory_space<vmem>> -> memref<128x64xf32, #tpu.memory_space<vmem>>
        %gather3A_255 = tpu.vector_load_idx %gather3A_254[%add3A_220, %add3A_244] : memref<128x64xf32, #tpu.memory_space<vmem>>[vector<16xi32>, vector<16xi32>], vector<16xf32>,
        %mul3A_256 = arith.mulf %gather3A_249, %gather3A_255 : vector<16xf32>
        %add3A_257 = arith.addf %scan3A_235, %mul3A_256 : vector<16xf32>
        %add3A_258 = arith.constant 1 : i32
        %add3A_259 = arith.addi %mul3A_238, %add3A_258 : i32
        %broadcast_in_dim3A_260 = arith.constant 0 : i32
        %broadcast_in_dim3A_261 = vector.broadcast %broadcast_in_dim3A_260 : i32 to vector<16xi32>
        %add3A_262 = vector.broadcast %add3A_259 : i32 to vector<16xi32>
        %add3A_263 = arith.addi %add3A_262, %broadcast_in_dim3A_261 : vector<16xi32>
        %gather3A_264 = arith.constant 1 : i32
        %gather3A_265 = arith.constant 0 : i32
        %gather3A_266 = arith.constant 0 : i32
        %gather3A_267 = tpu.memref_slice %arg9[%gather3A_264, %gather3A_265, %gather3A_266] : memref<2x128x64xf32, #tpu.memory_space<vmem>> -> memref<1x128x64xf32, #tpu.memory_space<vmem>>
        %gather3A_268 = tpu.memref_squeeze %gather3A_267 : memref<1x128x64xf32, #tpu.memory_space<vmem>> -> memref<128x64xf32, #tpu.memory_space<vmem>>
        %gather3A_269 = tpu.vector_load_idx %gather3A_268[%add3A_220, %add3A_263] : memref<128x64xf32, #tpu.memory_space<vmem>>[vector<16xi32>, vector<16xi32>], vector<16xf32>,
        %gather3A_270 = arith.constant 1 : i32
        %gather3A_271 = arith.constant 0 : i32
        %gather3A_272 = arith.constant 0 : i32
        %gather3A_273 = tpu.memref_slice %arg10[%gather3A_270, %gather3A_271, %gather3A_272] : memref<2x128x64xf32, #tpu.memory_space<vmem>> -> memref<1x128x64xf32, #tpu.memory_space<vmem>>
        %gather3A_274 = tpu.memref_squeeze %gather3A_273 : memref<1x128x64xf32, #tpu.memory_space<vmem>> -> memref<128x64xf32, #tpu.memory_space<vmem>>
        %gather3A_275 = tpu.vector_load_idx %gather3A_274[%add3A_220, %add3A_263] : memref<128x64xf32, #tpu.memory_space<vmem>>[vector<16xi32>, vector<16xi32>], vector<16xf32>,
        %mul3A_276 = arith.mulf %gather3A_269, %gather3A_275 : vector<16xf32>
        %add3A_277 = arith.addf %scan3A_236, %mul3A_276 : vector<16xf32>
        %add3A_278 = arith.constant 2 : i32
        %add3A_279 = arith.addi %mul3A_238, %add3A_278 : i32
        %broadcast_in_dim3A_280 = arith.constant 0 : i32
        %broadcast_in_dim3A_281 = vector.broadcast %broadcast_in_dim3A_280 : i32 to vector<16xi32>
        %add3A_282 = vector.broadcast %add3A_279 : i32 to vector<16xi32>
        %add3A_283 = arith.addi %add3A_282, %broadcast_in_dim3A_281 : vector<16xi32>
        %gather3A_284 = arith.constant 1 : i32
        %gather3A_285 = arith.constant 0 : i32
        %gather3A_286 = arith.constant 0 : i32
        %gather3A_287 = tpu.memref_slice %arg9[%gather3A_284, %gather3A_285, %gather3A_286] : memref<2x128x64xf32, #tpu.memory_space<vmem>> -> memref<1x128x64xf32, #tpu.memory_space<vmem>>
        %gather3A_288 = tpu.memref_squeeze %gather3A_287 : memref<1x128x64xf32, #tpu.memory_space<vmem>> -> memref<128x64xf32, #tpu.memory_space<vmem>>
        %gather3A_289 = tpu.vector_load_idx %gather3A_288[%add3A_220, %add3A_283] : memref<128x64xf32, #tpu.memory_space<vmem>>[vector<16xi32>, vector<16xi32>], vector<16xf32>,
        %gather3A_290 = arith.constant 1 : i32
        %gather3A_291 = arith.constant 0 : i32
        %gather3A_292 = arith.constant 0 : i32
        %gather3A_293 = tpu.memref_slice %arg10[%gather3A_290, %gather3A_291, %gather3A_292] : memref<2x128x64xf32, #tpu.memory_space<vmem>> -> memref<1x128x64xf32, #tpu.memory_space<vmem>>
        %gather3A_294 = tpu.memref_squeeze %gather3A_293 : memref<1x128x64xf32, #tpu.memory_space<vmem>> -> memref<128x64xf32, #tpu.memory_space<vmem>>
        %gather3A_295 = tpu.vector_load_idx %gather3A_294[%add3A_220, %add3A_283] : memref<128x64xf32, #tpu.memory_space<vmem>>[vector<16xi32>, vector<16xi32>], vector<16xf32>,
        %mul3A_296 = arith.mulf %gather3A_289, %gather3A_295 : vector<16xf32>
        %add3A_297 = arith.addf %add3A_257, %mul3A_296 : vector<16xf32>
        %add3A_298 = arith.constant 3 : i32
        %add3A_299 = arith.addi %mul3A_238, %add3A_298 : i32
        %broadcast_in_dim3A_300 = arith.constant 0 : i32
        %broadcast_in_dim3A_301 = vector.broadcast %broadcast_in_dim3A_300 : i32 to vector<16xi32>
        %add3A_302 = vector.broadcast %add3A_299 : i32 to vector<16xi32>
        %add3A_303 = arith.addi %add3A_302, %broadcast_in_dim3A_301 : vector<16xi32>
        %gather3A_304 = arith.constant 1 : i32
        %gather3A_305 = arith.constant 0 : i32
        %gather3A_306 = arith.constant 0 : i32
        %gather3A_307 = tpu.memref_slice %arg9[%gather3A_304, %gather3A_305, %gather3A_306] : memref<2x128x64xf32, #tpu.memory_space<vmem>> -> memref<1x128x64xf32, #tpu.memory_space<vmem>>
        %gather3A_308 = tpu.memref_squeeze %gather3A_307 : memref<1x128x64xf32, #tpu.memory_space<vmem>> -> memref<128x64xf32, #tpu.memory_space<vmem>>
        %gather3A_309 = tpu.vector_load_idx %gather3A_308[%add3A_220, %add3A_303] : memref<128x64xf32, #tpu.memory_space<vmem>>[vector<16xi32>, vector<16xi32>], vector<16xf32>,
        %gather3A_310 = arith.constant 1 : i32
        %gather3A_311 = arith.constant 0 : i32
        %gather3A_312 = arith.constant 0 : i32
        %gather3A_313 = tpu.memref_slice %arg10[%gather3A_310, %gather3A_311, %gather3A_312] : memref<2x128x64xf32, #tpu.memory_space<vmem>> -> memref<1x128x64xf32, #tpu.memory_space<vmem>>
        %gather3A_314 = tpu.memref_squeeze %gather3A_313 : memref<1x128x64xf32, #tpu.memory_space<vmem>> -> memref<128x64xf32, #tpu.memory_space<vmem>>
        %gather3A_315 = tpu.vector_load_idx %gather3A_314[%add3A_220, %add3A_303] : memref<128x64xf32, #tpu.memory_space<vmem>>[vector<16xi32>, vector<16xi32>], vector<16xf32>,
        %mul3A_316 = arith.mulf %gather3A_309, %gather3A_315 : vector<16xf32>
        %add3A_317 = arith.addf %add3A_277, %mul3A_316 : vector<16xf32>
        %add3A_318 = arith.constant 4 : i32
        %add3A_319 = arith.addi %mul3A_238, %add3A_318 : i32
        %broadcast_in_dim3A_320 = arith.constant 0 : i32
        %broadcast_in_dim3A_321 = vector.broadcast %broadcast_in_dim3A_320 : i32 to vector<16xi32>
        %add3A_322 = vector.broadcast %add3A_319 : i32 to vector<16xi32>
        %add3A_323 = arith.addi %add3A_322, %broadcast_in_dim3A_321 : vector<16xi32>
        %gather3A_324 = arith.constant 1 : i32
        %gather3A_325 = arith.constant 0 : i32
        %gather3A_326 = arith.constant 0 : i32
        %gather3A_327 = tpu.memref_slice %arg9[%gather3A_324, %gather3A_325, %gather3A_326] : memref<2x128x64xf32, #tpu.memory_space<vmem>> -> memref<1x128x64xf32, #tpu.memory_space<vmem>>
        %gather3A_328 = tpu.memref_squeeze %gather3A_327 : memref<1x128x64xf32, #tpu.memory_space<vmem>> -> memref<128x64xf32, #tpu.memory_space<vmem>>
        %gather3A_329 = tpu.vector_load_idx %gather3A_328[%add3A_220, %add3A_323] : memref<128x64xf32, #tpu.memory_space<vmem>>[vector<16xi32>, vector<16xi32>], vector<16xf32>,
        %gather3A_330 = arith.constant 1 : i32
        %gather3A_331 = arith.constant 0 : i32
        %gather3A_332 = arith.constant 0 : i32
        %gather3A_333 = tpu.memref_slice %arg10[%gather3A_330, %gather3A_331, %gather3A_332] : memref<2x128x64xf32, #tpu.memory_space<vmem>> -> memref<1x128x64xf32, #tpu.memory_space<vmem>>
        %gather3A_334 = tpu.memref_squeeze %gather3A_333 : memref<1x128x64xf32, #tpu.memory_space<vmem>> -> memref<128x64xf32, #tpu.memory_space<vmem>>
        %gather3A_335 = tpu.vector_load_idx %gather3A_334[%add3A_220, %add3A_323] : memref<128x64xf32, #tpu.memory_space<vmem>>[vector<16xi32>, vector<16xi32>], vector<16xf32>,
        %mul3A_336 = arith.mulf %gather3A_329, %gather3A_335 : vector<16xf32>
        %add3A_337 = arith.addf %add3A_297, %mul3A_336 : vector<16xf32>
        %add3A_338 = arith.constant 5 : i32
        %add3A_339 = arith.addi %mul3A_238, %add3A_338 : i32
        %broadcast_in_dim3A_340 = arith.constant 0 : i32
        %broadcast_in_dim3A_341 = vector.broadcast %broadcast_in_dim3A_340 : i32 to vector<16xi32>
        %add3A_342 = vector.broadcast %add3A_339 : i32 to vector<16xi32>
        %add3A_343 = arith.addi %add3A_342, %broadcast_in_dim3A_341 : vector<16xi32>
        %gather3A_344 = arith.constant 1 : i32
        %gather3A_345 = arith.constant 0 : i32
        %gather3A_346 = arith.constant 0 : i32
        %gather3A_347 = tpu.memref_slice %arg9[%gather3A_344, %gather3A_345, %gather3A_346] : memref<2x128x64xf32, #tpu.memory_space<vmem>> -> memref<1x128x64xf32, #tpu.memory_space<vmem>>
        %gather3A_348 = tpu.memref_squeeze %gather3A_347 : memref<1x128x64xf32, #tpu.memory_space<vmem>> -> memref<128x64xf32, #tpu.memory_space<vmem>>
        %gather3A_349 = tpu.vector_load_idx %gather3A_348[%add3A_220, %add3A_343] : memref<128x64xf32, #tpu.memory_space<vmem>>[vector<16xi32>, vector<16xi32>], vector<16xf32>,
        %gather3A_350 = arith.constant 1 : i32
        %gather3A_351 = arith.constant 0 : i32
        %gather3A_352 = arith.constant 0 : i32
        %gather3A_353 = tpu.memref_slice %arg10[%gather3A_350, %gather3A_351, %gather3A_352] : memref<2x128x64xf32, #tpu.memory_space<vmem>> -> memref<1x128x64xf32, #tpu.memory_space<vmem>>
        %gather3A_354 = tpu.memref_squeeze %gather3A_353 : memref<1x128x64xf32, #tpu.memory_space<vmem>> -> memref<128x64xf32, #tpu.memory_space<vmem>>
        %gather3A_355 = tpu.vector_load_idx %gather3A_354[%add3A_220, %add3A_343] : memref<128x64xf32, #tpu.memory_space<vmem>>[vector<16xi32>, vector<16xi32>], vector<16xf32>,
        %mul3A_356 = arith.mulf %gather3A_349, %gather3A_355 : vector<16xf32>
        %add3A_357 = arith.addf %add3A_317, %mul3A_356 : vector<16xf32>
        %add3A_358 = arith.constant 6 : i32
        %add3A_359 = arith.addi %mul3A_238, %add3A_358 : i32
        %broadcast_in_dim3A_360 = arith.constant 0 : i32
        %broadcast_in_dim3A_361 = vector.broadcast %broadcast_in_dim3A_360 : i32 to vector<16xi32>
        %add3A_362 = vector.broadcast %add3A_359 : i32 to vector<16xi32>
        %add3A_363 = arith.addi %add3A_362, %broadcast_in_dim3A_361 : vector<16xi32>
        %gather3A_364 = arith.constant 1 : i32
        %gather3A_365 = arith.constant 0 : i32
        %gather3A_366 = arith.constant 0 : i32
        %gather3A_367 = tpu.memref_slice %arg9[%gather3A_364, %gather3A_365, %gather3A_366] : memref<2x128x64xf32, #tpu.memory_space<vmem>> -> memref<1x128x64xf32, #tpu.memory_space<vmem>>
        %gather3A_368 = tpu.memref_squeeze %gather3A_367 : memref<1x128x64xf32, #tpu.memory_space<vmem>> -> memref<128x64xf32, #tpu.memory_space<vmem>>
        %gather3A_369 = tpu.vector_load_idx %gather3A_368[%add3A_220, %add3A_363] : memref<128x64xf32, #tpu.memory_space<vmem>>[vector<16xi32>, vector<16xi32>], vector<16xf32>,
        %gather3A_370 = arith.constant 1 : i32
        %gather3A_371 = arith.constant 0 : i32
        %gather3A_372 = arith.constant 0 : i32
        %gather3A_373 = tpu.memref_slice %arg10[%gather3A_370, %gather3A_371, %gather3A_372] : memref<2x128x64xf32, #tpu.memory_space<vmem>> -> memref<1x128x64xf32, #tpu.memory_space<vmem>>
        %gather3A_374 = tpu.memref_squeeze %gather3A_373 : memref<1x128x64xf32, #tpu.memory_space<vmem>> -> memref<128x64xf32, #tpu.memory_space<vmem>>
        %gather3A_375 = tpu.vector_load_idx %gather3A_374[%add3A_220, %add3A_363] : memref<128x64xf32, #tpu.memory_space<vmem>>[vector<16xi32>, vector<16xi32>], vector<16xf32>,
        %mul3A_376 = arith.mulf %gather3A_369, %gather3A_375 : vector<16xf32>
        %add3A_377 = arith.addf %add3A_337, %mul3A_376 : vector<16xf32>
        %add3A_378 = arith.constant 7 : i32
        %add3A_379 = arith.addi %mul3A_238, %add3A_378 : i32
        %broadcast_in_dim3A_380 = arith.constant 0 : i32
        %broadcast_in_dim3A_381 = vector.broadcast %broadcast_in_dim3A_380 : i32 to vector<16xi32>
        %add3A_382 = vector.broadcast %add3A_379 : i32 to vector<16xi32>
        %add3A_383 = arith.addi %add3A_382, %broadcast_in_dim3A_381 : vector<16xi32>
        %gather3A_384 = arith.constant 1 : i32
        %gather3A_385 = arith.constant 0 : i32
        %gather3A_386 = arith.constant 0 : i32
        %gather3A_387 = tpu.memref_slice %arg9[%gather3A_384, %gather3A_385, %gather3A_386] : memref<2x128x64xf32, #tpu.memory_space<vmem>> -> memref<1x128x64xf32, #tpu.memory_space<vmem>>
        %gather3A_388 = tpu.memref_squeeze %gather3A_387 : memref<1x128x64xf32, #tpu.memory_space<vmem>> -> memref<128x64xf32, #tpu.memory_space<vmem>>
        %gather3A_389 = tpu.vector_load_idx %gather3A_388[%add3A_220, %add3A_383] : memref<128x64xf32, #tpu.memory_space<vmem>>[vector<16xi32>, vector<16xi32>], vector<16xf32>,
        %gather3A_390 = arith.constant 1 : i32
        %gather3A_391 = arith.constant 0 : i32
        %gather3A_392 = arith.constant 0 : i32
        %gather3A_393 = tpu.memref_slice %arg10[%gather3A_390, %gather3A_391, %gather3A_392] : memref<2x128x64xf32, #tpu.memory_space<vmem>> -> memref<1x128x64xf32, #tpu.memory_space<vmem>>
        %gather3A_394 = tpu.memref_squeeze %gather3A_393 : memref<1x128x64xf32, #tpu.memory_space<vmem>> -> memref<128x64xf32, #tpu.memory_space<vmem>>
        %gather3A_395 = tpu.vector_load_idx %gather3A_394[%add3A_220, %add3A_383] : memref<128x64xf32, #tpu.memory_space<vmem>>[vector<16xi32>, vector<16xi32>], vector<16xf32>,
        %mul3A_396 = arith.mulf %gather3A_389, %gather3A_395 : vector<16xf32>
        %add3A_397 = arith.addf %add3A_357, %mul3A_396 : vector<16xf32>
        %add3A_398 = arith.constant 8 : i32
        %add3A_399 = arith.addi %mul3A_238, %add3A_398 : i32
        %broadcast_in_dim3A_400 = arith.constant 0 : i32
        %broadcast_in_dim3A_401 = vector.broadcast %broadcast_in_dim3A_400 : i32 to vector<16xi32>
        %add3A_402 = vector.broadcast %add3A_399 : i32 to vector<16xi32>
        %add3A_403 = arith.addi %add3A_402, %broadcast_in_dim3A_401 : vector<16xi32>
        %gather3A_404 = arith.constant 1 : i32
        %gather3A_405 = arith.constant 0 : i32
        %gather3A_406 = arith.constant 0 : i32
        %gather3A_407 = tpu.memref_slice %arg9[%gather3A_404, %gather3A_405, %gather3A_406] : memref<2x128x64xf32, #tpu.memory_space<vmem>> -> memref<1x128x64xf32, #tpu.memory_space<vmem>>
        %gather3A_408 = tpu.memref_squeeze %gather3A_407 : memref<1x128x64xf32, #tpu.memory_space<vmem>> -> memref<128x64xf32, #tpu.memory_space<vmem>>
        %gather3A_409 = tpu.vector_load_idx %gather3A_408[%add3A_220, %add3A_403] : memref<128x64xf32, #tpu.memory_space<vmem>>[vector<16xi32>, vector<16xi32>], vector<16xf32>,
        %gather3A_410 = arith.constant 1 : i32
        %gather3A_411 = arith.constant 0 : i32
        %gather3A_412 = arith.constant 0 : i32
        %gather3A_413 = tpu.memref_slice %arg10[%gather3A_410, %gather3A_411, %gather3A_412] : memref<2x128x64xf32, #tpu.memory_space<vmem>> -> memref<1x128x64xf32, #tpu.memory_space<vmem>>
        %gather3A_414 = tpu.memref_squeeze %gather3A_413 : memref<1x128x64xf32, #tpu.memory_space<vmem>> -> memref<128x64xf32, #tpu.memory_space<vmem>>
        %gather3A_415 = tpu.vector_load_idx %gather3A_414[%add3A_220, %add3A_403] : memref<128x64xf32, #tpu.memory_space<vmem>>[vector<16xi32>, vector<16xi32>], vector<16xf32>,
        %mul3A_416 = arith.mulf %gather3A_409, %gather3A_415 : vector<16xf32>
        %add3A_417 = arith.addf %add3A_377, %mul3A_416 : vector<16xf32>
        %add3A_418 = arith.constant 9 : i32
        %add3A_419 = arith.addi %mul3A_238, %add3A_418 : i32
        %broadcast_in_dim3A_420 = arith.constant 0 : i32
        %broadcast_in_dim3A_421 = vector.broadcast %broadcast_in_dim3A_420 : i32 to vector<16xi32>
        %add3A_422 = vector.broadcast %add3A_419 : i32 to vector<16xi32>
        %add3A_423 = arith.addi %add3A_422, %broadcast_in_dim3A_421 : vector<16xi32>
        %gather3A_424 = arith.constant 1 : i32
        %gather3A_425 = arith.constant 0 : i32
        %gather3A_426 = arith.constant 0 : i32
        %gather3A_427 = tpu.memref_slice %arg9[%gather3A_424, %gather3A_425, %gather3A_426] : memref<2x128x64xf32, #tpu.memory_space<vmem>> -> memref<1x128x64xf32, #tpu.memory_space<vmem>>
        %gather3A_428 = tpu.memref_squeeze %gather3A_427 : memref<1x128x64xf32, #tpu.memory_space<vmem>> -> memref<128x64xf32, #tpu.memory_space<vmem>>
        %gather3A_429 = tpu.vector_load_idx %gather3A_428[%add3A_220, %add3A_423] : memref<128x64xf32, #tpu.memory_space<vmem>>[vector<16xi32>, vector<16xi32>], vector<16xf32>,
        %gather3A_430 = arith.constant 1 : i32
        %gather3A_431 = arith.constant 0 : i32
        %gather3A_432 = arith.constant 0 : i32
        %gather3A_433 = tpu.memref_slice %arg10[%gather3A_430, %gather3A_431, %gather3A_432] : memref<2x128x64xf32, #tpu.memory_space<vmem>> -> memref<1x128x64xf32, #tpu.memory_space<vmem>>
        %gather3A_434 = tpu.memref_squeeze %gather3A_433 : memref<1x128x64xf32, #tpu.memory_space<vmem>> -> memref<128x64xf32, #tpu.memory_space<vmem>>
        %gather3A_435 = tpu.vector_load_idx %gather3A_434[%add3A_220, %add3A_423] : memref<128x64xf32, #tpu.memory_space<vmem>>[vector<16xi32>, vector<16xi32>], vector<16xf32>,
        %mul3A_436 = arith.mulf %gather3A_429, %gather3A_435 : vector<16xf32>
        %add3A_437 = arith.addf %add3A_397, %mul3A_436 : vector<16xf32>
        %add3A_438 = arith.constant 10 : i32
        %add3A_439 = arith.addi %mul3A_238, %add3A_438 : i32
        %broadcast_in_dim3A_440 = arith.constant 0 : i32
        %broadcast_in_dim3A_441 = vector.broadcast %broadcast_in_dim3A_440 : i32 to vector<16xi32>
        %add3A_442 = vector.broadcast %add3A_439 : i32 to vector<16xi32>
        %add3A_443 = arith.addi %add3A_442, %broadcast_in_dim3A_441 : vector<16xi32>
        %gather3A_444 = arith.constant 1 : i32
        %gather3A_445 = arith.constant 0 : i32
        %gather3A_446 = arith.constant 0 : i32
        %gather3A_447 = tpu.memref_slice %arg9[%gather3A_444, %gather3A_445, %gather3A_446] : memref<2x128x64xf32, #tpu.memory_space<vmem>> -> memref<1x128x64xf32, #tpu.memory_space<vmem>>
        %gather3A_448 = tpu.memref_squeeze %gather3A_447 : memref<1x128x64xf32, #tpu.memory_space<vmem>> -> memref<128x64xf32, #tpu.memory_space<vmem>>
        %gather3A_449 = tpu.vector_load_idx %gather3A_448[%add3A_220, %add3A_443] : memref<128x64xf32, #tpu.memory_space<vmem>>[vector<16xi32>, vector<16xi32>], vector<16xf32>,
        %gather3A_450 = arith.constant 1 : i32
        %gather3A_451 = arith.constant 0 : i32
        %gather3A_452 = arith.constant 0 : i32
        %gather3A_453 = tpu.memref_slice %arg10[%gather3A_450, %gather3A_451, %gather3A_452] : memref<2x128x64xf32, #tpu.memory_space<vmem>> -> memref<1x128x64xf32, #tpu.memory_space<vmem>>
        %gather3A_454 = tpu.memref_squeeze %gather3A_453 : memref<1x128x64xf32, #tpu.memory_space<vmem>> -> memref<128x64xf32, #tpu.memory_space<vmem>>
        %gather3A_455 = tpu.vector_load_idx %gather3A_454[%add3A_220, %add3A_443] : memref<128x64xf32, #tpu.memory_space<vmem>>[vector<16xi32>, vector<16xi32>], vector<16xf32>,
        %mul3A_456 = arith.mulf %gather3A_449, %gather3A_455 : vector<16xf32>
        %add3A_457 = arith.addf %add3A_417, %mul3A_456 : vector<16xf32>
        %add3A_458 = arith.constant 11 : i32
        %add3A_459 = arith.addi %mul3A_238, %add3A_458 : i32
        %broadcast_in_dim3A_460 = arith.constant 0 : i32
        %broadcast_in_dim3A_461 = vector.broadcast %broadcast_in_dim3A_460 : i32 to vector<16xi32>
        %add3A_462 = vector.broadcast %add3A_459 : i32 to vector<16xi32>
        %add3A_463 = arith.addi %add3A_462, %broadcast_in_dim3A_461 : vector<16xi32>
        %gather3A_464 = arith.constant 1 : i32
        %gather3A_465 = arith.constant 0 : i32
        %gather3A_466 = arith.constant 0 : i32
        %gather3A_467 = tpu.memref_slice %arg9[%gather3A_464, %gather3A_465, %gather3A_466] : memref<2x128x64xf32, #tpu.memory_space<vmem>> -> memref<1x128x64xf32, #tpu.memory_space<vmem>>
        %gather3A_468 = tpu.memref_squeeze %gather3A_467 : memref<1x128x64xf32, #tpu.memory_space<vmem>> -> memref<128x64xf32, #tpu.memory_space<vmem>>
        %gather3A_469 = tpu.vector_load_idx %gather3A_468[%add3A_220, %add3A_463] : memref<128x64xf32, #tpu.memory_space<vmem>>[vector<16xi32>, vector<16xi32>], vector<16xf32>,
        %gather3A_470 = arith.constant 1 : i32
        %gather3A_471 = arith.constant 0 : i32
        %gather3A_472 = arith.constant 0 : i32
        %gather3A_473 = tpu.memref_slice %arg10[%gather3A_470, %gather3A_471, %gather3A_472] : memref<2x128x64xf32, #tpu.memory_space<vmem>> -> memref<1x128x64xf32, #tpu.memory_space<vmem>>
        %gather3A_474 = tpu.memref_squeeze %gather3A_473 : memref<1x128x64xf32, #tpu.memory_space<vmem>> -> memref<128x64xf32, #tpu.memory_space<vmem>>
        %gather3A_475 = tpu.vector_load_idx %gather3A_474[%add3A_220, %add3A_463] : memref<128x64xf32, #tpu.memory_space<vmem>>[vector<16xi32>, vector<16xi32>], vector<16xf32>,
        %mul3A_476 = arith.mulf %gather3A_469, %gather3A_475 : vector<16xf32>
        %add3A_477 = arith.addf %add3A_437, %mul3A_476 : vector<16xf32>
        %add3A_478 = arith.constant 12 : i32
        %add3A_479 = arith.addi %mul3A_238, %add3A_478 : i32
        %broadcast_in_dim3A_480 = arith.constant 0 : i32
        %broadcast_in_dim3A_481 = vector.broadcast %broadcast_in_dim3A_480 : i32 to vector<16xi32>
        %add3A_482 = vector.broadcast %add3A_479 : i32 to vector<16xi32>
        %add3A_483 = arith.addi %add3A_482, %broadcast_in_dim3A_481 : vector<16xi32>
        %gather3A_484 = arith.constant 1 : i32
        %gather3A_485 = arith.constant 0 : i32
        %gather3A_486 = arith.constant 0 : i32
        %gather3A_487 = tpu.memref_slice %arg9[%gather3A_484, %gather3A_485, %gather3A_486] : memref<2x128x64xf32, #tpu.memory_space<vmem>> -> memref<1x128x64xf32, #tpu.memory_space<vmem>>
        %gather3A_488 = tpu.memref_squeeze %gather3A_487 : memref<1x128x64xf32, #tpu.memory_space<vmem>> -> memref<128x64xf32, #tpu.memory_space<vmem>>
        %gather3A_489 = tpu.vector_load_idx %gather3A_488[%add3A_220, %add3A_483] : memref<128x64xf32, #tpu.memory_space<vmem>>[vector<16xi32>, vector<16xi32>], vector<16xf32>,
        %gather3A_490 = arith.constant 1 : i32
        %gather3A_491 = arith.constant 0 : i32
        %gather3A_492 = arith.constant 0 : i32
        %gather3A_493 = tpu.memref_slice %arg10[%gather3A_490, %gather3A_491, %gather3A_492] : memref<2x128x64xf32, #tpu.memory_space<vmem>> -> memref<1x128x64xf32, #tpu.memory_space<vmem>>
        %gather3A_494 = tpu.memref_squeeze %gather3A_493 : memref<1x128x64xf32, #tpu.memory_space<vmem>> -> memref<128x64xf32, #tpu.memory_space<vmem>>
        %gather3A_495 = tpu.vector_load_idx %gather3A_494[%add3A_220, %add3A_483] : memref<128x64xf32, #tpu.memory_space<vmem>>[vector<16xi32>, vector<16xi32>], vector<16xf32>,
        %mul3A_496 = arith.mulf %gather3A_489, %gather3A_495 : vector<16xf32>
        %add3A_497 = arith.addf %add3A_457, %mul3A_496 : vector<16xf32>
        %add3A_498 = arith.constant 13 : i32
        %add3A_499 = arith.addi %mul3A_238, %add3A_498 : i32
        %broadcast_in_dim3A_500 = arith.constant 0 : i32
        %broadcast_in_dim3A_501 = vector.broadcast %broadcast_in_dim3A_500 : i32 to vector<16xi32>
        %add3A_502 = vector.broadcast %add3A_499 : i32 to vector<16xi32>
        %add3A_503 = arith.addi %add3A_502, %broadcast_in_dim3A_501 : vector<16xi32>
        %gather3A_504 = arith.constant 1 : i32
        %gather3A_505 = arith.constant 0 : i32
        %gather3A_506 = arith.constant 0 : i32
        %gather3A_507 = tpu.memref_slice %arg9[%gather3A_504, %gather3A_505, %gather3A_506] : memref<2x128x64xf32, #tpu.memory_space<vmem>> -> memref<1x128x64xf32, #tpu.memory_space<vmem>>
        %gather3A_508 = tpu.memref_squeeze %gather3A_507 : memref<1x128x64xf32, #tpu.memory_space<vmem>> -> memref<128x64xf32, #tpu.memory_space<vmem>>
        %gather3A_509 = tpu.vector_load_idx %gather3A_508[%add3A_220, %add3A_503] : memref<128x64xf32, #tpu.memory_space<vmem>>[vector<16xi32>, vector<16xi32>], vector<16xf32>,
        %gather3A_510 = arith.constant 1 : i32
        %gather3A_511 = arith.constant 0 : i32
        %gather3A_512 = arith.constant 0 : i32
        %gather3A_513 = tpu.memref_slice %arg10[%gather3A_510, %gather3A_511, %gather3A_512] : memref<2x128x64xf32, #tpu.memory_space<vmem>> -> memref<1x128x64xf32, #tpu.memory_space<vmem>>
        %gather3A_514 = tpu.memref_squeeze %gather3A_513 : memref<1x128x64xf32, #tpu.memory_space<vmem>> -> memref<128x64xf32, #tpu.memory_space<vmem>>
        %gather3A_515 = tpu.vector_load_idx %gather3A_514[%add3A_220, %add3A_503] : memref<128x64xf32, #tpu.memory_space<vmem>>[vector<16xi32>, vector<16xi32>], vector<16xf32>,
        %mul3A_516 = arith.mulf %gather3A_509, %gather3A_515 : vector<16xf32>
        %add3A_517 = arith.addf %add3A_477, %mul3A_516 : vector<16xf32>
        %add3A_518 = arith.constant 14 : i32
        %add3A_519 = arith.addi %mul3A_238, %add3A_518 : i32
        %broadcast_in_dim3A_520 = arith.constant 0 : i32
        %broadcast_in_dim3A_521 = vector.broadcast %broadcast_in_dim3A_520 : i32 to vector<16xi32>
        %add3A_522 = vector.broadcast %add3A_519 : i32 to vector<16xi32>
        %add3A_523 = arith.addi %add3A_522, %broadcast_in_dim3A_521 : vector<16xi32>
        %gather3A_524 = arith.constant 1 : i32
        %gather3A_525 = arith.constant 0 : i32
        %gather3A_526 = arith.constant 0 : i32
        %gather3A_527 = tpu.memref_slice %arg9[%gather3A_524, %gather3A_525, %gather3A_526] : memref<2x128x64xf32, #tpu.memory_space<vmem>> -> memref<1x128x64xf32, #tpu.memory_space<vmem>>
        %gather3A_528 = tpu.memref_squeeze %gather3A_527 : memref<1x128x64xf32, #tpu.memory_space<vmem>> -> memref<128x64xf32, #tpu.memory_space<vmem>>
        %gather3A_529 = tpu.vector_load_idx %gather3A_528[%add3A_220, %add3A_523] : memref<128x64xf32, #tpu.memory_space<vmem>>[vector<16xi32>, vector<16xi32>], vector<16xf32>,
        %gather3A_530 = arith.constant 1 : i32
        %gather3A_531 = arith.constant 0 : i32
        %gather3A_532 = arith.constant 0 : i32
        %gather3A_533 = tpu.memref_slice %arg10[%gather3A_530, %gather3A_531, %gather3A_532] : memref<2x128x64xf32, #tpu.memory_space<vmem>> -> memref<1x128x64xf32, #tpu.memory_space<vmem>>
        %gather3A_534 = tpu.memref_squeeze %gather3A_533 : memref<1x128x64xf32, #tpu.memory_space<vmem>> -> memref<128x64xf32, #tpu.memory_space<vmem>>
        %gather3A_535 = tpu.vector_load_idx %gather3A_534[%add3A_220, %add3A_523] : memref<128x64xf32, #tpu.memory_space<vmem>>[vector<16xi32>, vector<16xi32>], vector<16xf32>,
        %mul3A_536 = arith.mulf %gather3A_529, %gather3A_535 : vector<16xf32>
        %add3A_537 = arith.addf %add3A_497, %mul3A_536 : vector<16xf32>
        %add3A_538 = arith.constant 15 : i32
        %add3A_539 = arith.addi %mul3A_238, %add3A_538 : i32
        %broadcast_in_dim3A_540 = arith.constant 0 : i32
        %broadcast_in_dim3A_541 = vector.broadcast %broadcast_in_dim3A_540 : i32 to vector<16xi32>
        %add3A_542 = vector.broadcast %add3A_539 : i32 to vector<16xi32>
        %add3A_543 = arith.addi %add3A_542, %broadcast_in_dim3A_541 : vector<16xi32>
        %gather3A_544 = arith.constant 1 : i32
        %gather3A_545 = arith.constant 0 : i32
        %gather3A_546 = arith.constant 0 : i32
        %gather3A_547 = tpu.memref_slice %arg9[%gather3A_544, %gather3A_545, %gather3A_546] : memref<2x128x64xf32, #tpu.memory_space<vmem>> -> memref<1x128x64xf32, #tpu.memory_space<vmem>>
        %gather3A_548 = tpu.memref_squeeze %gather3A_547 : memref<1x128x64xf32, #tpu.memory_space<vmem>> -> memref<128x64xf32, #tpu.memory_space<vmem>>
        %gather3A_549 = tpu.vector_load_idx %gather3A_548[%add3A_220, %add3A_543] : memref<128x64xf32, #tpu.memory_space<vmem>>[vector<16xi32>, vector<16xi32>], vector<16xf32>,
        %gather3A_550 = arith.constant 1 : i32
        %gather3A_551 = arith.constant 0 : i32
        %gather3A_552 = arith.constant 0 : i32
        %gather3A_553 = tpu.memref_slice %arg10[%gather3A_550, %gather3A_551, %gather3A_552] : memref<2x128x64xf32, #tpu.memory_space<vmem>> -> memref<1x128x64xf32, #tpu.memory_space<vmem>>
        %gather3A_554 = tpu.memref_squeeze %gather3A_553 : memref<1x128x64xf32, #tpu.memory_space<vmem>> -> memref<128x64xf32, #tpu.memory_space<vmem>>
        %gather3A_555 = tpu.vector_load_idx %gather3A_554[%add3A_220, %add3A_543] : memref<128x64xf32, #tpu.memory_space<vmem>>[vector<16xi32>, vector<16xi32>], vector<16xf32>,
        %mul3A_556 = arith.mulf %gather3A_549, %gather3A_555 : vector<16xf32>
        %add3A_557 = arith.addf %add3A_517, %mul3A_556 : vector<16xf32>
        scf.yield %add3A_537, %add3A_557 : vector<16xf32>, vector<16xf32>
      }
      %scan3A_227 = arith.constant 4 : i32
      %add3A_228 = arith.addf %scan3A_226#0, %scan3A_226#1 : vector<16xf32>
      %mul3A_229 = arith.constant 16 : i32
      %mul3A_230 = arith.muli %scan3A_216, %mul3A_229 : i32
      %add3A_231 = arith.constant 128 : i32
      %add3A_232 = arith.addi %add3A_231, %mul3A_230 : i32
      %swap3A = arith.index_cast %add3A_232 : i32 to index
      %swap3A_233 = tpu.vector_load %arg11[%swap3A] {strides = array<i32>} : memref<512xf32, #tpu.memory_space<vmem>>, vector<16xf32>,
      tpu.vector_store %arg11[%swap3A], %add3A_228 {strides = array<i32>} : memref<512xf32, #tpu.memory_space<vmem>>, vector<16xf32>,
    }
    %scan3A_131 = arith.constant 8 : i32
    %dma_start3A_132 = arith.constant 3 : i32
    %dma_start3A_133 = arith.constant 1 : i32
    %dma_start3A_134 = arith.constant 0 : i32
    %dma_start3A_135 = arith.constant 0 : i32
    %dma_start3A_136 = tpu.memref_slice %arg9[%dma_start3A_133, %dma_start3A_134, %dma_start3A_135] : memref<2x128x64xf32, #tpu.memory_space<vmem>> -> memref<1x128x64xf32, #tpu.memory_space<vmem>>
    %dma_start3A_137 = tpu.memref_squeeze %dma_start3A_136 : memref<1x128x64xf32, #tpu.memory_space<vmem>> -> memref<128x64xf32, #tpu.memory_space<vmem>>
    %dma_start3A_138 = arith.constant 0 : i32
    %dma_start3A_139 = tpu.memref_slice %arg7[%dma_start3A_132, %dma_start3A_138] : memref<4x128xi32, #tpu.memory_space<vmem>> -> memref<1x128xi32, #tpu.memory_space<vmem>>
    %dma_start3A_140 = tpu.memref_squeeze %dma_start3A_139 : memref<1x128xi32, #tpu.memory_space<vmem>> -> memref<128xi32, #tpu.memory_space<vmem>>
    %dma_start3A_141 = arith.constant 0 : i32
    %dma_start3A_142 = arith.constant 0 : i32
    %dma_start3A_143 = tpu.memref_slice %arg4[%dma_start3A_141, %dma_start3A_142] : memref<1000000x64xf32, #tpu.memory_space<hbm>> -> memref<1000000x64xf32, #tpu.memory_space<hbm>>
    tpu.enqueue_indirect_dma source(%dma_start3A_143 : memref<1000000x64xf32, #tpu.memory_space<hbm>>) target(%dma_start3A_137 : memref<128x64xf32, #tpu.memory_space<vmem>>) offsets(%dma_start3A_140 : memref<128xi32, #tpu.memory_space<vmem>>) semaphore(%arg12 : memref<!tpu.dma_semaphore, #tpu.memory_space<semaphore_mem>>)
    %dma_start3A_144 = arith.constant 3 : i32
    %dma_start3A_145 = arith.constant 1 : i32
    %dma_start3A_146 = arith.constant 0 : i32
    %dma_start3A_147 = arith.constant 0 : i32
    %dma_start3A_148 = tpu.memref_slice %arg10[%dma_start3A_145, %dma_start3A_146, %dma_start3A_147] : memref<2x128x64xf32, #tpu.memory_space<vmem>> -> memref<1x128x64xf32, #tpu.memory_space<vmem>>
    %dma_start3A_149 = tpu.memref_squeeze %dma_start3A_148 : memref<1x128x64xf32, #tpu.memory_space<vmem>> -> memref<128x64xf32, #tpu.memory_space<vmem>>
    %dma_start3A_150 = arith.constant 0 : i32
    %dma_start3A_151 = tpu.memref_slice %arg8[%dma_start3A_144, %dma_start3A_150] : memref<4x128xi32, #tpu.memory_space<vmem>> -> memref<1x128xi32, #tpu.memory_space<vmem>>
    %dma_start3A_152 = tpu.memref_squeeze %dma_start3A_151 : memref<1x128xi32, #tpu.memory_space<vmem>> -> memref<128xi32, #tpu.memory_space<vmem>>
    %dma_start3A_153 = arith.constant 0 : i32
    %dma_start3A_154 = arith.constant 0 : i32
    %dma_start3A_155 = tpu.memref_slice %arg5[%dma_start3A_153, %dma_start3A_154] : memref<100000x64xf32, #tpu.memory_space<hbm>> -> memref<100000x64xf32, #tpu.memory_space<hbm>>
    tpu.enqueue_indirect_dma source(%dma_start3A_155 : memref<100000x64xf32, #tpu.memory_space<hbm>>) target(%dma_start3A_149 : memref<128x64xf32, #tpu.memory_space<vmem>>) offsets(%dma_start3A_152 : memref<128xi32, #tpu.memory_space<vmem>>) semaphore(%arg13 : memref<!tpu.dma_semaphore, #tpu.memory_space<semaphore_mem>>)
    %dma_wait3A_156 = arith.constant 2 : i32
    %dma_wait3A_157 = arith.constant 0 : i32
    %dma_wait3A_158 = arith.constant 0 : i32
    %dma_wait3A_159 = arith.constant 0 : i32
    %dma_wait3A_160 = tpu.memref_slice %arg9[%dma_wait3A_157, %dma_wait3A_158, %dma_wait3A_159] : memref<2x128x64xf32, #tpu.memory_space<vmem>> -> memref<1x128x64xf32, #tpu.memory_space<vmem>>
    %dma_wait3A_161 = tpu.memref_squeeze %dma_wait3A_160 : memref<1x128x64xf32, #tpu.memory_space<vmem>> -> memref<128x64xf32, #tpu.memory_space<vmem>>
    %dma_wait3A_162 = arith.constant 0 : i32
    %dma_wait3A_163 = tpu.memref_slice %arg7[%dma_wait3A_156, %dma_wait3A_162] : memref<4x128xi32, #tpu.memory_space<vmem>> -> memref<1x128xi32, #tpu.memory_space<vmem>>
    %dma_wait3A_164 = tpu.memref_squeeze %dma_wait3A_163 : memref<1x128xi32, #tpu.memory_space<vmem>> -> memref<128xi32, #tpu.memory_space<vmem>>
    %dma_wait3A_165 = arith.constant 0 : i32
    %dma_wait3A_166 = arith.constant 0 : i32
    %dma_wait3A_167 = tpu.memref_slice %arg4[%dma_wait3A_165, %dma_wait3A_166] : memref<1000000x64xf32, #tpu.memory_space<hbm>> -> memref<1000000x64xf32, #tpu.memory_space<hbm>>
    tpu.wait_indirect_dma semaphore(%arg12 : memref<!tpu.dma_semaphore, #tpu.memory_space<semaphore_mem>>) src(%dma_wait3A_167 : memref<1000000x64xf32, #tpu.memory_space<hbm>>) dst(%dma_wait3A_161 : memref<128x64xf32, #tpu.memory_space<vmem>>)
    %dma_wait3A_168 = arith.constant 2 : i32
    %dma_wait3A_169 = arith.constant 0 : i32
    %dma_wait3A_170 = arith.constant 0 : i32
    %dma_wait3A_171 = arith.constant 0 : i32
    %dma_wait3A_172 = tpu.memref_slice %arg10[%dma_wait3A_169, %dma_wait3A_170, %dma_wait3A_171] : memref<2x128x64xf32, #tpu.memory_space<vmem>> -> memref<1x128x64xf32, #tpu.memory_space<vmem>>
    %dma_wait3A_173 = tpu.memref_squeeze %dma_wait3A_172 : memref<1x128x64xf32, #tpu.memory_space<vmem>> -> memref<128x64xf32, #tpu.memory_space<vmem>>
    %dma_wait3A_174 = arith.constant 0 : i32
    %dma_wait3A_175 = tpu.memref_slice %arg8[%dma_wait3A_168, %dma_wait3A_174] : memref<4x128xi32, #tpu.memory_space<vmem>> -> memref<1x128xi32, #tpu.memory_space<vmem>>
    %dma_wait3A_176 = tpu.memref_squeeze %dma_wait3A_175 : memref<1x128xi32, #tpu.memory_space<vmem>> -> memref<128xi32, #tpu.memory_space<vmem>>
    %dma_wait3A_177 = arith.constant 0 : i32
    %dma_wait3A_178 = arith.constant 0 : i32
    %dma_wait3A_179 = tpu.memref_slice %arg5[%dma_wait3A_177, %dma_wait3A_178] : memref<100000x64xf32, #tpu.memory_space<hbm>> -> memref<100000x64xf32, #tpu.memory_space<hbm>>
    tpu.wait_indirect_dma semaphore(%arg13 : memref<!tpu.dma_semaphore, #tpu.memory_space<semaphore_mem>>) src(%dma_wait3A_179 : memref<100000x64xf32, #tpu.memory_space<hbm>>) dst(%dma_wait3A_173 : memref<128x64xf32, #tpu.memory_space<vmem>>)
    %scan3A_180 = arith.constant 0 : i32
    %scan3A_181 = arith.constant 0 : i32
    %scan3A_182 = arith.constant 8 : i32
    %scan3A_183 = arith.addi %scan3A_181, %scan3A_182 : i32
    %scan3A_184 = arith.constant 1 : i32
    scf.for %scan3A_216 = %scan3A_181 to %scan3A_183 step %scan3A_184  : i32 {
      %mul3A_217 = arith.constant 16 : i32
      %mul3A_218 = arith.muli %scan3A_216, %mul3A_217 : i32
      %add3A_219 = vector.broadcast %mul3A_218 : i32 to vector<16xi32>
      %add3A_220 = arith.addi %add3A_219, %iota3A : vector<16xi32>
      %broadcast_in_dim3A = arith.constant 0.000000e+00 : f32
      %broadcast_in_dim3A_221 = vector.broadcast %broadcast_in_dim3A : f32 to vector<16xf32>
      %scan3A_222 = arith.constant 0 : i32
      %scan3A_223 = arith.constant 4 : i32
      %scan3A_224 = arith.addi %scan3A_222, %scan3A_223 : i32
      %scan3A_225 = arith.constant 1 : i32
      %scan3A_226:2 = scf.for %scan3A_234 = %scan3A_222 to %scan3A_224 step %scan3A_225 iter_args(%scan3A_235 = %broadcast_in_dim3A_221, %scan3A_236 = %broadcast_in_dim3A_221) -> (vector<16xf32>, vector<16xf32>)  : i32 {
        %mul3A_237 = arith.constant 16 : i32
        %mul3A_238 = arith.muli %scan3A_234, %mul3A_237 : i32
        %add3A_239 = arith.constant 0 : i32
        %add3A_240 = arith.addi %mul3A_238, %add3A_239 : i32
        %broadcast_in_dim3A_241 = arith.constant 0 : i32
        %broadcast_in_dim3A_242 = vector.broadcast %broadcast_in_dim3A_241 : i32 to vector<16xi32>
        %add3A_243 = vector.broadcast %add3A_240 : i32 to vector<16xi32>
        %add3A_244 = arith.addi %add3A_243, %broadcast_in_dim3A_242 : vector<16xi32>
        %gather3A = arith.constant 0 : i32
        %gather3A_245 = arith.constant 0 : i32
        %gather3A_246 = arith.constant 0 : i32
        %gather3A_247 = tpu.memref_slice %arg9[%gather3A, %gather3A_245, %gather3A_246] : memref<2x128x64xf32, #tpu.memory_space<vmem>> -> memref<1x128x64xf32, #tpu.memory_space<vmem>>
        %gather3A_248 = tpu.memref_squeeze %gather3A_247 : memref<1x128x64xf32, #tpu.memory_space<vmem>> -> memref<128x64xf32, #tpu.memory_space<vmem>>
        %gather3A_249 = tpu.vector_load_idx %gather3A_248[%add3A_220, %add3A_244] : memref<128x64xf32, #tpu.memory_space<vmem>>[vector<16xi32>, vector<16xi32>], vector<16xf32>,
        %gather3A_250 = arith.constant 0 : i32
        %gather3A_251 = arith.constant 0 : i32
        %gather3A_252 = arith.constant 0 : i32
        %gather3A_253 = tpu.memref_slice %arg10[%gather3A_250, %gather3A_251, %gather3A_252] : memref<2x128x64xf32, #tpu.memory_space<vmem>> -> memref<1x128x64xf32, #tpu.memory_space<vmem>>
        %gather3A_254 = tpu.memref_squeeze %gather3A_253 : memref<1x128x64xf32, #tpu.memory_space<vmem>> -> memref<128x64xf32, #tpu.memory_space<vmem>>
        %gather3A_255 = tpu.vector_load_idx %gather3A_254[%add3A_220, %add3A_244] : memref<128x64xf32, #tpu.memory_space<vmem>>[vector<16xi32>, vector<16xi32>], vector<16xf32>,
        %mul3A_256 = arith.mulf %gather3A_249, %gather3A_255 : vector<16xf32>
        %add3A_257 = arith.addf %scan3A_235, %mul3A_256 : vector<16xf32>
        %add3A_258 = arith.constant 1 : i32
        %add3A_259 = arith.addi %mul3A_238, %add3A_258 : i32
        %broadcast_in_dim3A_260 = arith.constant 0 : i32
        %broadcast_in_dim3A_261 = vector.broadcast %broadcast_in_dim3A_260 : i32 to vector<16xi32>
        %add3A_262 = vector.broadcast %add3A_259 : i32 to vector<16xi32>
        %add3A_263 = arith.addi %add3A_262, %broadcast_in_dim3A_261 : vector<16xi32>
        %gather3A_264 = arith.constant 0 : i32
        %gather3A_265 = arith.constant 0 : i32
        %gather3A_266 = arith.constant 0 : i32
        %gather3A_267 = tpu.memref_slice %arg9[%gather3A_264, %gather3A_265, %gather3A_266] : memref<2x128x64xf32, #tpu.memory_space<vmem>> -> memref<1x128x64xf32, #tpu.memory_space<vmem>>
        %gather3A_268 = tpu.memref_squeeze %gather3A_267 : memref<1x128x64xf32, #tpu.memory_space<vmem>> -> memref<128x64xf32, #tpu.memory_space<vmem>>
        %gather3A_269 = tpu.vector_load_idx %gather3A_268[%add3A_220, %add3A_263] : memref<128x64xf32, #tpu.memory_space<vmem>>[vector<16xi32>, vector<16xi32>], vector<16xf32>,
        %gather3A_270 = arith.constant 0 : i32
        %gather3A_271 = arith.constant 0 : i32
        %gather3A_272 = arith.constant 0 : i32
        %gather3A_273 = tpu.memref_slice %arg10[%gather3A_270, %gather3A_271, %gather3A_272] : memref<2x128x64xf32, #tpu.memory_space<vmem>> -> memref<1x128x64xf32, #tpu.memory_space<vmem>>
        %gather3A_274 = tpu.memref_squeeze %gather3A_273 : memref<1x128x64xf32, #tpu.memory_space<vmem>> -> memref<128x64xf32, #tpu.memory_space<vmem>>
        %gather3A_275 = tpu.vector_load_idx %gather3A_274[%add3A_220, %add3A_263] : memref<128x64xf32, #tpu.memory_space<vmem>>[vector<16xi32>, vector<16xi32>], vector<16xf32>,
        %mul3A_276 = arith.mulf %gather3A_269, %gather3A_275 : vector<16xf32>
        %add3A_277 = arith.addf %scan3A_236, %mul3A_276 : vector<16xf32>
        %add3A_278 = arith.constant 2 : i32
        %add3A_279 = arith.addi %mul3A_238, %add3A_278 : i32
        %broadcast_in_dim3A_280 = arith.constant 0 : i32
        %broadcast_in_dim3A_281 = vector.broadcast %broadcast_in_dim3A_280 : i32 to vector<16xi32>
        %add3A_282 = vector.broadcast %add3A_279 : i32 to vector<16xi32>
        %add3A_283 = arith.addi %add3A_282, %broadcast_in_dim3A_281 : vector<16xi32>
        %gather3A_284 = arith.constant 0 : i32
        %gather3A_285 = arith.constant 0 : i32
        %gather3A_286 = arith.constant 0 : i32
        %gather3A_287 = tpu.memref_slice %arg9[%gather3A_284, %gather3A_285, %gather3A_286] : memref<2x128x64xf32, #tpu.memory_space<vmem>> -> memref<1x128x64xf32, #tpu.memory_space<vmem>>
        %gather3A_288 = tpu.memref_squeeze %gather3A_287 : memref<1x128x64xf32, #tpu.memory_space<vmem>> -> memref<128x64xf32, #tpu.memory_space<vmem>>
        %gather3A_289 = tpu.vector_load_idx %gather3A_288[%add3A_220, %add3A_283] : memref<128x64xf32, #tpu.memory_space<vmem>>[vector<16xi32>, vector<16xi32>], vector<16xf32>,
        %gather3A_290 = arith.constant 0 : i32
        %gather3A_291 = arith.constant 0 : i32
        %gather3A_292 = arith.constant 0 : i32
        %gather3A_293 = tpu.memref_slice %arg10[%gather3A_290, %gather3A_291, %gather3A_292] : memref<2x128x64xf32, #tpu.memory_space<vmem>> -> memref<1x128x64xf32, #tpu.memory_space<vmem>>
        %gather3A_294 = tpu.memref_squeeze %gather3A_293 : memref<1x128x64xf32, #tpu.memory_space<vmem>> -> memref<128x64xf32, #tpu.memory_space<vmem>>
        %gather3A_295 = tpu.vector_load_idx %gather3A_294[%add3A_220, %add3A_283] : memref<128x64xf32, #tpu.memory_space<vmem>>[vector<16xi32>, vector<16xi32>], vector<16xf32>,
        %mul3A_296 = arith.mulf %gather3A_289, %gather3A_295 : vector<16xf32>
        %add3A_297 = arith.addf %add3A_257, %mul3A_296 : vector<16xf32>
        %add3A_298 = arith.constant 3 : i32
        %add3A_299 = arith.addi %mul3A_238, %add3A_298 : i32
        %broadcast_in_dim3A_300 = arith.constant 0 : i32
        %broadcast_in_dim3A_301 = vector.broadcast %broadcast_in_dim3A_300 : i32 to vector<16xi32>
        %add3A_302 = vector.broadcast %add3A_299 : i32 to vector<16xi32>
        %add3A_303 = arith.addi %add3A_302, %broadcast_in_dim3A_301 : vector<16xi32>
        %gather3A_304 = arith.constant 0 : i32
        %gather3A_305 = arith.constant 0 : i32
        %gather3A_306 = arith.constant 0 : i32
        %gather3A_307 = tpu.memref_slice %arg9[%gather3A_304, %gather3A_305, %gather3A_306] : memref<2x128x64xf32, #tpu.memory_space<vmem>> -> memref<1x128x64xf32, #tpu.memory_space<vmem>>
        %gather3A_308 = tpu.memref_squeeze %gather3A_307 : memref<1x128x64xf32, #tpu.memory_space<vmem>> -> memref<128x64xf32, #tpu.memory_space<vmem>>
        %gather3A_309 = tpu.vector_load_idx %gather3A_308[%add3A_220, %add3A_303] : memref<128x64xf32, #tpu.memory_space<vmem>>[vector<16xi32>, vector<16xi32>], vector<16xf32>,
        %gather3A_310 = arith.constant 0 : i32
        %gather3A_311 = arith.constant 0 : i32
        %gather3A_312 = arith.constant 0 : i32
        %gather3A_313 = tpu.memref_slice %arg10[%gather3A_310, %gather3A_311, %gather3A_312] : memref<2x128x64xf32, #tpu.memory_space<vmem>> -> memref<1x128x64xf32, #tpu.memory_space<vmem>>
        %gather3A_314 = tpu.memref_squeeze %gather3A_313 : memref<1x128x64xf32, #tpu.memory_space<vmem>> -> memref<128x64xf32, #tpu.memory_space<vmem>>
        %gather3A_315 = tpu.vector_load_idx %gather3A_314[%add3A_220, %add3A_303] : memref<128x64xf32, #tpu.memory_space<vmem>>[vector<16xi32>, vector<16xi32>], vector<16xf32>,
        %mul3A_316 = arith.mulf %gather3A_309, %gather3A_315 : vector<16xf32>
        %add3A_317 = arith.addf %add3A_277, %mul3A_316 : vector<16xf32>
        %add3A_318 = arith.constant 4 : i32
        %add3A_319 = arith.addi %mul3A_238, %add3A_318 : i32
        %broadcast_in_dim3A_320 = arith.constant 0 : i32
        %broadcast_in_dim3A_321 = vector.broadcast %broadcast_in_dim3A_320 : i32 to vector<16xi32>
        %add3A_322 = vector.broadcast %add3A_319 : i32 to vector<16xi32>
        %add3A_323 = arith.addi %add3A_322, %broadcast_in_dim3A_321 : vector<16xi32>
        %gather3A_324 = arith.constant 0 : i32
        %gather3A_325 = arith.constant 0 : i32
        %gather3A_326 = arith.constant 0 : i32
        %gather3A_327 = tpu.memref_slice %arg9[%gather3A_324, %gather3A_325, %gather3A_326] : memref<2x128x64xf32, #tpu.memory_space<vmem>> -> memref<1x128x64xf32, #tpu.memory_space<vmem>>
        %gather3A_328 = tpu.memref_squeeze %gather3A_327 : memref<1x128x64xf32, #tpu.memory_space<vmem>> -> memref<128x64xf32, #tpu.memory_space<vmem>>
        %gather3A_329 = tpu.vector_load_idx %gather3A_328[%add3A_220, %add3A_323] : memref<128x64xf32, #tpu.memory_space<vmem>>[vector<16xi32>, vector<16xi32>], vector<16xf32>,
        %gather3A_330 = arith.constant 0 : i32
        %gather3A_331 = arith.constant 0 : i32
        %gather3A_332 = arith.constant 0 : i32
        %gather3A_333 = tpu.memref_slice %arg10[%gather3A_330, %gather3A_331, %gather3A_332] : memref<2x128x64xf32, #tpu.memory_space<vmem>> -> memref<1x128x64xf32, #tpu.memory_space<vmem>>
        %gather3A_334 = tpu.memref_squeeze %gather3A_333 : memref<1x128x64xf32, #tpu.memory_space<vmem>> -> memref<128x64xf32, #tpu.memory_space<vmem>>
        %gather3A_335 = tpu.vector_load_idx %gather3A_334[%add3A_220, %add3A_323] : memref<128x64xf32, #tpu.memory_space<vmem>>[vector<16xi32>, vector<16xi32>], vector<16xf32>,
        %mul3A_336 = arith.mulf %gather3A_329, %gather3A_335 : vector<16xf32>
        %add3A_337 = arith.addf %add3A_297, %mul3A_336 : vector<16xf32>
        %add3A_338 = arith.constant 5 : i32
        %add3A_339 = arith.addi %mul3A_238, %add3A_338 : i32
        %broadcast_in_dim3A_340 = arith.constant 0 : i32
        %broadcast_in_dim3A_341 = vector.broadcast %broadcast_in_dim3A_340 : i32 to vector<16xi32>
        %add3A_342 = vector.broadcast %add3A_339 : i32 to vector<16xi32>
        %add3A_343 = arith.addi %add3A_342, %broadcast_in_dim3A_341 : vector<16xi32>
        %gather3A_344 = arith.constant 0 : i32
        %gather3A_345 = arith.constant 0 : i32
        %gather3A_346 = arith.constant 0 : i32
        %gather3A_347 = tpu.memref_slice %arg9[%gather3A_344, %gather3A_345, %gather3A_346] : memref<2x128x64xf32, #tpu.memory_space<vmem>> -> memref<1x128x64xf32, #tpu.memory_space<vmem>>
        %gather3A_348 = tpu.memref_squeeze %gather3A_347 : memref<1x128x64xf32, #tpu.memory_space<vmem>> -> memref<128x64xf32, #tpu.memory_space<vmem>>
        %gather3A_349 = tpu.vector_load_idx %gather3A_348[%add3A_220, %add3A_343] : memref<128x64xf32, #tpu.memory_space<vmem>>[vector<16xi32>, vector<16xi32>], vector<16xf32>,
        %gather3A_350 = arith.constant 0 : i32
        %gather3A_351 = arith.constant 0 : i32
        %gather3A_352 = arith.constant 0 : i32
        %gather3A_353 = tpu.memref_slice %arg10[%gather3A_350, %gather3A_351, %gather3A_352] : memref<2x128x64xf32, #tpu.memory_space<vmem>> -> memref<1x128x64xf32, #tpu.memory_space<vmem>>
        %gather3A_354 = tpu.memref_squeeze %gather3A_353 : memref<1x128x64xf32, #tpu.memory_space<vmem>> -> memref<128x64xf32, #tpu.memory_space<vmem>>
        %gather3A_355 = tpu.vector_load_idx %gather3A_354[%add3A_220, %add3A_343] : memref<128x64xf32, #tpu.memory_space<vmem>>[vector<16xi32>, vector<16xi32>], vector<16xf32>,
        %mul3A_356 = arith.mulf %gather3A_349, %gather3A_355 : vector<16xf32>
        %add3A_357 = arith.addf %add3A_317, %mul3A_356 : vector<16xf32>
        %add3A_358 = arith.constant 6 : i32
        %add3A_359 = arith.addi %mul3A_238, %add3A_358 : i32
        %broadcast_in_dim3A_360 = arith.constant 0 : i32
        %broadcast_in_dim3A_361 = vector.broadcast %broadcast_in_dim3A_360 : i32 to vector<16xi32>
        %add3A_362 = vector.broadcast %add3A_359 : i32 to vector<16xi32>
        %add3A_363 = arith.addi %add3A_362, %broadcast_in_dim3A_361 : vector<16xi32>
        %gather3A_364 = arith.constant 0 : i32
        %gather3A_365 = arith.constant 0 : i32
        %gather3A_366 = arith.constant 0 : i32
        %gather3A_367 = tpu.memref_slice %arg9[%gather3A_364, %gather3A_365, %gather3A_366] : memref<2x128x64xf32, #tpu.memory_space<vmem>> -> memref<1x128x64xf32, #tpu.memory_space<vmem>>
        %gather3A_368 = tpu.memref_squeeze %gather3A_367 : memref<1x128x64xf32, #tpu.memory_space<vmem>> -> memref<128x64xf32, #tpu.memory_space<vmem>>
        %gather3A_369 = tpu.vector_load_idx %gather3A_368[%add3A_220, %add3A_363] : memref<128x64xf32, #tpu.memory_space<vmem>>[vector<16xi32>, vector<16xi32>], vector<16xf32>,
        %gather3A_370 = arith.constant 0 : i32
        %gather3A_371 = arith.constant 0 : i32
        %gather3A_372 = arith.constant 0 : i32
        %gather3A_373 = tpu.memref_slice %arg10[%gather3A_370, %gather3A_371, %gather3A_372] : memref<2x128x64xf32, #tpu.memory_space<vmem>> -> memref<1x128x64xf32, #tpu.memory_space<vmem>>
        %gather3A_374 = tpu.memref_squeeze %gather3A_373 : memref<1x128x64xf32, #tpu.memory_space<vmem>> -> memref<128x64xf32, #tpu.memory_space<vmem>>
        %gather3A_375 = tpu.vector_load_idx %gather3A_374[%add3A_220, %add3A_363] : memref<128x64xf32, #tpu.memory_space<vmem>>[vector<16xi32>, vector<16xi32>], vector<16xf32>,
        %mul3A_376 = arith.mulf %gather3A_369, %gather3A_375 : vector<16xf32>
        %add3A_377 = arith.addf %add3A_337, %mul3A_376 : vector<16xf32>
        %add3A_378 = arith.constant 7 : i32
        %add3A_379 = arith.addi %mul3A_238, %add3A_378 : i32
        %broadcast_in_dim3A_380 = arith.constant 0 : i32
        %broadcast_in_dim3A_381 = vector.broadcast %broadcast_in_dim3A_380 : i32 to vector<16xi32>
        %add3A_382 = vector.broadcast %add3A_379 : i32 to vector<16xi32>
        %add3A_383 = arith.addi %add3A_382, %broadcast_in_dim3A_381 : vector<16xi32>
        %gather3A_384 = arith.constant 0 : i32
        %gather3A_385 = arith.constant 0 : i32
        %gather3A_386 = arith.constant 0 : i32
        %gather3A_387 = tpu.memref_slice %arg9[%gather3A_384, %gather3A_385, %gather3A_386] : memref<2x128x64xf32, #tpu.memory_space<vmem>> -> memref<1x128x64xf32, #tpu.memory_space<vmem>>
        %gather3A_388 = tpu.memref_squeeze %gather3A_387 : memref<1x128x64xf32, #tpu.memory_space<vmem>> -> memref<128x64xf32, #tpu.memory_space<vmem>>
        %gather3A_389 = tpu.vector_load_idx %gather3A_388[%add3A_220, %add3A_383] : memref<128x64xf32, #tpu.memory_space<vmem>>[vector<16xi32>, vector<16xi32>], vector<16xf32>,
        %gather3A_390 = arith.constant 0 : i32
        %gather3A_391 = arith.constant 0 : i32
        %gather3A_392 = arith.constant 0 : i32
        %gather3A_393 = tpu.memref_slice %arg10[%gather3A_390, %gather3A_391, %gather3A_392] : memref<2x128x64xf32, #tpu.memory_space<vmem>> -> memref<1x128x64xf32, #tpu.memory_space<vmem>>
        %gather3A_394 = tpu.memref_squeeze %gather3A_393 : memref<1x128x64xf32, #tpu.memory_space<vmem>> -> memref<128x64xf32, #tpu.memory_space<vmem>>
        %gather3A_395 = tpu.vector_load_idx %gather3A_394[%add3A_220, %add3A_383] : memref<128x64xf32, #tpu.memory_space<vmem>>[vector<16xi32>, vector<16xi32>], vector<16xf32>,
        %mul3A_396 = arith.mulf %gather3A_389, %gather3A_395 : vector<16xf32>
        %add3A_397 = arith.addf %add3A_357, %mul3A_396 : vector<16xf32>
        %add3A_398 = arith.constant 8 : i32
        %add3A_399 = arith.addi %mul3A_238, %add3A_398 : i32
        %broadcast_in_dim3A_400 = arith.constant 0 : i32
        %broadcast_in_dim3A_401 = vector.broadcast %broadcast_in_dim3A_400 : i32 to vector<16xi32>
        %add3A_402 = vector.broadcast %add3A_399 : i32 to vector<16xi32>
        %add3A_403 = arith.addi %add3A_402, %broadcast_in_dim3A_401 : vector<16xi32>
        %gather3A_404 = arith.constant 0 : i32
        %gather3A_405 = arith.constant 0 : i32
        %gather3A_406 = arith.constant 0 : i32
        %gather3A_407 = tpu.memref_slice %arg9[%gather3A_404, %gather3A_405, %gather3A_406] : memref<2x128x64xf32, #tpu.memory_space<vmem>> -> memref<1x128x64xf32, #tpu.memory_space<vmem>>
        %gather3A_408 = tpu.memref_squeeze %gather3A_407 : memref<1x128x64xf32, #tpu.memory_space<vmem>> -> memref<128x64xf32, #tpu.memory_space<vmem>>
        %gather3A_409 = tpu.vector_load_idx %gather3A_408[%add3A_220, %add3A_403] : memref<128x64xf32, #tpu.memory_space<vmem>>[vector<16xi32>, vector<16xi32>], vector<16xf32>,
        %gather3A_410 = arith.constant 0 : i32
        %gather3A_411 = arith.constant 0 : i32
        %gather3A_412 = arith.constant 0 : i32
        %gather3A_413 = tpu.memref_slice %arg10[%gather3A_410, %gather3A_411, %gather3A_412] : memref<2x128x64xf32, #tpu.memory_space<vmem>> -> memref<1x128x64xf32, #tpu.memory_space<vmem>>
        %gather3A_414 = tpu.memref_squeeze %gather3A_413 : memref<1x128x64xf32, #tpu.memory_space<vmem>> -> memref<128x64xf32, #tpu.memory_space<vmem>>
        %gather3A_415 = tpu.vector_load_idx %gather3A_414[%add3A_220, %add3A_403] : memref<128x64xf32, #tpu.memory_space<vmem>>[vector<16xi32>, vector<16xi32>], vector<16xf32>,
        %mul3A_416 = arith.mulf %gather3A_409, %gather3A_415 : vector<16xf32>
        %add3A_417 = arith.addf %add3A_377, %mul3A_416 : vector<16xf32>
        %add3A_418 = arith.constant 9 : i32
        %add3A_419 = arith.addi %mul3A_238, %add3A_418 : i32
        %broadcast_in_dim3A_420 = arith.constant 0 : i32
        %broadcast_in_dim3A_421 = vector.broadcast %broadcast_in_dim3A_420 : i32 to vector<16xi32>
        %add3A_422 = vector.broadcast %add3A_419 : i32 to vector<16xi32>
        %add3A_423 = arith.addi %add3A_422, %broadcast_in_dim3A_421 : vector<16xi32>
        %gather3A_424 = arith.constant 0 : i32
        %gather3A_425 = arith.constant 0 : i32
        %gather3A_426 = arith.constant 0 : i32
        %gather3A_427 = tpu.memref_slice %arg9[%gather3A_424, %gather3A_425, %gather3A_426] : memref<2x128x64xf32, #tpu.memory_space<vmem>> -> memref<1x128x64xf32, #tpu.memory_space<vmem>>
        %gather3A_428 = tpu.memref_squeeze %gather3A_427 : memref<1x128x64xf32, #tpu.memory_space<vmem>> -> memref<128x64xf32, #tpu.memory_space<vmem>>
        %gather3A_429 = tpu.vector_load_idx %gather3A_428[%add3A_220, %add3A_423] : memref<128x64xf32, #tpu.memory_space<vmem>>[vector<16xi32>, vector<16xi32>], vector<16xf32>,
        %gather3A_430 = arith.constant 0 : i32
        %gather3A_431 = arith.constant 0 : i32
        %gather3A_432 = arith.constant 0 : i32
        %gather3A_433 = tpu.memref_slice %arg10[%gather3A_430, %gather3A_431, %gather3A_432] : memref<2x128x64xf32, #tpu.memory_space<vmem>> -> memref<1x128x64xf32, #tpu.memory_space<vmem>>
        %gather3A_434 = tpu.memref_squeeze %gather3A_433 : memref<1x128x64xf32, #tpu.memory_space<vmem>> -> memref<128x64xf32, #tpu.memory_space<vmem>>
        %gather3A_435 = tpu.vector_load_idx %gather3A_434[%add3A_220, %add3A_423] : memref<128x64xf32, #tpu.memory_space<vmem>>[vector<16xi32>, vector<16xi32>], vector<16xf32>,
        %mul3A_436 = arith.mulf %gather3A_429, %gather3A_435 : vector<16xf32>
        %add3A_437 = arith.addf %add3A_397, %mul3A_436 : vector<16xf32>
        %add3A_438 = arith.constant 10 : i32
        %add3A_439 = arith.addi %mul3A_238, %add3A_438 : i32
        %broadcast_in_dim3A_440 = arith.constant 0 : i32
        %broadcast_in_dim3A_441 = vector.broadcast %broadcast_in_dim3A_440 : i32 to vector<16xi32>
        %add3A_442 = vector.broadcast %add3A_439 : i32 to vector<16xi32>
        %add3A_443 = arith.addi %add3A_442, %broadcast_in_dim3A_441 : vector<16xi32>
        %gather3A_444 = arith.constant 0 : i32
        %gather3A_445 = arith.constant 0 : i32
        %gather3A_446 = arith.constant 0 : i32
        %gather3A_447 = tpu.memref_slice %arg9[%gather3A_444, %gather3A_445, %gather3A_446] : memref<2x128x64xf32, #tpu.memory_space<vmem>> -> memref<1x128x64xf32, #tpu.memory_space<vmem>>
        %gather3A_448 = tpu.memref_squeeze %gather3A_447 : memref<1x128x64xf32, #tpu.memory_space<vmem>> -> memref<128x64xf32, #tpu.memory_space<vmem>>
        %gather3A_449 = tpu.vector_load_idx %gather3A_448[%add3A_220, %add3A_443] : memref<128x64xf32, #tpu.memory_space<vmem>>[vector<16xi32>, vector<16xi32>], vector<16xf32>,
        %gather3A_450 = arith.constant 0 : i32
        %gather3A_451 = arith.constant 0 : i32
        %gather3A_452 = arith.constant 0 : i32
        %gather3A_453 = tpu.memref_slice %arg10[%gather3A_450, %gather3A_451, %gather3A_452] : memref<2x128x64xf32, #tpu.memory_space<vmem>> -> memref<1x128x64xf32, #tpu.memory_space<vmem>>
        %gather3A_454 = tpu.memref_squeeze %gather3A_453 : memref<1x128x64xf32, #tpu.memory_space<vmem>> -> memref<128x64xf32, #tpu.memory_space<vmem>>
        %gather3A_455 = tpu.vector_load_idx %gather3A_454[%add3A_220, %add3A_443] : memref<128x64xf32, #tpu.memory_space<vmem>>[vector<16xi32>, vector<16xi32>], vector<16xf32>,
        %mul3A_456 = arith.mulf %gather3A_449, %gather3A_455 : vector<16xf32>
        %add3A_457 = arith.addf %add3A_417, %mul3A_456 : vector<16xf32>
        %add3A_458 = arith.constant 11 : i32
        %add3A_459 = arith.addi %mul3A_238, %add3A_458 : i32
        %broadcast_in_dim3A_460 = arith.constant 0 : i32
        %broadcast_in_dim3A_461 = vector.broadcast %broadcast_in_dim3A_460 : i32 to vector<16xi32>
        %add3A_462 = vector.broadcast %add3A_459 : i32 to vector<16xi32>
        %add3A_463 = arith.addi %add3A_462, %broadcast_in_dim3A_461 : vector<16xi32>
        %gather3A_464 = arith.constant 0 : i32
        %gather3A_465 = arith.constant 0 : i32
        %gather3A_466 = arith.constant 0 : i32
        %gather3A_467 = tpu.memref_slice %arg9[%gather3A_464, %gather3A_465, %gather3A_466] : memref<2x128x64xf32, #tpu.memory_space<vmem>> -> memref<1x128x64xf32, #tpu.memory_space<vmem>>
        %gather3A_468 = tpu.memref_squeeze %gather3A_467 : memref<1x128x64xf32, #tpu.memory_space<vmem>> -> memref<128x64xf32, #tpu.memory_space<vmem>>
        %gather3A_469 = tpu.vector_load_idx %gather3A_468[%add3A_220, %add3A_463] : memref<128x64xf32, #tpu.memory_space<vmem>>[vector<16xi32>, vector<16xi32>], vector<16xf32>,
        %gather3A_470 = arith.constant 0 : i32
        %gather3A_471 = arith.constant 0 : i32
        %gather3A_472 = arith.constant 0 : i32
        %gather3A_473 = tpu.memref_slice %arg10[%gather3A_470, %gather3A_471, %gather3A_472] : memref<2x128x64xf32, #tpu.memory_space<vmem>> -> memref<1x128x64xf32, #tpu.memory_space<vmem>>
        %gather3A_474 = tpu.memref_squeeze %gather3A_473 : memref<1x128x64xf32, #tpu.memory_space<vmem>> -> memref<128x64xf32, #tpu.memory_space<vmem>>
        %gather3A_475 = tpu.vector_load_idx %gather3A_474[%add3A_220, %add3A_463] : memref<128x64xf32, #tpu.memory_space<vmem>>[vector<16xi32>, vector<16xi32>], vector<16xf32>,
        %mul3A_476 = arith.mulf %gather3A_469, %gather3A_475 : vector<16xf32>
        %add3A_477 = arith.addf %add3A_437, %mul3A_476 : vector<16xf32>
        %add3A_478 = arith.constant 12 : i32
        %add3A_479 = arith.addi %mul3A_238, %add3A_478 : i32
        %broadcast_in_dim3A_480 = arith.constant 0 : i32
        %broadcast_in_dim3A_481 = vector.broadcast %broadcast_in_dim3A_480 : i32 to vector<16xi32>
        %add3A_482 = vector.broadcast %add3A_479 : i32 to vector<16xi32>
        %add3A_483 = arith.addi %add3A_482, %broadcast_in_dim3A_481 : vector<16xi32>
        %gather3A_484 = arith.constant 0 : i32
        %gather3A_485 = arith.constant 0 : i32
        %gather3A_486 = arith.constant 0 : i32
        %gather3A_487 = tpu.memref_slice %arg9[%gather3A_484, %gather3A_485, %gather3A_486] : memref<2x128x64xf32, #tpu.memory_space<vmem>> -> memref<1x128x64xf32, #tpu.memory_space<vmem>>
        %gather3A_488 = tpu.memref_squeeze %gather3A_487 : memref<1x128x64xf32, #tpu.memory_space<vmem>> -> memref<128x64xf32, #tpu.memory_space<vmem>>
        %gather3A_489 = tpu.vector_load_idx %gather3A_488[%add3A_220, %add3A_483] : memref<128x64xf32, #tpu.memory_space<vmem>>[vector<16xi32>, vector<16xi32>], vector<16xf32>,
        %gather3A_490 = arith.constant 0 : i32
        %gather3A_491 = arith.constant 0 : i32
        %gather3A_492 = arith.constant 0 : i32
        %gather3A_493 = tpu.memref_slice %arg10[%gather3A_490, %gather3A_491, %gather3A_492] : memref<2x128x64xf32, #tpu.memory_space<vmem>> -> memref<1x128x64xf32, #tpu.memory_space<vmem>>
        %gather3A_494 = tpu.memref_squeeze %gather3A_493 : memref<1x128x64xf32, #tpu.memory_space<vmem>> -> memref<128x64xf32, #tpu.memory_space<vmem>>
        %gather3A_495 = tpu.vector_load_idx %gather3A_494[%add3A_220, %add3A_483] : memref<128x64xf32, #tpu.memory_space<vmem>>[vector<16xi32>, vector<16xi32>], vector<16xf32>,
        %mul3A_496 = arith.mulf %gather3A_489, %gather3A_495 : vector<16xf32>
        %add3A_497 = arith.addf %add3A_457, %mul3A_496 : vector<16xf32>
        %add3A_498 = arith.constant 13 : i32
        %add3A_499 = arith.addi %mul3A_238, %add3A_498 : i32
        %broadcast_in_dim3A_500 = arith.constant 0 : i32
        %broadcast_in_dim3A_501 = vector.broadcast %broadcast_in_dim3A_500 : i32 to vector<16xi32>
        %add3A_502 = vector.broadcast %add3A_499 : i32 to vector<16xi32>
        %add3A_503 = arith.addi %add3A_502, %broadcast_in_dim3A_501 : vector<16xi32>
        %gather3A_504 = arith.constant 0 : i32
        %gather3A_505 = arith.constant 0 : i32
        %gather3A_506 = arith.constant 0 : i32
        %gather3A_507 = tpu.memref_slice %arg9[%gather3A_504, %gather3A_505, %gather3A_506] : memref<2x128x64xf32, #tpu.memory_space<vmem>> -> memref<1x128x64xf32, #tpu.memory_space<vmem>>
        %gather3A_508 = tpu.memref_squeeze %gather3A_507 : memref<1x128x64xf32, #tpu.memory_space<vmem>> -> memref<128x64xf32, #tpu.memory_space<vmem>>
        %gather3A_509 = tpu.vector_load_idx %gather3A_508[%add3A_220, %add3A_503] : memref<128x64xf32, #tpu.memory_space<vmem>>[vector<16xi32>, vector<16xi32>], vector<16xf32>,
        %gather3A_510 = arith.constant 0 : i32
        %gather3A_511 = arith.constant 0 : i32
        %gather3A_512 = arith.constant 0 : i32
        %gather3A_513 = tpu.memref_slice %arg10[%gather3A_510, %gather3A_511, %gather3A_512] : memref<2x128x64xf32, #tpu.memory_space<vmem>> -> memref<1x128x64xf32, #tpu.memory_space<vmem>>
        %gather3A_514 = tpu.memref_squeeze %gather3A_513 : memref<1x128x64xf32, #tpu.memory_space<vmem>> -> memref<128x64xf32, #tpu.memory_space<vmem>>
        %gather3A_515 = tpu.vector_load_idx %gather3A_514[%add3A_220, %add3A_503] : memref<128x64xf32, #tpu.memory_space<vmem>>[vector<16xi32>, vector<16xi32>], vector<16xf32>,
        %mul3A_516 = arith.mulf %gather3A_509, %gather3A_515 : vector<16xf32>
        %add3A_517 = arith.addf %add3A_477, %mul3A_516 : vector<16xf32>
        %add3A_518 = arith.constant 14 : i32
        %add3A_519 = arith.addi %mul3A_238, %add3A_518 : i32
        %broadcast_in_dim3A_520 = arith.constant 0 : i32
        %broadcast_in_dim3A_521 = vector.broadcast %broadcast_in_dim3A_520 : i32 to vector<16xi32>
        %add3A_522 = vector.broadcast %add3A_519 : i32 to vector<16xi32>
        %add3A_523 = arith.addi %add3A_522, %broadcast_in_dim3A_521 : vector<16xi32>
        %gather3A_524 = arith.constant 0 : i32
        %gather3A_525 = arith.constant 0 : i32
        %gather3A_526 = arith.constant 0 : i32
        %gather3A_527 = tpu.memref_slice %arg9[%gather3A_524, %gather3A_525, %gather3A_526] : memref<2x128x64xf32, #tpu.memory_space<vmem>> -> memref<1x128x64xf32, #tpu.memory_space<vmem>>
        %gather3A_528 = tpu.memref_squeeze %gather3A_527 : memref<1x128x64xf32, #tpu.memory_space<vmem>> -> memref<128x64xf32, #tpu.memory_space<vmem>>
        %gather3A_529 = tpu.vector_load_idx %gather3A_528[%add3A_220, %add3A_523] : memref<128x64xf32, #tpu.memory_space<vmem>>[vector<16xi32>, vector<16xi32>], vector<16xf32>,
        %gather3A_530 = arith.constant 0 : i32
        %gather3A_531 = arith.constant 0 : i32
        %gather3A_532 = arith.constant 0 : i32
        %gather3A_533 = tpu.memref_slice %arg10[%gather3A_530, %gather3A_531, %gather3A_532] : memref<2x128x64xf32, #tpu.memory_space<vmem>> -> memref<1x128x64xf32, #tpu.memory_space<vmem>>
        %gather3A_534 = tpu.memref_squeeze %gather3A_533 : memref<1x128x64xf32, #tpu.memory_space<vmem>> -> memref<128x64xf32, #tpu.memory_space<vmem>>
        %gather3A_535 = tpu.vector_load_idx %gather3A_534[%add3A_220, %add3A_523] : memref<128x64xf32, #tpu.memory_space<vmem>>[vector<16xi32>, vector<16xi32>], vector<16xf32>,
        %mul3A_536 = arith.mulf %gather3A_529, %gather3A_535 : vector<16xf32>
        %add3A_537 = arith.addf %add3A_497, %mul3A_536 : vector<16xf32>
        %add3A_538 = arith.constant 15 : i32
        %add3A_539 = arith.addi %mul3A_238, %add3A_538 : i32
        %broadcast_in_dim3A_540 = arith.constant 0 : i32
        %broadcast_in_dim3A_541 = vector.broadcast %broadcast_in_dim3A_540 : i32 to vector<16xi32>
        %add3A_542 = vector.broadcast %add3A_539 : i32 to vector<16xi32>
        %add3A_543 = arith.addi %add3A_542, %broadcast_in_dim3A_541 : vector<16xi32>
        %gather3A_544 = arith.constant 0 : i32
        %gather3A_545 = arith.constant 0 : i32
        %gather3A_546 = arith.constant 0 : i32
        %gather3A_547 = tpu.memref_slice %arg9[%gather3A_544, %gather3A_545, %gather3A_546] : memref<2x128x64xf32, #tpu.memory_space<vmem>> -> memref<1x128x64xf32, #tpu.memory_space<vmem>>
        %gather3A_548 = tpu.memref_squeeze %gather3A_547 : memref<1x128x64xf32, #tpu.memory_space<vmem>> -> memref<128x64xf32, #tpu.memory_space<vmem>>
        %gather3A_549 = tpu.vector_load_idx %gather3A_548[%add3A_220, %add3A_543] : memref<128x64xf32, #tpu.memory_space<vmem>>[vector<16xi32>, vector<16xi32>], vector<16xf32>,
        %gather3A_550 = arith.constant 0 : i32
        %gather3A_551 = arith.constant 0 : i32
        %gather3A_552 = arith.constant 0 : i32
        %gather3A_553 = tpu.memref_slice %arg10[%gather3A_550, %gather3A_551, %gather3A_552] : memref<2x128x64xf32, #tpu.memory_space<vmem>> -> memref<1x128x64xf32, #tpu.memory_space<vmem>>
        %gather3A_554 = tpu.memref_squeeze %gather3A_553 : memref<1x128x64xf32, #tpu.memory_space<vmem>> -> memref<128x64xf32, #tpu.memory_space<vmem>>
        %gather3A_555 = tpu.vector_load_idx %gather3A_554[%add3A_220, %add3A_543] : memref<128x64xf32, #tpu.memory_space<vmem>>[vector<16xi32>, vector<16xi32>], vector<16xf32>,
        %mul3A_556 = arith.mulf %gather3A_549, %gather3A_555 : vector<16xf32>
        %add3A_557 = arith.addf %add3A_517, %mul3A_556 : vector<16xf32>
        scf.yield %add3A_537, %add3A_557 : vector<16xf32>, vector<16xf32>
      }
      %scan3A_227 = arith.constant 4 : i32
      %add3A_228 = arith.addf %scan3A_226#0, %scan3A_226#1 : vector<16xf32>
      %mul3A_229 = arith.constant 16 : i32
      %mul3A_230 = arith.muli %scan3A_216, %mul3A_229 : i32
      %add3A_231 = arith.constant 256 : i32
      %add3A_232 = arith.addi %add3A_231, %mul3A_230 : i32
      %swap3A = arith.index_cast %add3A_232 : i32 to index
      %swap3A_233 = tpu.vector_load %arg11[%swap3A] {strides = array<i32>} : memref<512xf32, #tpu.memory_space<vmem>>, vector<16xf32>,
      tpu.vector_store %arg11[%swap3A], %add3A_228 {strides = array<i32>} : memref<512xf32, #tpu.memory_space<vmem>>, vector<16xf32>,
    }
    %scan3A_185 = arith.constant 8 : i32
    %dma_wait3A_186 = arith.constant 3 : i32
    %dma_wait3A_187 = arith.constant 1 : i32
    %dma_wait3A_188 = arith.constant 0 : i32
    %dma_wait3A_189 = arith.constant 0 : i32
    %dma_wait3A_190 = tpu.memref_slice %arg9[%dma_wait3A_187, %dma_wait3A_188, %dma_wait3A_189] : memref<2x128x64xf32, #tpu.memory_space<vmem>> -> memref<1x128x64xf32, #tpu.memory_space<vmem>>
    %dma_wait3A_191 = tpu.memref_squeeze %dma_wait3A_190 : memref<1x128x64xf32, #tpu.memory_space<vmem>> -> memref<128x64xf32, #tpu.memory_space<vmem>>
    %dma_wait3A_192 = arith.constant 0 : i32
    %dma_wait3A_193 = tpu.memref_slice %arg7[%dma_wait3A_186, %dma_wait3A_192] : memref<4x128xi32, #tpu.memory_space<vmem>> -> memref<1x128xi32, #tpu.memory_space<vmem>>
    %dma_wait3A_194 = tpu.memref_squeeze %dma_wait3A_193 : memref<1x128xi32, #tpu.memory_space<vmem>> -> memref<128xi32, #tpu.memory_space<vmem>>
    %dma_wait3A_195 = arith.constant 0 : i32
    %dma_wait3A_196 = arith.constant 0 : i32
    %dma_wait3A_197 = tpu.memref_slice %arg4[%dma_wait3A_195, %dma_wait3A_196] : memref<1000000x64xf32, #tpu.memory_space<hbm>> -> memref<1000000x64xf32, #tpu.memory_space<hbm>>
    tpu.wait_indirect_dma semaphore(%arg12 : memref<!tpu.dma_semaphore, #tpu.memory_space<semaphore_mem>>) src(%dma_wait3A_197 : memref<1000000x64xf32, #tpu.memory_space<hbm>>) dst(%dma_wait3A_191 : memref<128x64xf32, #tpu.memory_space<vmem>>)
    %dma_wait3A_198 = arith.constant 3 : i32
    %dma_wait3A_199 = arith.constant 1 : i32
    %dma_wait3A_200 = arith.constant 0 : i32
    %dma_wait3A_201 = arith.constant 0 : i32
    %dma_wait3A_202 = tpu.memref_slice %arg10[%dma_wait3A_199, %dma_wait3A_200, %dma_wait3A_201] : memref<2x128x64xf32, #tpu.memory_space<vmem>> -> memref<1x128x64xf32, #tpu.memory_space<vmem>>
    %dma_wait3A_203 = tpu.memref_squeeze %dma_wait3A_202 : memref<1x128x64xf32, #tpu.memory_space<vmem>> -> memref<128x64xf32, #tpu.memory_space<vmem>>
    %dma_wait3A_204 = arith.constant 0 : i32
    %dma_wait3A_205 = tpu.memref_slice %arg8[%dma_wait3A_198, %dma_wait3A_204] : memref<4x128xi32, #tpu.memory_space<vmem>> -> memref<1x128xi32, #tpu.memory_space<vmem>>
    %dma_wait3A_206 = tpu.memref_squeeze %dma_wait3A_205 : memref<1x128xi32, #tpu.memory_space<vmem>> -> memref<128xi32, #tpu.memory_space<vmem>>
    %dma_wait3A_207 = arith.constant 0 : i32
    %dma_wait3A_208 = arith.constant 0 : i32
    %dma_wait3A_209 = tpu.memref_slice %arg5[%dma_wait3A_207, %dma_wait3A_208] : memref<100000x64xf32, #tpu.memory_space<hbm>> -> memref<100000x64xf32, #tpu.memory_space<hbm>>
    tpu.wait_indirect_dma semaphore(%arg13 : memref<!tpu.dma_semaphore, #tpu.memory_space<semaphore_mem>>) src(%dma_wait3A_209 : memref<100000x64xf32, #tpu.memory_space<hbm>>) dst(%dma_wait3A_203 : memref<128x64xf32, #tpu.memory_space<vmem>>)
    %scan3A_210 = arith.constant 0 : i32
    %scan3A_211 = arith.constant 0 : i32
    %scan3A_212 = arith.constant 8 : i32
    %scan3A_213 = arith.addi %scan3A_211, %scan3A_212 : i32
    %scan3A_214 = arith.constant 1 : i32
    scf.for %scan3A_216 = %scan3A_211 to %scan3A_213 step %scan3A_214  : i32 {
      %mul3A_217 = arith.constant 16 : i32
      %mul3A_218 = arith.muli %scan3A_216, %mul3A_217 : i32
      %add3A_219 = vector.broadcast %mul3A_218 : i32 to vector<16xi32>
      %add3A_220 = arith.addi %add3A_219, %iota3A : vector<16xi32>
      %broadcast_in_dim3A = arith.constant 0.000000e+00 : f32
      %broadcast_in_dim3A_221 = vector.broadcast %broadcast_in_dim3A : f32 to vector<16xf32>
      %scan3A_222 = arith.constant 0 : i32
      %scan3A_223 = arith.constant 4 : i32
      %scan3A_224 = arith.addi %scan3A_222, %scan3A_223 : i32
      %scan3A_225 = arith.constant 1 : i32
      %scan3A_226:2 = scf.for %scan3A_234 = %scan3A_222 to %scan3A_224 step %scan3A_225 iter_args(%scan3A_235 = %broadcast_in_dim3A_221, %scan3A_236 = %broadcast_in_dim3A_221) -> (vector<16xf32>, vector<16xf32>)  : i32 {
        %mul3A_237 = arith.constant 16 : i32
        %mul3A_238 = arith.muli %scan3A_234, %mul3A_237 : i32
        %add3A_239 = arith.constant 0 : i32
        %add3A_240 = arith.addi %mul3A_238, %add3A_239 : i32
        %broadcast_in_dim3A_241 = arith.constant 0 : i32
        %broadcast_in_dim3A_242 = vector.broadcast %broadcast_in_dim3A_241 : i32 to vector<16xi32>
        %add3A_243 = vector.broadcast %add3A_240 : i32 to vector<16xi32>
        %add3A_244 = arith.addi %add3A_243, %broadcast_in_dim3A_242 : vector<16xi32>
        %gather3A = arith.constant 1 : i32
        %gather3A_245 = arith.constant 0 : i32
        %gather3A_246 = arith.constant 0 : i32
        %gather3A_247 = tpu.memref_slice %arg9[%gather3A, %gather3A_245, %gather3A_246] : memref<2x128x64xf32, #tpu.memory_space<vmem>> -> memref<1x128x64xf32, #tpu.memory_space<vmem>>
        %gather3A_248 = tpu.memref_squeeze %gather3A_247 : memref<1x128x64xf32, #tpu.memory_space<vmem>> -> memref<128x64xf32, #tpu.memory_space<vmem>>
        %gather3A_249 = tpu.vector_load_idx %gather3A_248[%add3A_220, %add3A_244] : memref<128x64xf32, #tpu.memory_space<vmem>>[vector<16xi32>, vector<16xi32>], vector<16xf32>,
        %gather3A_250 = arith.constant 1 : i32
        %gather3A_251 = arith.constant 0 : i32
        %gather3A_252 = arith.constant 0 : i32
        %gather3A_253 = tpu.memref_slice %arg10[%gather3A_250, %gather3A_251, %gather3A_252] : memref<2x128x64xf32, #tpu.memory_space<vmem>> -> memref<1x128x64xf32, #tpu.memory_space<vmem>>
        %gather3A_254 = tpu.memref_squeeze %gather3A_253 : memref<1x128x64xf32, #tpu.memory_space<vmem>> -> memref<128x64xf32, #tpu.memory_space<vmem>>
        %gather3A_255 = tpu.vector_load_idx %gather3A_254[%add3A_220, %add3A_244] : memref<128x64xf32, #tpu.memory_space<vmem>>[vector<16xi32>, vector<16xi32>], vector<16xf32>,
        %mul3A_256 = arith.mulf %gather3A_249, %gather3A_255 : vector<16xf32>
        %add3A_257 = arith.addf %scan3A_235, %mul3A_256 : vector<16xf32>
        %add3A_258 = arith.constant 1 : i32
        %add3A_259 = arith.addi %mul3A_238, %add3A_258 : i32
        %broadcast_in_dim3A_260 = arith.constant 0 : i32
        %broadcast_in_dim3A_261 = vector.broadcast %broadcast_in_dim3A_260 : i32 to vector<16xi32>
        %add3A_262 = vector.broadcast %add3A_259 : i32 to vector<16xi32>
        %add3A_263 = arith.addi %add3A_262, %broadcast_in_dim3A_261 : vector<16xi32>
        %gather3A_264 = arith.constant 1 : i32
        %gather3A_265 = arith.constant 0 : i32
        %gather3A_266 = arith.constant 0 : i32
        %gather3A_267 = tpu.memref_slice %arg9[%gather3A_264, %gather3A_265, %gather3A_266] : memref<2x128x64xf32, #tpu.memory_space<vmem>> -> memref<1x128x64xf32, #tpu.memory_space<vmem>>
        %gather3A_268 = tpu.memref_squeeze %gather3A_267 : memref<1x128x64xf32, #tpu.memory_space<vmem>> -> memref<128x64xf32, #tpu.memory_space<vmem>>
        %gather3A_269 = tpu.vector_load_idx %gather3A_268[%add3A_220, %add3A_263] : memref<128x64xf32, #tpu.memory_space<vmem>>[vector<16xi32>, vector<16xi32>], vector<16xf32>,
        %gather3A_270 = arith.constant 1 : i32
        %gather3A_271 = arith.constant 0 : i32
        %gather3A_272 = arith.constant 0 : i32
        %gather3A_273 = tpu.memref_slice %arg10[%gather3A_270, %gather3A_271, %gather3A_272] : memref<2x128x64xf32, #tpu.memory_space<vmem>> -> memref<1x128x64xf32, #tpu.memory_space<vmem>>
        %gather3A_274 = tpu.memref_squeeze %gather3A_273 : memref<1x128x64xf32, #tpu.memory_space<vmem>> -> memref<128x64xf32, #tpu.memory_space<vmem>>
        %gather3A_275 = tpu.vector_load_idx %gather3A_274[%add3A_220, %add3A_263] : memref<128x64xf32, #tpu.memory_space<vmem>>[vector<16xi32>, vector<16xi32>], vector<16xf32>,
        %mul3A_276 = arith.mulf %gather3A_269, %gather3A_275 : vector<16xf32>
        %add3A_277 = arith.addf %scan3A_236, %mul3A_276 : vector<16xf32>
        %add3A_278 = arith.constant 2 : i32
        %add3A_279 = arith.addi %mul3A_238, %add3A_278 : i32
        %broadcast_in_dim3A_280 = arith.constant 0 : i32
        %broadcast_in_dim3A_281 = vector.broadcast %broadcast_in_dim3A_280 : i32 to vector<16xi32>
        %add3A_282 = vector.broadcast %add3A_279 : i32 to vector<16xi32>
        %add3A_283 = arith.addi %add3A_282, %broadcast_in_dim3A_281 : vector<16xi32>
        %gather3A_284 = arith.constant 1 : i32
        %gather3A_285 = arith.constant 0 : i32
        %gather3A_286 = arith.constant 0 : i32
        %gather3A_287 = tpu.memref_slice %arg9[%gather3A_284, %gather3A_285, %gather3A_286] : memref<2x128x64xf32, #tpu.memory_space<vmem>> -> memref<1x128x64xf32, #tpu.memory_space<vmem>>
        %gather3A_288 = tpu.memref_squeeze %gather3A_287 : memref<1x128x64xf32, #tpu.memory_space<vmem>> -> memref<128x64xf32, #tpu.memory_space<vmem>>
        %gather3A_289 = tpu.vector_load_idx %gather3A_288[%add3A_220, %add3A_283] : memref<128x64xf32, #tpu.memory_space<vmem>>[vector<16xi32>, vector<16xi32>], vector<16xf32>,
        %gather3A_290 = arith.constant 1 : i32
        %gather3A_291 = arith.constant 0 : i32
        %gather3A_292 = arith.constant 0 : i32
        %gather3A_293 = tpu.memref_slice %arg10[%gather3A_290, %gather3A_291, %gather3A_292] : memref<2x128x64xf32, #tpu.memory_space<vmem>> -> memref<1x128x64xf32, #tpu.memory_space<vmem>>
        %gather3A_294 = tpu.memref_squeeze %gather3A_293 : memref<1x128x64xf32, #tpu.memory_space<vmem>> -> memref<128x64xf32, #tpu.memory_space<vmem>>
        %gather3A_295 = tpu.vector_load_idx %gather3A_294[%add3A_220, %add3A_283] : memref<128x64xf32, #tpu.memory_space<vmem>>[vector<16xi32>, vector<16xi32>], vector<16xf32>,
        %mul3A_296 = arith.mulf %gather3A_289, %gather3A_295 : vector<16xf32>
        %add3A_297 = arith.addf %add3A_257, %mul3A_296 : vector<16xf32>
        %add3A_298 = arith.constant 3 : i32
        %add3A_299 = arith.addi %mul3A_238, %add3A_298 : i32
        %broadcast_in_dim3A_300 = arith.constant 0 : i32
        %broadcast_in_dim3A_301 = vector.broadcast %broadcast_in_dim3A_300 : i32 to vector<16xi32>
        %add3A_302 = vector.broadcast %add3A_299 : i32 to vector<16xi32>
        %add3A_303 = arith.addi %add3A_302, %broadcast_in_dim3A_301 : vector<16xi32>
        %gather3A_304 = arith.constant 1 : i32
        %gather3A_305 = arith.constant 0 : i32
        %gather3A_306 = arith.constant 0 : i32
        %gather3A_307 = tpu.memref_slice %arg9[%gather3A_304, %gather3A_305, %gather3A_306] : memref<2x128x64xf32, #tpu.memory_space<vmem>> -> memref<1x128x64xf32, #tpu.memory_space<vmem>>
        %gather3A_308 = tpu.memref_squeeze %gather3A_307 : memref<1x128x64xf32, #tpu.memory_space<vmem>> -> memref<128x64xf32, #tpu.memory_space<vmem>>
        %gather3A_309 = tpu.vector_load_idx %gather3A_308[%add3A_220, %add3A_303] : memref<128x64xf32, #tpu.memory_space<vmem>>[vector<16xi32>, vector<16xi32>], vector<16xf32>,
        %gather3A_310 = arith.constant 1 : i32
        %gather3A_311 = arith.constant 0 : i32
        %gather3A_312 = arith.constant 0 : i32
        %gather3A_313 = tpu.memref_slice %arg10[%gather3A_310, %gather3A_311, %gather3A_312] : memref<2x128x64xf32, #tpu.memory_space<vmem>> -> memref<1x128x64xf32, #tpu.memory_space<vmem>>
        %gather3A_314 = tpu.memref_squeeze %gather3A_313 : memref<1x128x64xf32, #tpu.memory_space<vmem>> -> memref<128x64xf32, #tpu.memory_space<vmem>>
        %gather3A_315 = tpu.vector_load_idx %gather3A_314[%add3A_220, %add3A_303] : memref<128x64xf32, #tpu.memory_space<vmem>>[vector<16xi32>, vector<16xi32>], vector<16xf32>,
        %mul3A_316 = arith.mulf %gather3A_309, %gather3A_315 : vector<16xf32>
        %add3A_317 = arith.addf %add3A_277, %mul3A_316 : vector<16xf32>
        %add3A_318 = arith.constant 4 : i32
        %add3A_319 = arith.addi %mul3A_238, %add3A_318 : i32
        %broadcast_in_dim3A_320 = arith.constant 0 : i32
        %broadcast_in_dim3A_321 = vector.broadcast %broadcast_in_dim3A_320 : i32 to vector<16xi32>
        %add3A_322 = vector.broadcast %add3A_319 : i32 to vector<16xi32>
        %add3A_323 = arith.addi %add3A_322, %broadcast_in_dim3A_321 : vector<16xi32>
        %gather3A_324 = arith.constant 1 : i32
        %gather3A_325 = arith.constant 0 : i32
        %gather3A_326 = arith.constant 0 : i32
        %gather3A_327 = tpu.memref_slice %arg9[%gather3A_324, %gather3A_325, %gather3A_326] : memref<2x128x64xf32, #tpu.memory_space<vmem>> -> memref<1x128x64xf32, #tpu.memory_space<vmem>>
        %gather3A_328 = tpu.memref_squeeze %gather3A_327 : memref<1x128x64xf32, #tpu.memory_space<vmem>> -> memref<128x64xf32, #tpu.memory_space<vmem>>
        %gather3A_329 = tpu.vector_load_idx %gather3A_328[%add3A_220, %add3A_323] : memref<128x64xf32, #tpu.memory_space<vmem>>[vector<16xi32>, vector<16xi32>], vector<16xf32>,
        %gather3A_330 = arith.constant 1 : i32
        %gather3A_331 = arith.constant 0 : i32
        %gather3A_332 = arith.constant 0 : i32
        %gather3A_333 = tpu.memref_slice %arg10[%gather3A_330, %gather3A_331, %gather3A_332] : memref<2x128x64xf32, #tpu.memory_space<vmem>> -> memref<1x128x64xf32, #tpu.memory_space<vmem>>
        %gather3A_334 = tpu.memref_squeeze %gather3A_333 : memref<1x128x64xf32, #tpu.memory_space<vmem>> -> memref<128x64xf32, #tpu.memory_space<vmem>>
        %gather3A_335 = tpu.vector_load_idx %gather3A_334[%add3A_220, %add3A_323] : memref<128x64xf32, #tpu.memory_space<vmem>>[vector<16xi32>, vector<16xi32>], vector<16xf32>,
        %mul3A_336 = arith.mulf %gather3A_329, %gather3A_335 : vector<16xf32>
        %add3A_337 = arith.addf %add3A_297, %mul3A_336 : vector<16xf32>
        %add3A_338 = arith.constant 5 : i32
        %add3A_339 = arith.addi %mul3A_238, %add3A_338 : i32
        %broadcast_in_dim3A_340 = arith.constant 0 : i32
        %broadcast_in_dim3A_341 = vector.broadcast %broadcast_in_dim3A_340 : i32 to vector<16xi32>
        %add3A_342 = vector.broadcast %add3A_339 : i32 to vector<16xi32>
        %add3A_343 = arith.addi %add3A_342, %broadcast_in_dim3A_341 : vector<16xi32>
        %gather3A_344 = arith.constant 1 : i32
        %gather3A_345 = arith.constant 0 : i32
        %gather3A_346 = arith.constant 0 : i32
        %gather3A_347 = tpu.memref_slice %arg9[%gather3A_344, %gather3A_345, %gather3A_346] : memref<2x128x64xf32, #tpu.memory_space<vmem>> -> memref<1x128x64xf32, #tpu.memory_space<vmem>>
        %gather3A_348 = tpu.memref_squeeze %gather3A_347 : memref<1x128x64xf32, #tpu.memory_space<vmem>> -> memref<128x64xf32, #tpu.memory_space<vmem>>
        %gather3A_349 = tpu.vector_load_idx %gather3A_348[%add3A_220, %add3A_343] : memref<128x64xf32, #tpu.memory_space<vmem>>[vector<16xi32>, vector<16xi32>], vector<16xf32>,
        %gather3A_350 = arith.constant 1 : i32
        %gather3A_351 = arith.constant 0 : i32
        %gather3A_352 = arith.constant 0 : i32
        %gather3A_353 = tpu.memref_slice %arg10[%gather3A_350, %gather3A_351, %gather3A_352] : memref<2x128x64xf32, #tpu.memory_space<vmem>> -> memref<1x128x64xf32, #tpu.memory_space<vmem>>
        %gather3A_354 = tpu.memref_squeeze %gather3A_353 : memref<1x128x64xf32, #tpu.memory_space<vmem>> -> memref<128x64xf32, #tpu.memory_space<vmem>>
        %gather3A_355 = tpu.vector_load_idx %gather3A_354[%add3A_220, %add3A_343] : memref<128x64xf32, #tpu.memory_space<vmem>>[vector<16xi32>, vector<16xi32>], vector<16xf32>,
        %mul3A_356 = arith.mulf %gather3A_349, %gather3A_355 : vector<16xf32>
        %add3A_357 = arith.addf %add3A_317, %mul3A_356 : vector<16xf32>
        %add3A_358 = arith.constant 6 : i32
        %add3A_359 = arith.addi %mul3A_238, %add3A_358 : i32
        %broadcast_in_dim3A_360 = arith.constant 0 : i32
        %broadcast_in_dim3A_361 = vector.broadcast %broadcast_in_dim3A_360 : i32 to vector<16xi32>
        %add3A_362 = vector.broadcast %add3A_359 : i32 to vector<16xi32>
        %add3A_363 = arith.addi %add3A_362, %broadcast_in_dim3A_361 : vector<16xi32>
        %gather3A_364 = arith.constant 1 : i32
        %gather3A_365 = arith.constant 0 : i32
        %gather3A_366 = arith.constant 0 : i32
        %gather3A_367 = tpu.memref_slice %arg9[%gather3A_364, %gather3A_365, %gather3A_366] : memref<2x128x64xf32, #tpu.memory_space<vmem>> -> memref<1x128x64xf32, #tpu.memory_space<vmem>>
        %gather3A_368 = tpu.memref_squeeze %gather3A_367 : memref<1x128x64xf32, #tpu.memory_space<vmem>> -> memref<128x64xf32, #tpu.memory_space<vmem>>
        %gather3A_369 = tpu.vector_load_idx %gather3A_368[%add3A_220, %add3A_363] : memref<128x64xf32, #tpu.memory_space<vmem>>[vector<16xi32>, vector<16xi32>], vector<16xf32>,
        %gather3A_370 = arith.constant 1 : i32
        %gather3A_371 = arith.constant 0 : i32
        %gather3A_372 = arith.constant 0 : i32
        %gather3A_373 = tpu.memref_slice %arg10[%gather3A_370, %gather3A_371, %gather3A_372] : memref<2x128x64xf32, #tpu.memory_space<vmem>> -> memref<1x128x64xf32, #tpu.memory_space<vmem>>
        %gather3A_374 = tpu.memref_squeeze %gather3A_373 : memref<1x128x64xf32, #tpu.memory_space<vmem>> -> memref<128x64xf32, #tpu.memory_space<vmem>>
        %gather3A_375 = tpu.vector_load_idx %gather3A_374[%add3A_220, %add3A_363] : memref<128x64xf32, #tpu.memory_space<vmem>>[vector<16xi32>, vector<16xi32>], vector<16xf32>,
        %mul3A_376 = arith.mulf %gather3A_369, %gather3A_375 : vector<16xf32>
        %add3A_377 = arith.addf %add3A_337, %mul3A_376 : vector<16xf32>
        %add3A_378 = arith.constant 7 : i32
        %add3A_379 = arith.addi %mul3A_238, %add3A_378 : i32
        %broadcast_in_dim3A_380 = arith.constant 0 : i32
        %broadcast_in_dim3A_381 = vector.broadcast %broadcast_in_dim3A_380 : i32 to vector<16xi32>
        %add3A_382 = vector.broadcast %add3A_379 : i32 to vector<16xi32>
        %add3A_383 = arith.addi %add3A_382, %broadcast_in_dim3A_381 : vector<16xi32>
        %gather3A_384 = arith.constant 1 : i32
        %gather3A_385 = arith.constant 0 : i32
        %gather3A_386 = arith.constant 0 : i32
        %gather3A_387 = tpu.memref_slice %arg9[%gather3A_384, %gather3A_385, %gather3A_386] : memref<2x128x64xf32, #tpu.memory_space<vmem>> -> memref<1x128x64xf32, #tpu.memory_space<vmem>>
        %gather3A_388 = tpu.memref_squeeze %gather3A_387 : memref<1x128x64xf32, #tpu.memory_space<vmem>> -> memref<128x64xf32, #tpu.memory_space<vmem>>
        %gather3A_389 = tpu.vector_load_idx %gather3A_388[%add3A_220, %add3A_383] : memref<128x64xf32, #tpu.memory_space<vmem>>[vector<16xi32>, vector<16xi32>], vector<16xf32>,
        %gather3A_390 = arith.constant 1 : i32
        %gather3A_391 = arith.constant 0 : i32
        %gather3A_392 = arith.constant 0 : i32
        %gather3A_393 = tpu.memref_slice %arg10[%gather3A_390, %gather3A_391, %gather3A_392] : memref<2x128x64xf32, #tpu.memory_space<vmem>> -> memref<1x128x64xf32, #tpu.memory_space<vmem>>
        %gather3A_394 = tpu.memref_squeeze %gather3A_393 : memref<1x128x64xf32, #tpu.memory_space<vmem>> -> memref<128x64xf32, #tpu.memory_space<vmem>>
        %gather3A_395 = tpu.vector_load_idx %gather3A_394[%add3A_220, %add3A_383] : memref<128x64xf32, #tpu.memory_space<vmem>>[vector<16xi32>, vector<16xi32>], vector<16xf32>,
        %mul3A_396 = arith.mulf %gather3A_389, %gather3A_395 : vector<16xf32>
        %add3A_397 = arith.addf %add3A_357, %mul3A_396 : vector<16xf32>
        %add3A_398 = arith.constant 8 : i32
        %add3A_399 = arith.addi %mul3A_238, %add3A_398 : i32
        %broadcast_in_dim3A_400 = arith.constant 0 : i32
        %broadcast_in_dim3A_401 = vector.broadcast %broadcast_in_dim3A_400 : i32 to vector<16xi32>
        %add3A_402 = vector.broadcast %add3A_399 : i32 to vector<16xi32>
        %add3A_403 = arith.addi %add3A_402, %broadcast_in_dim3A_401 : vector<16xi32>
        %gather3A_404 = arith.constant 1 : i32
        %gather3A_405 = arith.constant 0 : i32
        %gather3A_406 = arith.constant 0 : i32
        %gather3A_407 = tpu.memref_slice %arg9[%gather3A_404, %gather3A_405, %gather3A_406] : memref<2x128x64xf32, #tpu.memory_space<vmem>> -> memref<1x128x64xf32, #tpu.memory_space<vmem>>
        %gather3A_408 = tpu.memref_squeeze %gather3A_407 : memref<1x128x64xf32, #tpu.memory_space<vmem>> -> memref<128x64xf32, #tpu.memory_space<vmem>>
        %gather3A_409 = tpu.vector_load_idx %gather3A_408[%add3A_220, %add3A_403] : memref<128x64xf32, #tpu.memory_space<vmem>>[vector<16xi32>, vector<16xi32>], vector<16xf32>,
        %gather3A_410 = arith.constant 1 : i32
        %gather3A_411 = arith.constant 0 : i32
        %gather3A_412 = arith.constant 0 : i32
        %gather3A_413 = tpu.memref_slice %arg10[%gather3A_410, %gather3A_411, %gather3A_412] : memref<2x128x64xf32, #tpu.memory_space<vmem>> -> memref<1x128x64xf32, #tpu.memory_space<vmem>>
        %gather3A_414 = tpu.memref_squeeze %gather3A_413 : memref<1x128x64xf32, #tpu.memory_space<vmem>> -> memref<128x64xf32, #tpu.memory_space<vmem>>
        %gather3A_415 = tpu.vector_load_idx %gather3A_414[%add3A_220, %add3A_403] : memref<128x64xf32, #tpu.memory_space<vmem>>[vector<16xi32>, vector<16xi32>], vector<16xf32>,
        %mul3A_416 = arith.mulf %gather3A_409, %gather3A_415 : vector<16xf32>
        %add3A_417 = arith.addf %add3A_377, %mul3A_416 : vector<16xf32>
        %add3A_418 = arith.constant 9 : i32
        %add3A_419 = arith.addi %mul3A_238, %add3A_418 : i32
        %broadcast_in_dim3A_420 = arith.constant 0 : i32
        %broadcast_in_dim3A_421 = vector.broadcast %broadcast_in_dim3A_420 : i32 to vector<16xi32>
        %add3A_422 = vector.broadcast %add3A_419 : i32 to vector<16xi32>
        %add3A_423 = arith.addi %add3A_422, %broadcast_in_dim3A_421 : vector<16xi32>
        %gather3A_424 = arith.constant 1 : i32
        %gather3A_425 = arith.constant 0 : i32
        %gather3A_426 = arith.constant 0 : i32
        %gather3A_427 = tpu.memref_slice %arg9[%gather3A_424, %gather3A_425, %gather3A_426] : memref<2x128x64xf32, #tpu.memory_space<vmem>> -> memref<1x128x64xf32, #tpu.memory_space<vmem>>
        %gather3A_428 = tpu.memref_squeeze %gather3A_427 : memref<1x128x64xf32, #tpu.memory_space<vmem>> -> memref<128x64xf32, #tpu.memory_space<vmem>>
        %gather3A_429 = tpu.vector_load_idx %gather3A_428[%add3A_220, %add3A_423] : memref<128x64xf32, #tpu.memory_space<vmem>>[vector<16xi32>, vector<16xi32>], vector<16xf32>,
        %gather3A_430 = arith.constant 1 : i32
        %gather3A_431 = arith.constant 0 : i32
        %gather3A_432 = arith.constant 0 : i32
        %gather3A_433 = tpu.memref_slice %arg10[%gather3A_430, %gather3A_431, %gather3A_432] : memref<2x128x64xf32, #tpu.memory_space<vmem>> -> memref<1x128x64xf32, #tpu.memory_space<vmem>>
        %gather3A_434 = tpu.memref_squeeze %gather3A_433 : memref<1x128x64xf32, #tpu.memory_space<vmem>> -> memref<128x64xf32, #tpu.memory_space<vmem>>
        %gather3A_435 = tpu.vector_load_idx %gather3A_434[%add3A_220, %add3A_423] : memref<128x64xf32, #tpu.memory_space<vmem>>[vector<16xi32>, vector<16xi32>], vector<16xf32>,
        %mul3A_436 = arith.mulf %gather3A_429, %gather3A_435 : vector<16xf32>
        %add3A_437 = arith.addf %add3A_397, %mul3A_436 : vector<16xf32>
        %add3A_438 = arith.constant 10 : i32
        %add3A_439 = arith.addi %mul3A_238, %add3A_438 : i32
        %broadcast_in_dim3A_440 = arith.constant 0 : i32
        %broadcast_in_dim3A_441 = vector.broadcast %broadcast_in_dim3A_440 : i32 to vector<16xi32>
        %add3A_442 = vector.broadcast %add3A_439 : i32 to vector<16xi32>
        %add3A_443 = arith.addi %add3A_442, %broadcast_in_dim3A_441 : vector<16xi32>
        %gather3A_444 = arith.constant 1 : i32
        %gather3A_445 = arith.constant 0 : i32
        %gather3A_446 = arith.constant 0 : i32
        %gather3A_447 = tpu.memref_slice %arg9[%gather3A_444, %gather3A_445, %gather3A_446] : memref<2x128x64xf32, #tpu.memory_space<vmem>> -> memref<1x128x64xf32, #tpu.memory_space<vmem>>
        %gather3A_448 = tpu.memref_squeeze %gather3A_447 : memref<1x128x64xf32, #tpu.memory_space<vmem>> -> memref<128x64xf32, #tpu.memory_space<vmem>>
        %gather3A_449 = tpu.vector_load_idx %gather3A_448[%add3A_220, %add3A_443] : memref<128x64xf32, #tpu.memory_space<vmem>>[vector<16xi32>, vector<16xi32>], vector<16xf32>,
        %gather3A_450 = arith.constant 1 : i32
        %gather3A_451 = arith.constant 0 : i32
        %gather3A_452 = arith.constant 0 : i32
        %gather3A_453 = tpu.memref_slice %arg10[%gather3A_450, %gather3A_451, %gather3A_452] : memref<2x128x64xf32, #tpu.memory_space<vmem>> -> memref<1x128x64xf32, #tpu.memory_space<vmem>>
        %gather3A_454 = tpu.memref_squeeze %gather3A_453 : memref<1x128x64xf32, #tpu.memory_space<vmem>> -> memref<128x64xf32, #tpu.memory_space<vmem>>
        %gather3A_455 = tpu.vector_load_idx %gather3A_454[%add3A_220, %add3A_443] : memref<128x64xf32, #tpu.memory_space<vmem>>[vector<16xi32>, vector<16xi32>], vector<16xf32>,
        %mul3A_456 = arith.mulf %gather3A_449, %gather3A_455 : vector<16xf32>
        %add3A_457 = arith.addf %add3A_417, %mul3A_456 : vector<16xf32>
        %add3A_458 = arith.constant 11 : i32
        %add3A_459 = arith.addi %mul3A_238, %add3A_458 : i32
        %broadcast_in_dim3A_460 = arith.constant 0 : i32
        %broadcast_in_dim3A_461 = vector.broadcast %broadcast_in_dim3A_460 : i32 to vector<16xi32>
        %add3A_462 = vector.broadcast %add3A_459 : i32 to vector<16xi32>
        %add3A_463 = arith.addi %add3A_462, %broadcast_in_dim3A_461 : vector<16xi32>
        %gather3A_464 = arith.constant 1 : i32
        %gather3A_465 = arith.constant 0 : i32
        %gather3A_466 = arith.constant 0 : i32
        %gather3A_467 = tpu.memref_slice %arg9[%gather3A_464, %gather3A_465, %gather3A_466] : memref<2x128x64xf32, #tpu.memory_space<vmem>> -> memref<1x128x64xf32, #tpu.memory_space<vmem>>
        %gather3A_468 = tpu.memref_squeeze %gather3A_467 : memref<1x128x64xf32, #tpu.memory_space<vmem>> -> memref<128x64xf32, #tpu.memory_space<vmem>>
        %gather3A_469 = tpu.vector_load_idx %gather3A_468[%add3A_220, %add3A_463] : memref<128x64xf32, #tpu.memory_space<vmem>>[vector<16xi32>, vector<16xi32>], vector<16xf32>,
        %gather3A_470 = arith.constant 1 : i32
        %gather3A_471 = arith.constant 0 : i32
        %gather3A_472 = arith.constant 0 : i32
        %gather3A_473 = tpu.memref_slice %arg10[%gather3A_470, %gather3A_471, %gather3A_472] : memref<2x128x64xf32, #tpu.memory_space<vmem>> -> memref<1x128x64xf32, #tpu.memory_space<vmem>>
        %gather3A_474 = tpu.memref_squeeze %gather3A_473 : memref<1x128x64xf32, #tpu.memory_space<vmem>> -> memref<128x64xf32, #tpu.memory_space<vmem>>
        %gather3A_475 = tpu.vector_load_idx %gather3A_474[%add3A_220, %add3A_463] : memref<128x64xf32, #tpu.memory_space<vmem>>[vector<16xi32>, vector<16xi32>], vector<16xf32>,
        %mul3A_476 = arith.mulf %gather3A_469, %gather3A_475 : vector<16xf32>
        %add3A_477 = arith.addf %add3A_437, %mul3A_476 : vector<16xf32>
        %add3A_478 = arith.constant 12 : i32
        %add3A_479 = arith.addi %mul3A_238, %add3A_478 : i32
        %broadcast_in_dim3A_480 = arith.constant 0 : i32
        %broadcast_in_dim3A_481 = vector.broadcast %broadcast_in_dim3A_480 : i32 to vector<16xi32>
        %add3A_482 = vector.broadcast %add3A_479 : i32 to vector<16xi32>
        %add3A_483 = arith.addi %add3A_482, %broadcast_in_dim3A_481 : vector<16xi32>
        %gather3A_484 = arith.constant 1 : i32
        %gather3A_485 = arith.constant 0 : i32
        %gather3A_486 = arith.constant 0 : i32
        %gather3A_487 = tpu.memref_slice %arg9[%gather3A_484, %gather3A_485, %gather3A_486] : memref<2x128x64xf32, #tpu.memory_space<vmem>> -> memref<1x128x64xf32, #tpu.memory_space<vmem>>
        %gather3A_488 = tpu.memref_squeeze %gather3A_487 : memref<1x128x64xf32, #tpu.memory_space<vmem>> -> memref<128x64xf32, #tpu.memory_space<vmem>>
        %gather3A_489 = tpu.vector_load_idx %gather3A_488[%add3A_220, %add3A_483] : memref<128x64xf32, #tpu.memory_space<vmem>>[vector<16xi32>, vector<16xi32>], vector<16xf32>,
        %gather3A_490 = arith.constant 1 : i32
        %gather3A_491 = arith.constant 0 : i32
        %gather3A_492 = arith.constant 0 : i32
        %gather3A_493 = tpu.memref_slice %arg10[%gather3A_490, %gather3A_491, %gather3A_492] : memref<2x128x64xf32, #tpu.memory_space<vmem>> -> memref<1x128x64xf32, #tpu.memory_space<vmem>>
        %gather3A_494 = tpu.memref_squeeze %gather3A_493 : memref<1x128x64xf32, #tpu.memory_space<vmem>> -> memref<128x64xf32, #tpu.memory_space<vmem>>
        %gather3A_495 = tpu.vector_load_idx %gather3A_494[%add3A_220, %add3A_483] : memref<128x64xf32, #tpu.memory_space<vmem>>[vector<16xi32>, vector<16xi32>], vector<16xf32>,
        %mul3A_496 = arith.mulf %gather3A_489, %gather3A_495 : vector<16xf32>
        %add3A_497 = arith.addf %add3A_457, %mul3A_496 : vector<16xf32>
        %add3A_498 = arith.constant 13 : i32
        %add3A_499 = arith.addi %mul3A_238, %add3A_498 : i32
        %broadcast_in_dim3A_500 = arith.constant 0 : i32
        %broadcast_in_dim3A_501 = vector.broadcast %broadcast_in_dim3A_500 : i32 to vector<16xi32>
        %add3A_502 = vector.broadcast %add3A_499 : i32 to vector<16xi32>
        %add3A_503 = arith.addi %add3A_502, %broadcast_in_dim3A_501 : vector<16xi32>
        %gather3A_504 = arith.constant 1 : i32
        %gather3A_505 = arith.constant 0 : i32
        %gather3A_506 = arith.constant 0 : i32
        %gather3A_507 = tpu.memref_slice %arg9[%gather3A_504, %gather3A_505, %gather3A_506] : memref<2x128x64xf32, #tpu.memory_space<vmem>> -> memref<1x128x64xf32, #tpu.memory_space<vmem>>
        %gather3A_508 = tpu.memref_squeeze %gather3A_507 : memref<1x128x64xf32, #tpu.memory_space<vmem>> -> memref<128x64xf32, #tpu.memory_space<vmem>>
        %gather3A_509 = tpu.vector_load_idx %gather3A_508[%add3A_220, %add3A_503] : memref<128x64xf32, #tpu.memory_space<vmem>>[vector<16xi32>, vector<16xi32>], vector<16xf32>,
        %gather3A_510 = arith.constant 1 : i32
        %gather3A_511 = arith.constant 0 : i32
        %gather3A_512 = arith.constant 0 : i32
        %gather3A_513 = tpu.memref_slice %arg10[%gather3A_510, %gather3A_511, %gather3A_512] : memref<2x128x64xf32, #tpu.memory_space<vmem>> -> memref<1x128x64xf32, #tpu.memory_space<vmem>>
        %gather3A_514 = tpu.memref_squeeze %gather3A_513 : memref<1x128x64xf32, #tpu.memory_space<vmem>> -> memref<128x64xf32, #tpu.memory_space<vmem>>
        %gather3A_515 = tpu.vector_load_idx %gather3A_514[%add3A_220, %add3A_503] : memref<128x64xf32, #tpu.memory_space<vmem>>[vector<16xi32>, vector<16xi32>], vector<16xf32>,
        %mul3A_516 = arith.mulf %gather3A_509, %gather3A_515 : vector<16xf32>
        %add3A_517 = arith.addf %add3A_477, %mul3A_516 : vector<16xf32>
        %add3A_518 = arith.constant 14 : i32
        %add3A_519 = arith.addi %mul3A_238, %add3A_518 : i32
        %broadcast_in_dim3A_520 = arith.constant 0 : i32
        %broadcast_in_dim3A_521 = vector.broadcast %broadcast_in_dim3A_520 : i32 to vector<16xi32>
        %add3A_522 = vector.broadcast %add3A_519 : i32 to vector<16xi32>
        %add3A_523 = arith.addi %add3A_522, %broadcast_in_dim3A_521 : vector<16xi32>
        %gather3A_524 = arith.constant 1 : i32
        %gather3A_525 = arith.constant 0 : i32
        %gather3A_526 = arith.constant 0 : i32
        %gather3A_527 = tpu.memref_slice %arg9[%gather3A_524, %gather3A_525, %gather3A_526] : memref<2x128x64xf32, #tpu.memory_space<vmem>> -> memref<1x128x64xf32, #tpu.memory_space<vmem>>
        %gather3A_528 = tpu.memref_squeeze %gather3A_527 : memref<1x128x64xf32, #tpu.memory_space<vmem>> -> memref<128x64xf32, #tpu.memory_space<vmem>>
        %gather3A_529 = tpu.vector_load_idx %gather3A_528[%add3A_220, %add3A_523] : memref<128x64xf32, #tpu.memory_space<vmem>>[vector<16xi32>, vector<16xi32>], vector<16xf32>,
        %gather3A_530 = arith.constant 1 : i32
        %gather3A_531 = arith.constant 0 : i32
        %gather3A_532 = arith.constant 0 : i32
        %gather3A_533 = tpu.memref_slice %arg10[%gather3A_530, %gather3A_531, %gather3A_532] : memref<2x128x64xf32, #tpu.memory_space<vmem>> -> memref<1x128x64xf32, #tpu.memory_space<vmem>>
        %gather3A_534 = tpu.memref_squeeze %gather3A_533 : memref<1x128x64xf32, #tpu.memory_space<vmem>> -> memref<128x64xf32, #tpu.memory_space<vmem>>
        %gather3A_535 = tpu.vector_load_idx %gather3A_534[%add3A_220, %add3A_523] : memref<128x64xf32, #tpu.memory_space<vmem>>[vector<16xi32>, vector<16xi32>], vector<16xf32>,
        %mul3A_536 = arith.mulf %gather3A_529, %gather3A_535 : vector<16xf32>
        %add3A_537 = arith.addf %add3A_497, %mul3A_536 : vector<16xf32>
        %add3A_538 = arith.constant 15 : i32
        %add3A_539 = arith.addi %mul3A_238, %add3A_538 : i32
        %broadcast_in_dim3A_540 = arith.constant 0 : i32
        %broadcast_in_dim3A_541 = vector.broadcast %broadcast_in_dim3A_540 : i32 to vector<16xi32>
        %add3A_542 = vector.broadcast %add3A_539 : i32 to vector<16xi32>
        %add3A_543 = arith.addi %add3A_542, %broadcast_in_dim3A_541 : vector<16xi32>
        %gather3A_544 = arith.constant 1 : i32
        %gather3A_545 = arith.constant 0 : i32
        %gather3A_546 = arith.constant 0 : i32
        %gather3A_547 = tpu.memref_slice %arg9[%gather3A_544, %gather3A_545, %gather3A_546] : memref<2x128x64xf32, #tpu.memory_space<vmem>> -> memref<1x128x64xf32, #tpu.memory_space<vmem>>
        %gather3A_548 = tpu.memref_squeeze %gather3A_547 : memref<1x128x64xf32, #tpu.memory_space<vmem>> -> memref<128x64xf32, #tpu.memory_space<vmem>>
        %gather3A_549 = tpu.vector_load_idx %gather3A_548[%add3A_220, %add3A_543] : memref<128x64xf32, #tpu.memory_space<vmem>>[vector<16xi32>, vector<16xi32>], vector<16xf32>,
        %gather3A_550 = arith.constant 1 : i32
        %gather3A_551 = arith.constant 0 : i32
        %gather3A_552 = arith.constant 0 : i32
        %gather3A_553 = tpu.memref_slice %arg10[%gather3A_550, %gather3A_551, %gather3A_552] : memref<2x128x64xf32, #tpu.memory_space<vmem>> -> memref<1x128x64xf32, #tpu.memory_space<vmem>>
        %gather3A_554 = tpu.memref_squeeze %gather3A_553 : memref<1x128x64xf32, #tpu.memory_space<vmem>> -> memref<128x64xf32, #tpu.memory_space<vmem>>
        %gather3A_555 = tpu.vector_load_idx %gather3A_554[%add3A_220, %add3A_543] : memref<128x64xf32, #tpu.memory_space<vmem>>[vector<16xi32>, vector<16xi32>], vector<16xf32>,
        %mul3A_556 = arith.mulf %gather3A_549, %gather3A_555 : vector<16xf32>
        %add3A_557 = arith.addf %add3A_517, %mul3A_556 : vector<16xf32>
        scf.yield %add3A_537, %add3A_557 : vector<16xf32>, vector<16xf32>
      }
      %scan3A_227 = arith.constant 4 : i32
      %add3A_228 = arith.addf %scan3A_226#0, %scan3A_226#1 : vector<16xf32>
      %mul3A_229 = arith.constant 16 : i32
      %mul3A_230 = arith.muli %scan3A_216, %mul3A_229 : i32
      %add3A_231 = arith.constant 384 : i32
      %add3A_232 = arith.addi %add3A_231, %mul3A_230 : i32
      %swap3A = arith.index_cast %add3A_232 : i32 to index
      %swap3A_233 = tpu.vector_load %arg11[%swap3A] {strides = array<i32>} : memref<512xf32, #tpu.memory_space<vmem>>, vector<16xf32>,
      tpu.vector_store %arg11[%swap3A], %add3A_228 {strides = array<i32>} : memref<512xf32, #tpu.memory_space<vmem>>, vector<16xf32>,
    }
    %scan3A_215 = arith.constant 8 : i32
    "tpu.region"() ({
      %run_scoped3A = tpu.sem_alloc : memref<!tpu.dma_semaphore, #tpu.memory_space<semaphore_mem>>
      %dma_start3A_216 = tpu.memref_slice %arg6[%mul3A_2] : memref<16384xf32, #tpu.memory_space<hbm>> -> memref<512xf32, #tpu.memory_space<hbm>>
      %dma_start3A_217 = tpu.memref_slice %arg6[%mul3A_2] : memref<16384xf32, #tpu.memory_space<hbm>> -> memref<512xf32, #tpu.memory_space<hbm>>
      tpu.enqueue_dma source(%arg11 : memref<512xf32, #tpu.memory_space<vmem>>) target(%dma_start3A_217 : memref<512xf32, #tpu.memory_space<hbm>>) target_semaphore(%run_scoped3A : memref<!tpu.dma_semaphore, #tpu.memory_space<semaphore_mem>>)
      %dma_wait3A_218 = tpu.memref_slice %arg6[%mul3A_2] : memref<16384xf32, #tpu.memory_space<hbm>> -> memref<512xf32, #tpu.memory_space<hbm>>
      %dma_wait3A_219 = tpu.memref_slice %arg6[%mul3A_2] : memref<16384xf32, #tpu.memory_space<hbm>> -> memref<512xf32, #tpu.memory_space<hbm>>
      tpu.wait_dma2 semaphore(%run_scoped3A : memref<!tpu.dma_semaphore, #tpu.memory_space<semaphore_mem>>) src(%arg11 : memref<512xf32, #tpu.memory_space<vmem>>) dst(%dma_wait3A_219 : memref<512xf32, #tpu.memory_space<hbm>>)
      tpu.yield
    }) : () -> ()
    return
  }
}

</mosaic_0001>

<sc_bundles>
// kernel: kernel.3.cloned.1.call-start
scs
__scs_entry_jumppad:
0x0: {  	(pc) =	sbr.rel $0x88, $3  }
0x1: {  	(tag) =	ssettag $0x0;
	lr =	simm.s32 $0x1  }
0x2: {  	[smem:$0x3F9D] =	sst lr;
	_ =	strace $0xD0000000  }
0x3: {  	_ = 	snop  }
0x4: {  	_ = 	snop  }
0x5: {  	_ = 	snop  }
0x6: {  	_ = 	snop  }
0x7: {  	_ = 	snop  }
__scs_overlays_trampoline_lowered:
0x8: {  	[smem:$0x3FAC] =	sst s0  }
0x9: {  	[smem:$0x3FAD] =	sst s1  }
0xa: {  	[smem:$0x3FAE] =	sst s2  }
0xb: {  	[smem:$0x3FAF] =	sst s3  }
0xc: {  	[smem:$0x3FB0] =	sst s4  }
0xd: {  	[smem:$0x3FB1] =	sst s5  }
0xe: {  	[smem:$0x3FB2] =	sst s6  }
0xf: {  	[smem:$0x3FB3] =	sst s7  }
0x10: {  	[smem:$0x3FB4] =	sst s8  }
0x11: {  	[smem:$0x3FB5] =	sst s9;
	s0 =	simm.s32 @!p0 $0x0  }
0x12: {  	s1 =	sld [smem:$0x3F9B];
	s0 =	simm.s32 @p0 $0x1  }
0x13: {  	[smem:$0x3FB6] =	sst s0;
	s0 =	simm.s32 @!p1 $0x0  }
0x14: {  	s2 =	sld [smem:$0x3F9A];
	s0 =	simm.s32 @p1 $0x1  }
0x15: {  	[smem:$0x3FB7] =	sst s0;
	s0 =	simm.s32 @!p2 $0x0  }
0x16: {  	s3 =	sld [smem:$0x3FDB];
	s0 =	simm.s32 @p2 $0x1  }
0x17: {  	s4 =	simm.s32 $0x1BF5;
	[smem:$0x3FB9] =	sst s0  }
0x18: {  	s0 =	sld [smem:$0x3F9C];
	_ =	swait.ge [sflag:s4], $0x0  }
0x19: {  	s7 =	sld [smem:$0x3F9D]  }
0x1a: {  	s8 =	sadd.s32 $0xFFFFE003, lr  }
0x1b: {  	s9 =	sadd.s32 $0xFFFFFEF7, lr;
	s5 =	simm.s32 $0xFFFFFFFF;
	p2 =	slt.u32 s8, $0xFFFFF086  }
0x1c: {  	p1 =	slt.u32 s9, $0xF7A;
	s5 =	simm.s32 @!p2 $0x0  }
0x1d: {  	s5 =	simm.s32 @p1 $0x1;
	p0 =	seq.s32 s7, s2  }
0x1e: {  	s7 =	smul.u32 @!p0 $0xF7A, s2;
	p2 =	seq.s32 @!p0 s5, $0x0  }
0x1f: {  	s9 =	smul.u32 $0xF7A, s1;
	s8 =	simm.s32 @!p0 $0x1BF5;
	p2 =	por !p2, p0  }
0x20: {  	[sflag:s8] =	ssyncset.s32 @!p0 $0xFFFFF086;
	s6 =	sadd.s32 @!p0 s3, s7;
	s7 =	simm.s32 @!p0 $0x108  }
0x21: {  	s3 =	sadd.s32 s3, s9;
	s6 =	sadd.s32 @!p0 $0x88, s6;
	s7 =	simm.s32 @p2 $0x1082  }
0x22: {  	[simem:s7], [sflag:s8] =	dma.local @!p0 [hbm:s6], $0xF7A  }
0x23: {  	s9 =	sor.u32 $0xD0000000, s2;
	s6 =	simm.s32 $0x108;
	_ =	swait.ge @!p0 [sflag:s8], $0x0  }
0x24: {  	s3 =	sadd.s32 $0x88, s3;
	s6 =	simm.s32 @!p1 $0x1082;
	[sflag:s4] =	ssyncset.s32 $0xFFFFF086  }
0x25: {  	[simem:s6], [sflag:s4] =	dma.local [hbm:s3], $0xF7A  }
0x26: {  	[smem:$0x3F9D] =	sst s1;
	(tag) =	ssettag s2;
	_ =	strace s9  }
0x27: {  	s1 =	sld [smem:$0x3FAD]  }
0x28: {  	s2 =	sld [smem:$0x3FAE]  }
0x29: {  	s4 =	sld [smem:$0x3FB0]  }
0x2a: {  	p0 =	seq.s32 s5, $0x0;
	s5 =	sld [smem:$0x3FB1]  }
0x2b: {  	s6 =	sld [smem:$0x3FB2]  }
0x2c: {  	s7 =	sld [smem:$0x3FB3]  }
0x2d: {  	s3 =	simm.s32 $0x108;
	s8 =	sld [smem:$0x3FB4]  }
0x2e: {  	s3 =	simm.s32 @!p0 $0x1082;
	s9 =	sld [smem:$0x3FB5]  }
0x2f: {  	lr =	sadd.s32 s0, s3;
	s0 =	sld [smem:$0x3FAC]  }
0x30: {  	s3 =	sld [smem:$0x3FAF]  }
0x31: {  	[smem:$0x3FB8] =	sst s10  }
0x32: {  	s10 =	sld [smem:$0x3FB6];
	_ =	sdelay $0x3  }
0x33: {  	p0 =	seq.s32 s10, $0x1;
	s10 =	sld [smem:$0x3FB8];
	_ =	sdelay $0x3  }
0x34: {  	[smem:$0x3FB8] =	sst s10  }
0x35: {  	s10 =	sld [smem:$0x3FB7];
	_ =	sdelay $0x3  }
0x36: {  	p1 =	seq.s32 s10, $0x1;
	s10 =	sld [smem:$0x3FB8];
	_ =	sdelay $0x3  }
0x37: {  	[smem:$0x3FB8] =	sst s10  }
0x38: {  	s10 =	sld [smem:$0x3FB9]  }
0x39: {  	_ = 	snop;
	(pc) =	sbr.ind lr, $3  }
0x3a: {  	_ = 	snop  }
0x3b: {  	_ = 	snop  }
0x3c: {  	p2 =	seq.s32 s10, $0x1;
	s10 =	sld [smem:$0x3FB8]  }
0x3d: {  	_ =	shalt  }
0x3e: {  	_ =	shalt  }
0x3f: {  	_ =	shalt  }
0x40: {  	_ =	shalt  }
0x41: {  	_ =	shalt  }
0x42: {  	_ =	shalt  }
0x43: {  	_ =	shalt  }
0x44: {  	_ =	shalt  }
0x45: {  	_ =	shalt  }
0x46: {  	_ =	shalt  }
0x47: {  	_ =	shalt  }
0x48: {  	_ =	shalt  }
0x49: {  	_ =	shalt  }
0x4a: {  	_ =	shalt  }
0x4b: {  	_ =	shalt  }
0x4c: {  	_ =	shalt  }
0x4d: {  	_ =	shalt  }
0x4e: {  	_ =	shalt  }
0x4f: {  	_ =	shalt  }
0x50: {  	_ =	shalt  }
0x51: {  	_ =	shalt  }
0x52: {  	_ =	shalt  }
0x53: {  	_ =	shalt  }
0x54: {  	_ =	shalt  }
0x55: {  	_ =	shalt  }
0x56: {  	_ =	shalt  }
0x57: {  	_ =	shalt  }
0x58: {  	_ =	shalt  }
0x59: {  	_ =	shalt  }
0x5a: {  	_ =	shalt  }
0x5b: {  	_ =	shalt  }
0x5c: {  	_ =	shalt  }
0x5d: {  	_ =	shalt  }
0x5e: {  	_ =	shalt  }
0x5f: {  	_ =	shalt  }
0x60: {  	_ =	shalt  }
0x61: {  	_ =	shalt  }
0x62: {  	_ =	shalt  }
0x63: {  	_ =	shalt  }
0x64: {  	_ =	shalt  }
0x65: {  	_ =	shalt  }
0x66: {  	_ =	shalt  }
0x67: {  	_ =	shalt  }
0x68: {  	_ =	shalt  }
0x69: {  	_ =	shalt  }
0x6a: {  	_ =	shalt  }
0x6b: {  	_ =	shalt  }
0x6c: {  	_ =	shalt  }
0x6d: {  	_ =	shalt  }
0x6e: {  	_ =	shalt  }
0x6f: {  	_ =	shalt  }
0x70: {  	_ =	shalt  }
0x71: {  	_ =	shalt  }
0x72: {  	_ =	shalt  }
0x73: {  	_ =	shalt  }
0x74: {  	_ =	shalt  }
0x75: {  	_ =	shalt  }
0x76: {  	_ =	shalt  }
0x77: {  	_ =	shalt  }
0x78: {  	_ =	shalt  }
0x79: {  	_ =	shalt  }
0x7a: {  	_ =	shalt  }
0x7b: {  	_ =	shalt  }
0x7c: {  	_ =	shalt  }
0x7d: {  	_ =	shalt  }
0x7e: {  	_ =	shalt  }
0x7f: {  	_ =	shalt  }
0x80: {  	_ =	shalt  }
0x81: {  	_ =	shalt  }
0x82: {  	_ =	shalt  }
0x83: {  	_ =	shalt  }
0x84: {  	_ =	shalt  }
0x85: {  	_ =	shalt  }
0x86: {  	_ =	shalt  }
0x87: {  	_ =	shalt  }
.Lfunc_end0:
.L_simem_size_0:
called_computation_lowered:
.L_overlay_start_0:
0x88: {  	s2 =	sld [smem:$0x3FD9]  }
0x89: {  	s3 =	sld [smem:$0x3FFE];
	_ =	sdelay $0x1  }
0x8a: {  	s1 =	srdreg.scid  }
0x8b: {  	s0 =	sand.u32 $0x1, s1  }
0x8c: {  	s17 =	sshll.u32 s0, $0xA;
	s2 =	sadd.s32 s3, s2  }
0x8d: {  	s2 =	sadd.s32 s2, s17  }
0x8e: {  	[smem:$0x3FC4] =	sst s2  }
0x8f: {  	_ = 	snop  }
0x90: {  	s2 =	sld [smem:$0x3FC9]  }
0x91: {  	s18 =	sld [smem:$0x3FC8]  }
0x92: {  	s4 =	sld [smem:$0x3FD0];
	(tm) =	ssettm $0x1  }
0x93: {  	s5 =	sld [smem:$0x3FFB];
	_ =	sdelay $0x3  }
0x94: {  	_ =	strace s5  }
0x95: {  	s5 =	sld [smem:$0x3FFC];
	_ =	sdelay $0x3  }
0x96: {  	_ =	strace s5  }
0x97: {  	s5 =	sld [smem:$0x3FFD];
	_ =	sdelay $0x3  }
0x98: {  	_ =	strace s5  }
0x99: {  	_ =	strace $0x8FFFFFFF  }
0x9a: {  	s19 =	sld [smem:$0x3FDB];
	_ =	sdelay $0x1  }
0x9b: {  	s6 =	simm.s32 $_scs_section_size  }
0x9c: {  	s7 =	simm.s32 $_size__tile_overlayer_lowered;
	s8 =	simm.s32 $_tile_overlayer_lowered  }
0x9d: {  	s22 =	simm.s32 $0x1BFF;
	s21 =	sshll.u32 s8, $0x1;
	s5 =	sadd.s32 s6, s19  }
0x9e: {  	s9 =	simm.s32 $0x0;
	s20 =	sshll.u32 s7, $0x1;
	s7 =	sadd.s32 s21, s5  }
0x9f: {  	[timem:s9], [sflag:s22] =	dma.local [hbm:s7], s20  }
0xa0: {  	_ =	swait.ge [sflag:s22], s20  }
0xa1: {  	s6 =	ssub.s32 $0x0, s20;
	[sflag:s22] =	ssyncset.done $0x0  }
0xa2: {  	[sflag:s22] =	ssyncadd.s32 s6;
	_ =	sdelay $0x1  }
0xa3: {  	s23 =	simm.s32 $0x1B8B  }
0xa4: {  	_ =	swait.ge [sflag:s23], $0x1  }
0xa5: {  	[sflag:s23] =	ssyncset.done $0x0  }
0xa6: {  	s25 =	simm.s32 $0x1B8E;
	s24 =	sld [smem:$0x3FFE];
	[sflag:s23] =	ssyncadd.s32 $0xFFFFFFFF  }
0xa7: {  	s26 =	simm.s32 $execute0_lowered;
	[smem:$0x3FD2] =	sst s25  }
0xa8: {  	s7 =	sshll.u32 s26, $0x1;
	_ =	strace $0x80000046;
	[dreg:$0x1] =	wrdreg $0xFFFFFFFF  }
0xa9: {  	s28 =	simm.s32 $_size_execute0_lowered;
	s5 =	sadd.s32 s5, s7;
	[dreg:$0x0] =	wrdreg $0x0  }
0xaa: {  	s7 =	sshll.u32 s28, $0x1;
	[dreg:$0x2] =	wrdreg s5  }
0xab: {  	[dreg:$0x3] =	wrdreg s7  }
0xac: {  	[dreg:$0x4] =	wrdreg $0xC0  }
0xad: {  	_ =	task [dreg:s9], $0x5FFFF  }
0xae: {  	[dreg:$0x1] =	wrdreg $0xFFFFFFFF  }
0xaf: {  	[dreg:$0x0] =	wrdreg $0x60  }
0xb0: {  	[dreg:$0x2] =	wrdreg s2  }
0xb1: {  	[dreg:$0x3] =	wrdreg s18  }
0xb2: {  	[dreg:$0x4] =	wrdreg s24  }
0xb3: {  	[dreg:$0x5] =	wrdreg s4  }
0xb4: {  	[dreg:$0x6] =	wrdreg $0x9  }
0xb5: {  	_ =	task.clear_ibuf [dreg:s9], $0x7FFFF;
	_ =	strace $0x90000046  }
0xb6: {  	s29 =	simm.s32 $0x9;
	_ =	strace $0x80000048  }
0xb7: {  	_ =	swait.ge [sflag:s29], $0x1  }
0xb8: {  	[sflag:s29] =	ssyncadd.s32 $0xFFFFFFFF  }
0xb9: {  	_ =	strace $0x90000048  }
0xba: {  	_ =	sfence  }
0xbb: {  	s30 =	sld [smem:$0x0];
	_ =	sdelay $0x2  }
0xbc: {  	s31 =	sshll.u32 s1, $0xD;
	s1 =	sshrl.u32 s1, $0x2  }
0xbd: {  	s3 =	sand.u32 $0x4000, s31;
	s1 =	sadd.s32 s1, s30  }
0xbe: {  	s0 =	sor.u32 s3, s0;
	s1 =	sshll.u32 s1, $0x11  }
0xbf: {  	s0 =	sor.u32 s1, s0  }
0xc0: {  	s0 =	sadd.s32 $0x8F2B, s0  }
0xc1: {  	[sflag:s0] =	ssyncadd.remote.s32 $0x1  }
0xc2: {  	_ =	sfence.sel $0xFFFF  }
0xc3: {  	[dreg:$0x0] =	wrdreg $0xFFFFFFFF;
	(pc) =	sbr.abs _section_cstart, $3  }
0xc4: {  	[dreg:$0x1] =	wrdreg $0xFFFFFFFF  }
0xc5: {  	_ =	task.clear_ibuf [dreg:s9], $0x2FFFF;
	_ =	strace $0x9FFFFFFF  }
0xc6: {  	(tm) =	ssettm $0x7FFFFFFF  }
0xc7: {  	_ =	shalt  }
tec
execute0_lowered:
.L_overlay_start_1:
0x0: {  	(tag) =	ssettag $0x1  }
0x1: {  	s5 =	rddreg [dreg:$0x0]  }
0x2: {  	s6 =	rddreg [dreg:$0x1]  }
0x3: {  	s4 =	rddreg [dreg:$0x2]  }
0x4: {  	s7 =	rddreg [dreg:$0x3];
	s1 =	simm.s32 $0x0  }
0x5: {  	s8 =	srdreg.scid;
	s0 =	stileid.u32;
	s12 =	simm.s32 $0x400  }
0x6: {  	s13 =	simm.s32 $0x4400;
	s14 =	simm.s32 $0x2400;
	s15 =	simm.s32 $0x280  }
0x7: {  	s16 =	simm.s32 $0x6400;
	s17 =	simm.s32 $0x1;
	s18 =	simm.s32 $0x2  }
0x8: {  	s19 =	simm.s32 $0x100;
	s20 =	simm.s32 $0x300;
	s21 =	simm.s32 $0x180  }
0x9: {  	s22 =	simm.s32 $0x380;
	s23 =	simm.s32 $0x8400;
	s24 =	simm.s32 $0x0  }
0xa: {  	[smem:$0x7FF] =	sst s1;
	s3 =	sadd.s32 $0xF42A00, s4;
	s8 =	sand.u32 $0x1, s8  }
0xb: {  	s10 =	sshll.u32 s0, $0x7;
	s4 =	sadd.s32 $0x187000, s4;
	s9 =	ssub.s32 $0x2, s8  }
0xc: {  	_ =	strace $0x80000047;
	s8 =	sshll.u32 s8, $0x6;
	s11 =	sshrl.u32 s9, $0x1  }
0xd: {  	s8 =	sor.u32 s8, s10;
	s10 =	simm.s32 $0x200;
	s9 =	ssub.s32 s9, s11  }
0xe: {  	v0 =	vlaneseq.u32;
	v1 =	vimm.s32 $0x0;
	vm0 =	vcmask $0x300;
	s5 =	sadd.s32 s5, s8;
	s6 =	sadd.s32 s6, s8;
	s7 =	sadd.s32 s7, s8  }
0xf: {  	v0 =	vmul.u32 $0x40, v0;
	v1 =	vsel vm0, $0x3, v1;
	s11 =	simm.s32 $0x80;
	s8 =	smax.u32 s9, $0x1;
	s9 =	simm.s32 $0x3  }
.LBB2_1:
0x10: {  	[tilespmem:s1], [sflag:$0x3] =	stream.linear.gather [hbm4b:s5+s1], $0x200, $0x38;
	[tilespmem:$0x8600] =	vst v63  }
0x11: {  	_ =	swait.ge [sflag:s9], $0x200  }
0x12: {  	[sflag:s9] =	ssyncset.done $0x0  }
0x13: {  	[sflag:s9] =	ssyncadd.s32 $0xFFFFFE00  }
0x14: {  	[tilespmem:s10], [sflag:$0x3] =	stream.linear.gather [hbm4b:s6+s1], $0x200, $0x38;
	[tilespmem:$0x8600] =	vst v63  }
0x15: {  	_ =	swait.ge [sflag:s9], $0x200  }
0x16: {  	[sflag:s9] =	ssyncset.done $0x0  }
0x17: {  	[sflag:s9] =	ssyncadd.s32 $0xFFFFFE00  }
0x18: {  	[tilespmem:s12], [sflag:$0x1] =	stream.indirect.gather [hbm4b:s3+s11], $0x40, s1, s11, $0xb8;
	[tilespmem:$0x8600] =	vst v63  }
0x19: {  	_ = 	snop  }
0x1a: {  	[tilespmem:s13], [sflag:$0x2] =	stream.indirect.gather [hbm4b:s4+s11], $0x40, s10, s11, $0xb8;
	[tilespmem:$0x8600] =	vst v63  }
0x1b: {  	_ = 	snop  }
0x1c: {  	[tilespmem:s14], [sflag:$0x1] =	stream.indirect.gather [hbm4b:s3+s11], $0x40, s11, s11, $0xb8;
	[tilespmem:$0x8600] =	vst v63  }
0x1d: {  	_ = 	snop  }
0x1e: {  	[tilespmem:s16], [sflag:$0x2] =	stream.indirect.gather [hbm4b:s4+s11], $0x40, s15, s11, $0xb8;
	[tilespmem:$0x8600] =	vst v63  }
0x1f: {  	_ =	swait.ge [sflag:s17], $0x2000  }
0x20: {  	[sflag:s17] =	ssyncset.done $0x0  }
0x21: {  	[sflag:s17] =	ssyncadd.s32 $0xFFFFE000  }
0x22: {  	_ =	swait.ge [sflag:s18], $0x2000  }
0x23: {  	[sflag:s18] =	ssyncset.done $0x0  }
0x24: {  	s25 =	simm.s32 $0x0;
	[sflag:s18] =	ssyncadd.s32 $0xFFFFE000  }
.LBB2_2:
0x25: {  	s28 =	simm.s32 $0xF  }
0x26: {  	s26 =	sshll.u32 s25, $0x4;
	v2 =	vmov s28  }
0x27: {  	v3 =	vmov s26;
	s28 =	simm.s32 $0xC;
	v2 =	vshrl.u32 v2, $0x3  }
0x28: {  	v3 =	vshll.u32 v3, $0x6;
	v5 =	vmov s28;
	v2 =	vshll.u32 v2, v1  }
0x29: {  	s28 =	simm.s32 $0xA;
	v4 =	vor.u32 v0, v3;
	v5 =	vshrl.u32 v5, $0x3;
	v2 =	vbroadcast v2, $0x0  }
0x2a: {  	v6 =	vmov s28;
	v3 =	vor.u32 $0x7, v4;
	v5 =	vshll.u32 v5, v1  }
0x2b: {  	s28 =	simm.s32 $0x8;
	v6 =	vshrl.u32 v6, $0x3;
	v5 =	vbroadcast v5, $0x0;
	v2 =	vadd.s32 v3, v2  }
0x2c: {  	v8 =	vor.u32 $0x4, v4;
	v7 =	vmov s28;
	v6 =	vshll.u32 v6, v1  }
0x2d: {  	s28 =	simm.s32 $0x0;
	v7 =	vshrl.u32 v7, $0x3;
	v6 =	vbroadcast v6, $0x0;
	v5 =	vadd.s32 v8, v5  }
0x2e: {  	v9 =	vor.u32 $0x2, v4;
	v10 =	vmov s28;
	v7 =	vshll.u32 v7, v1  }
0x2f: {  	v10 =	vshrl.u32 v10, $0x3;
	v7 =	vbroadcast v7, $0x0;
	v6 =	vadd.s32 v9, v6  }
0x30: {  	v10 =	vshll.u32 v10, v1;
	v14 =	vld.idx.msk [tilespmem:v2+s12+$0x0], $0xffff  }
0x31: {  	v10 =	vbroadcast v10, $0x0;
	v7 =	vadd.s32 v4, v7;
	v15 =	vld.idx.msk [tilespmem:v2+s13+$0x0], $0xffff  }
0x32: {  	v12 =	vld.idx.msk [tilespmem:v5+s12+$0x0], $0xffff  }
0x33: {  	v19 =	vadd.s32 v9, v10;
	v13 =	vld.idx.msk [tilespmem:v5+s13+$0x0], $0xffff  }
0x34: {  	v16 =	vld.idx.msk [tilespmem:v6+s12+$0x0], $0xffff  }
0x35: {  	s28 =	simm.s32 $0x1F;
	v22 =	vor.u32 v4, v10;
	v17 =	vld.idx.msk [tilespmem:v6+s13+$0x0], $0xffff  }
0x36: {  	v24 =	vmov s28;
	v2 =	vor.u32 $0x6, v4;
	v18 =	vld.idx.msk [tilespmem:v7+s12+$0x0], $0xffff  }
0x37: {  	v24 =	vshrl.u32 v24, $0x3;
	v11 =	vadd.s32 v2, v10;
	v20 =	vld.idx.msk [tilespmem:v7+s13+$0x0], $0xffff  }
0x38: {  	v24 =	vshll.u32 v24, v1;
	v28 =	vld.idx.msk [tilespmem:v19+s12+$0x0], $0xffff  }
0x39: {  	v24 =	vbroadcast v24, $0x0;
	v5 =	vadd.s32 v8, v10;
	v19 =	vld.idx.msk [tilespmem:v19+s13+$0x0], $0xffff  }
0x3a: {  	v27 =	vimm.f32 $0.0e+00;
	s29 =	simm.s32 $0xE;
	v34 =	vld.idx.msk [tilespmem:v22+s12+$0x0], $0xffff  }
0x3b: {  	s30 =	simm.s32 $0x1A;
	s31 =	simm.s32 $0x1C;
	v29 =	vmov s29;
	v24 =	vadd.s32 v3, v24;
	v7 =	vor.u32 $0x1, v4;
	v22 =	vld.idx.msk [tilespmem:v22+s13+$0x0], $0xffff  }
0x3c: {  	s0 =	simm.s32 $0xD;
	s2 =	simm.s32 $0x18;
	v30 =	vmov s30;
	v32 =	vmov s31;
	v25 =	vadd.s32 v7, v10;
	v21 =	vld.idx.msk [tilespmem:v11+s12+$0x0], $0xffff  }
0x3d: {  	s29 =	simm.s32 $0x9;
	v33 =	vmov s0;
	s31 =	simm.s32 $0xB;
	v36 =	vmov s2;
	v6 =	vor.u32 $0x3, v4;
	v11 =	vld.idx.msk [tilespmem:v11+s13+$0x0], $0xffff  }
0x3e: {  	v35 =	vmov s29;
	v38 =	vmov s31;
	v31 =	vadd.s32 v6, v10;
	v23 =	vld.idx.msk [tilespmem:v5+s12+$0x0], $0xffff  }
0x3f: {  	v29 =	vshrl.u32 v29, $0x3;
	v33 =	vshrl.u32 v33, $0x3;
	v26 =	vld.idx.msk [tilespmem:v5+s13+$0x0], $0xffff;
	v5 =	vor.u32 $0x5, v4  }
0x40: {  	v35 =	vshrl.u32 v35, $0x3;
	v37 =	vadd.s32 v5, v10;
	v16 =	vmul.f32 v17, v16;
	v17 =	vld.idx.msk [tilespmem:v24+s13+$0x0], $0xffff  }
0x41: {  	v32 =	vshrl.u32 v32, $0x3;
	v36 =	vshrl.u32 v36, $0x3;
	v35 =	vshll.u32 v35, v1;
	v40 =	vld.idx.msk [tilespmem:v25+s12+$0x0], $0xffff  }
0x42: {  	s29 =	simm.s32 $0x10;
	v38 =	vshrl.u32 v38, $0x3;
	v35 =	vbroadcast v35, $0x0;
	v10 =	vadd.s32 v3, v10;
	v25 =	vld.idx.msk [tilespmem:v25+s13+$0x0], $0xffff  }
0x43: {  	v30 =	vshrl.u32 v30, $0x3;
	v39 =	vmov s29;
	v38 =	vshll.u32 v38, v1;
	v41 =	vld.idx.msk [tilespmem:v31+s12+$0x0], $0xffff  }
0x44: {  	v33 =	vshll.u32 v33, v1;
	v38 =	vbroadcast v38, $0x0;
	v35 =	vadd.s32 v7, v35;
	v31 =	vld.idx.msk [tilespmem:v31+s13+$0x0], $0xffff  }
0x45: {  	v29 =	vshll.u32 v29, v1;
	v32 =	vshll.u32 v32, v1;
	v36 =	vshll.u32 v36, v1;
	v42 =	vld.idx.msk [tilespmem:v37+s12+$0x0], $0xffff  }
0x46: {  	v33 =	vbroadcast v33, $0x0;
	v38 =	vadd.s32 v6, v38;
	v22 =	vmul.f32 v22, v34;
	v37 =	vld.idx.msk [tilespmem:v37+s13+$0x0], $0xffff  }
0x47: {  	v30 =	vshll.u32 v30, v1;
	v29 =	vbroadcast v29, $0x0;
	v43 =	vld.idx.msk [tilespmem:v10+s12+$0x0], $0xffff;
	v25 =	vmul.f32 v25, v40  }
0x48: {  	v33 =	vadd.s32 v5, v33;
	v19 =	vmul.f32 v19, v28;
	v22 =	vadd.f32 v22, v27;
	v10 =	vld.idx.msk [tilespmem:v10+s13+$0x0], $0xffff  }
0x49: {  	v32 =	vbroadcast v32, $0x0;
	v59 =	vld.idx.msk [tilespmem:v35+s12+$0x0], $0xffff;
	v25 =	vadd.f32 v25, v27;
	v27 =	vmul.f32 v31, v41  }
0x4a: {  	v60 =	vadd.s32 v2, v29;
	v61 =	vld.idx.msk [tilespmem:v35+s13+$0x0], $0xffff;
	v23 =	vmul.f32 v26, v23;
	v19 =	vadd.f32 v19, v22  }
0x4b: {  	v30 =	vbroadcast v30, $0x0;
	v62 =	vld.idx.msk [tilespmem:v38+s12+$0x0], $0xffff;
	v22 =	vadd.f32 v27, v25;
	v25 =	vmul.f32 v37, v42  }
0x4c: {  	v32 =	vadd.s32 v8, v32;
	v26 =	vld.idx.msk [tilespmem:v38+s13+$0x0], $0xffff;
	v11 =	vmul.f32 v11, v21;
	v19 =	vadd.f32 v23, v19  }
0x4d: {  	v30 =	vadd.s32 v9, v30;
	v21 =	vld.idx.msk [tilespmem:v33+s13+$0x0], $0xffff;
	v10 =	vmul.f32 v10, v43;
	v22 =	vadd.f32 v25, v22  }
0x4e: {  	v18 =	vmul.f32 v20, v18;
	v23 =	vbroadcast v36, $0x0;
	v11 =	vadd.f32 v11, v19;
	v27 =	vld.idx.msk [tilespmem:v33+s12+$0x0], $0xffff  }
0x4f: {  	v39 =	vshrl.u32 v39, $0x3;
	v28 =	vld.idx.msk [tilespmem:v60+s13+$0x0], $0xffff;
	v20 =	vadd.f32 v10, v22;
	v22 =	vmul.f32 v61, v59  }
0x50: {  	v63 =	vshll.u32 v39, v1;
	v19 =	vadd.s32 v4, v23;
	v23 =	vadd.f32 v18, v11;
	v25 =	vld.idx.msk [tilespmem:v60+s12+$0x0], $0xffff  }
0x51: {  	v11 =	vld.idx.msk [tilespmem:v32+s12+$0x0], $0xffff;
	v18 =	vbroadcast v63, $0x0;
	v20 =	vadd.f32 v22, v20;
	v22 =	vmul.f32 v26, v62  }
0x52: {  	v23 =	vadd.f32 v16, v23;
	v16 =	vmul.f32 v15, v14;
	v10 =	vld.idx.msk [tilespmem:v24+s12+$0x0], $0xffff;
	v24 =	vmul.f32 v13, v12  }
0x53: {  	v14 =	vld.idx.msk [tilespmem:v30+s13+$0x0], $0xffff;
	v26 =	vmul.f32 v21, v27;
	v20 =	vadd.f32 v22, v20;
	v22 =	vadd.s32 v2, v18  }
0x54: {  	v12 =	vld.idx.msk [tilespmem:v32+s13+$0x0], $0xffff;
	v21 =	vadd.s32 v8, v18  }
0x55: {  	v13 =	vld.idx.msk [tilespmem:v30+s12+$0x0], $0xffff;
	v23 =	vadd.f32 v24, v23;
	v24 =	vmul.f32 v28, v25;
	v20 =	vadd.f32 v26, v20  }
0x56: {  	s29 =	simm.s32 $0x2F;
	v15 =	vld.idx.msk [tilespmem:v19+s12+$0x0], $0xffff  }
.LBB2_3:
0x57: {  	p0 =	sne.s32 s29, $0x3F;
	v25 =	vadd.s32 v9, v18;
	v19 =	vld.idx.msk [tilespmem:v19+s13+$0x0], $0xffff;
	v23 =	vadd.f32 v24, v23;
	v20 =	vadd.f32 v16, v20  }
0x58: {  	v16 =	vmov v17;
	v24 =	vld.idx.msk [tilespmem:v22+s12+$0x0], $0xffff  }
0x59: {  	v17 =	vor.u32 v4, v18;
	v22 =	vld.idx.msk [tilespmem:v22+s13+$0x0], $0xffff  }
0x5a: {  	v26 =	vmov s29;
	s0 =	sadd.s32 $0xFFFFFFFF, s28;
	v27 =	vld.idx.msk [tilespmem:v21+s12+$0x0], $0xffff  }
0x5b: {  	s30 =	sadd.s32 $0xFFFFFFFB, s29;
	s31 =	sadd.s32 $0xFFFFFFFD, s29;
	v28 =	vadd.s32 v7, v18;
	s2 =	sadd.s32 $0xFFFFFFFE, s28;
	v26 =	vshrl.u32 v26, $0x3;
	v29 =	vmov s0;
	v21 =	vld.idx.msk [tilespmem:v21+s13+$0x0], $0xffff  }
0x5c: {  	s0 =	sadd.s32 $0xFFFFFFF9, s29;
	v30 =	vmov s30;
	v31 =	vmov s31;
	s30 =	sadd.s32 $0xFFFFFFFC, s28;
	v33 =	vmov s2;
	v32 =	vld.idx.msk [tilespmem:v25+s12+$0x0], $0xffff  }
0x5d: {  	v35 =	vadd.s32 v6, v18;
	s2 =	sadd.s32 $0xFFFFFFF1, s29;
	v34 =	vmov s0;
	s0 =	sadd.s32 $0xFFFFFFFA, s28;
	v36 =	vmov s30;
	s28 =	smov.u32 s29;
	v25 =	vld.idx.msk [tilespmem:v25+s13+$0x0], $0xffff  }
0x5e: {  	v37 =	vmov s2;
	v26 =	vshll.u32 v26, v1;
	v39 =	vmov s0;
	v38 =	vld.idx.msk [tilespmem:v17+s12+$0x0], $0xffff  }
0x5f: {  	v40 =	vadd.s32 v5, v18;
	v29 =	vshrl.u32 v29, $0x3;
	v39 =	vshrl.u32 v39, $0x3;
	v17 =	vld.idx.msk [tilespmem:v17+s13+$0x0], $0xffff  }
0x60: {  	v31 =	vshrl.u32 v31, $0x3;
	v33 =	vshrl.u32 v33, $0x3;
	v39 =	vshll.u32 v39, v1;
	v41 =	vld.idx.msk [tilespmem:v28+s12+$0x0], $0xffff  }
0x61: {  	v18 =	vadd.s32 v3, v18;
	v36 =	vshrl.u32 v36, $0x3;
	v39 =	vbroadcast v39, $0x0;
	v28 =	vld.idx.msk [tilespmem:v28+s13+$0x0], $0xffff  }
0x62: {  	v30 =	vshrl.u32 v30, $0x3;
	v34 =	vshrl.u32 v34, $0x3;
	v36 =	vshll.u32 v36, v1;
	v42 =	vld.idx.msk [tilespmem:v35+s12+$0x0], $0xffff  }
0x63: {  	v37 =	vshrl.u32 v37, $0x3;
	v36 =	vbroadcast v36, $0x0;
	v39 =	vadd.s32 v7, v39;
	v35 =	vld.idx.msk [tilespmem:v35+s13+$0x0], $0xffff  }
0x64: {  	v26 =	vbroadcast v26, $0x0;
	v33 =	vshll.u32 v33, v1;
	v29 =	vshll.u32 v29, v1;
	v43 =	vld.idx.msk [tilespmem:v40+s12+$0x0], $0xffff  }
0x65: {  	v31 =	vshll.u32 v31, v1;
	v33 =	vbroadcast v33, $0x0;
	v36 =	vadd.s32 v6, v36;
	v40 =	vld.idx.msk [tilespmem:v40+s13+$0x0], $0xffff  }
0x66: {  	v30 =	vshll.u32 v30, v1;
	v34 =	vshll.u32 v34, v1;
	v29 =	vbroadcast v29, $0x0;
	v44 =	vld.idx.msk [tilespmem:v18+s12+$0x0], $0xffff  }
0x67: {  	v33 =	vadd.s32 v5, v33;
	v17 =	vmul.f32 v17, v38;
	v28 =	vmul.f32 v28, v41;
	v18 =	vld.idx.msk [tilespmem:v18+s13+$0x0], $0xffff  }
0x68: {  	v37 =	vshll.u32 v37, v1;
	v29 =	vadd.s32 v2, v29;
	v25 =	vmul.f32 v25, v32;
	v32 =	vld.idx.msk [tilespmem:v39+s12+$0x0], $0xffff  }
0x69: {  	v17 =	vadd.f32 v17, v23;
	v20 =	vadd.f32 v28, v20;
	v23 =	vmul.f32 v35, v42;
	v28 =	vld.idx.msk [tilespmem:v39+s13+$0x0], $0xffff  }
0x6a: {  	v31 =	vbroadcast v31, $0x0;
	v26 =	vadd.s32 v3, v26;
	v21 =	vmul.f32 v21, v27;
	v27 =	vld.idx.msk [tilespmem:v36+s12+$0x0], $0xffff  }
0x6b: {  	v17 =	vadd.f32 v25, v17;
	v20 =	vadd.f32 v23, v20;
	v23 =	vmul.f32 v40, v43;
	v25 =	vld.idx.msk [tilespmem:v36+s13+$0x0], $0xffff  }
0x6c: {  	v30 =	vbroadcast v30, $0x0;
	v31 =	vadd.s32 v8, v31;
	v22 =	vmul.f32 v22, v24;
	v24 =	vld.idx.msk [tilespmem:v33+s12+$0x0], $0xffff  }
0x6d: {  	v17 =	vadd.f32 v21, v17;
	v20 =	vadd.f32 v23, v20;
	v18 =	vmul.f32 v18, v44;
	v21 =	vld.idx.msk [tilespmem:v33+s13+$0x0], $0xffff  }
0x6e: {  	v15 =	vmul.f32 v19, v15;
	v30 =	vadd.s32 v9, v30;
	v23 =	vbroadcast v34, $0x0;
	v33 =	vld.idx.msk [tilespmem:v29+s12+$0x0], $0xffff  }
0x6f: {  	v22 =	vadd.f32 v22, v17;
	v20 =	vadd.f32 v18, v20;
	v28 =	vmul.f32 v28, v32;
	v29 =	vld.idx.msk [tilespmem:v29+s13+$0x0], $0xffff  }
0x70: {  	v13 =	vmul.f32 v14, v13;
	v18 =	vbroadcast v37, $0x0;
	v19 =	vadd.s32 v4, v23;
	v32 =	vld.idx.msk [tilespmem:v26+s12+$0x0], $0xffff  }
0x71: {  	v14 =	vadd.f32 v15, v22;
	v15 =	vadd.f32 v28, v20;
	v20 =	vmul.f32 v25, v27;
	v17 =	vld.idx.msk [tilespmem:v26+s13+$0x0], $0xffff  }
.Ltmp0:
0x72: {  	v23 =	vmul.f32 v12, v11;
	v22 =	vadd.s32 v2, v18;
	v11 =	vld.idx.msk [tilespmem:v31+s12+$0x0], $0xffff;
	(pc) =	sbr.rel @p0 .LBB2_3-.Ltmp0, $4  }
0x73: {  	v25 =	vadd.f32 v13, v14;
	v15 =	vadd.f32 v20, v15;
	v20 =	vmul.f32 v21, v24;
	v12 =	vld.idx.msk [tilespmem:v31+s13+$0x0], $0xffff  }
0x74: {  	v16 =	vmul.f32 v16, v10;
	v21 =	vadd.s32 v8, v18;
	v13 =	vld.idx.msk [tilespmem:v30+s12+$0x0], $0xffff  }
0x75: {  	v23 =	vadd.f32 v23, v25;
	v20 =	vadd.f32 v20, v15;
	v24 =	vmul.f32 v29, v33;
	v14 =	vld.idx.msk [tilespmem:v30+s13+$0x0], $0xffff  }
0x76: {  	s29 =	sadd.s32 $0x10, s29;
	v10 =	vmov v32;
	v15 =	vld.idx.msk [tilespmem:v19+s12+$0x0], $0xffff  }
0x77: {  	_ =	sdelay $0x3  }
0x78: {  	v8 =	vadd.s32 v9, v18;
	v37 =	vld.idx.msk [tilespmem:v19+s13+$0x0], $0xffff  }
0x79: {  	v38 =	vld.idx.msk [tilespmem:v22+s12+$0x0], $0xffff  }
0x7a: {  	v4 =	vor.u32 v4, v18;
	v39 =	vld.idx.msk [tilespmem:v22+s13+$0x0], $0xffff  }
0x7b: {  	v25 =	vld.idx.msk [tilespmem:v21+s12+$0x0], $0xffff  }
0x7c: {  	v26 =	vadd.s32 v7, v18;
	v40 =	vld.idx.msk [tilespmem:v21+s13+$0x0], $0xffff  }
0x7d: {  	v27 =	vld.idx.msk [tilespmem:v8+s12+$0x0], $0xffff  }
0x7e: {  	v28 =	vadd.s32 v6, v18;
	s0 =	sadd.s32 $0xFFFFFFFA, s28;
	v8 =	vld.idx.msk [tilespmem:v8+s13+$0x0], $0xffff  }
0x7f: {  	v30 =	vmov s0;
	v29 =	vld.idx.msk [tilespmem:v4+s12+$0x0], $0xffff  }
0x80: {  	s29 =	sadd.s32 $0xFFFFFFFC, s28;
	v31 =	vadd.s32 v5, v18;
	v30 =	vshrl.u32 v30, $0x3;
	v4 =	vld.idx.msk [tilespmem:v4+s13+$0x0], $0xffff  }
0x81: {  	v32 =	vmov s29;
	v30 =	vshll.u32 v30, v1;
	v33 =	vld.idx.msk [tilespmem:v26+s12+$0x0], $0xffff  }
0x82: {  	s30 =	sadd.s32 $0xFFFFFFFE, s28;
	v3 =	vadd.s32 v3, v18;
	v42 =	vshrl.u32 v32, $0x3;
	v41 =	vbroadcast v30, $0x0;
	v26 =	vld.idx.msk [tilespmem:v26+s13+$0x0], $0xffff  }
0x83: {  	v23 =	vadd.f32 v24, v23;
	v43 =	vmov s30;
	v30 =	vshll.u32 v42, v1;
	v44 =	vld.idx.msk [tilespmem:v28+s12+$0x0], $0xffff  }
0x84: {  	s31 =	sadd.s32 $0xFFFFFFFF, s28;
	v24 =	vshrl.u32 v43, $0x3;
	v28 =	vld.idx.msk [tilespmem:v28+s13+$0x0], $0xffff;
	v46 =	vbroadcast v30, $0x0;
	v45 =	vadd.s32 v7, v41  }
0x85: {  	v16 =	vadd.f32 v16, v20;
	v47 =	vmov s31;
	v24 =	vshll.u32 v24, v1;
	v48 =	vld.idx.msk [tilespmem:v31+s12+$0x0], $0xffff  }
0x86: {  	v20 =	vshrl.u32 v47, $0x3;
	v50 =	vbroadcast v24, $0x0;
	v31 =	vld.idx.msk [tilespmem:v31+s13+$0x0], $0xffff;
	v49 =	vadd.s32 v6, v46  }
0x87: {  	v20 =	vshll.u32 v20, v1;
	v51 =	vld.idx.msk [tilespmem:v3+s12+$0x0], $0xffff;
	v4 =	vmul.f32 v4, v29;
	v26 =	vmul.f32 v26, v33  }
0x88: {  	v20 =	vbroadcast v20, $0x0;
	v3 =	vld.idx.msk [tilespmem:v3+s13+$0x0], $0xffff;
	v52 =	vadd.s32 v5, v50;
	v8 =	vmul.f32 v8, v27  }
0x89: {  	v54 =	vmul.f32 v28, v44;
	v53 =	vld.idx.msk [tilespmem:v45+s12+$0x0], $0xffff;
	v4 =	vadd.f32 v4, v23;
	v16 =	vadd.f32 v26, v16  }
0x8a: {  	v55 =	vmul.f32 v40, v25;
	v2 =	vadd.s32 v2, v20;
	v7 =	vld.idx.msk [tilespmem:v45+s13+$0x0], $0xffff  }
0x8b: {  	v58 =	vmul.f32 v31, v48;
	v56 =	vld.idx.msk [tilespmem:v49+s12+$0x0], $0xffff;
	v4 =	vadd.f32 v8, v4;
	v57 =	vadd.f32 v54, v16  }
0x8c: {  	v19 =	vmul.f32 v39, v38;
	v6 =	vld.idx.msk [tilespmem:v49+s13+$0x0], $0xffff  }
0x8d: {  	v3 =	vmul.f32 v3, v51;
	v59 =	vld.idx.msk [tilespmem:v52+s12+$0x0], $0xffff;
	v4 =	vadd.f32 v55, v4;
	v8 =	vadd.f32 v58, v57  }
0x8e: {  	v9 =	vmul.f32 v37, v15;
	v5 =	vld.idx.msk [tilespmem:v52+s13+$0x0], $0xffff  }
0x8f: {  	v60 =	vld.idx.msk [tilespmem:v2+s12+$0x0], $0xffff;
	v7 =	vmul.f32 v7, v53;
	v4 =	vadd.f32 v19, v4;
	v3 =	vadd.f32 v3, v8  }
0x90: {  	v61 =	vmul.f32 v14, v13;
	v2 =	vld.idx.msk [tilespmem:v2+s13+$0x0], $0xffff  }
0x91: {  	v6 =	vmul.f32 v6, v56;
	v4 =	vadd.f32 v9, v4;
	v3 =	vadd.f32 v7, v3  }
0x92: {  	v62 =	vmul.f32 v12, v11  }
0x93: {  	v5 =	vmul.f32 v5, v59;
	v4 =	vadd.f32 v61, v4;
	v3 =	vadd.f32 v6, v3  }
0x94: {  	v63 =	vmul.f32 v17, v10  }
0x95: {  	s25 =	sadd.s32 $0x1, s25;
	v2 =	vmul.f32 v2, v60;
	v4 =	vadd.f32 v62, v4;
	v3 =	vadd.f32 v5, v3  }
0x96: {  	p0 =	sne.s32 s25, $0x8  }
.Ltmp1:
0x97: {  	v2 =	vadd.f32 v2, v4;
	v3 =	vadd.f32 v63, v3;
	(pc) =	sbr.rel @p0 .LBB2_2-.Ltmp1, $3  }
0x98: {  	_ = 	snop  }
0x99: {  	v2 =	vadd.f32 v3, v2;
	_ =	sdelay $0x1  }
0x9a: {  	[tilespmem:s26+$0x8400] =	vst v2  }
0x9b: {  	[tilespmem:s12], [sflag:$0x1] =	stream.indirect.gather [hbm4b:s3+s11], $0x40, s19, s11, $0xb8;
	[tilespmem:$0x8600] =	vst v63  }
0x9c: {  	_ = 	snop  }
0x9d: {  	[tilespmem:s13], [sflag:$0x2] =	stream.indirect.gather [hbm4b:s4+s11], $0x40, s20, s11, $0xb8;
	[tilespmem:$0x8600] =	vst v63  }
0x9e: {  	_ =	swait.ge [sflag:s17], $0x2000  }
0x9f: {  	[sflag:s17] =	ssyncset.done $0x0  }
0xa0: {  	[sflag:s17] =	ssyncadd.s32 $0xFFFFE000  }
0xa1: {  	_ =	swait.ge [sflag:s18], $0x2000  }
0xa2: {  	[sflag:s18] =	ssyncset.done $0x0  }
0xa3: {  	s25 =	simm.s32 $0x0;
	[sflag:s18] =	ssyncadd.s32 $0xFFFFE000  }
.LBB2_6:
0xa4: {  	s0 =	simm.s32 $0xF  }
0xa5: {  	s26 =	sshll.u32 s25, $0x4;
	v2 =	vmov s0  }
0xa6: {  	s30 =	simm.s32 $0xC;
	v3 =	vmov s26;
	v2 =	vshrl.u32 v2, $0x3  }
0xa7: {  	v5 =	vmov s30;
	v3 =	vshll.u32 v3, $0x6;
	v2 =	vshll.u32 v2, v1  }
0xa8: {  	s31 =	simm.s32 $0xA;
	v5 =	vshrl.u32 v5, $0x3;
	v4 =	vor.u32 v0, v3;
	v2 =	vbroadcast v2, $0x0  }
0xa9: {  	v6 =	vmov s31;
	v5 =	vshll.u32 v5, v1;
	v3 =	vor.u32 $0x7, v4  }
0xaa: {  	s2 =	simm.s32 $0x8;
	v6 =	vshrl.u32 v6, $0x3;
	v5 =	vbroadcast v5, $0x0;
	v2 =	vadd.s32 v3, v2  }
0xab: {  	v7 =	vmov s2;
	v6 =	vshll.u32 v6, v1;
	v8 =	vor.u32 $0x4, v4  }
0xac: {  	s30 =	simm.s32 $0x0;
	v7 =	vshrl.u32 v7, $0x3;
	v6 =	vbroadcast v6, $0x0;
	v5 =	vadd.s32 v8, v5  }
0xad: {  	v10 =	vmov s30;
	v7 =	vshll.u32 v7, v1;
	v9 =	vor.u32 $0x2, v4  }
0xae: {  	v10 =	vshrl.u32 v10, $0x3;
	v7 =	vbroadcast v7, $0x0;
	v6 =	vadd.s32 v9, v6  }
0xaf: {  	v10 =	vshll.u32 v10, v1;
	v14 =	vld.idx.msk [tilespmem:v2+s14+$0x0], $0xffff  }
0xb0: {  	v10 =	vbroadcast v10, $0x0;
	v7 =	vadd.s32 v4, v7;
	v15 =	vld.idx.msk [tilespmem:v2+s16+$0x0], $0xffff  }
0xb1: {  	v12 =	vld.idx.msk [tilespmem:v5+s14+$0x0], $0xffff  }
0xb2: {  	s28 =	simm.s32 $0x1F;
	v19 =	vadd.s32 v9, v10;
	v13 =	vld.idx.msk [tilespmem:v5+s16+$0x0], $0xffff  }
0xb3: {  	v24 =	vmov s28;
	v16 =	vld.idx.msk [tilespmem:v6+s14+$0x0], $0xffff  }
0xb4: {  	v24 =	vshrl.u32 v24, $0x3;
	v22 =	vor.u32 v4, v10;
	v17 =	vld.idx.msk [tilespmem:v6+s16+$0x0], $0xffff  }
0xb5: {  	v24 =	vshll.u32 v24, v1;
	v18 =	vld.idx.msk [tilespmem:v7+s14+$0x0], $0xffff  }
0xb6: {  	v24 =	vbroadcast v24, $0x0;
	v5 =	vadd.s32 v8, v10;
	v20 =	vld.idx.msk [tilespmem:v7+s16+$0x0], $0xffff  }
0xb7: {  	v28 =	vld.idx.msk [tilespmem:v19+s14+$0x0], $0xffff  }
0xb8: {  	v24 =	vadd.s32 v3, v24;
	v2 =	vor.u32 $0x6, v4;
	v19 =	vld.idx.msk [tilespmem:v19+s16+$0x0], $0xffff  }
0xb9: {  	v27 =	vimm.f32 $0.0e+00;
	s29 =	simm.s32 $0x1C;
	s31 =	simm.s32 $0xE;
	v11 =	vadd.s32 v2, v10;
	v34 =	vld.idx.msk [tilespmem:v22+s14+$0x0], $0xffff  }
0xba: {  	s2 =	simm.s32 $0x1A;
	v32 =	vmov s29;
	s29 =	simm.s32 $0x10;
	v29 =	vmov s31;
	v7 =	vor.u32 $0x1, v4;
	v22 =	vld.idx.msk [tilespmem:v22+s16+$0x0], $0xffff  }
0xbb: {  	s30 =	simm.s32 $0xD;
	v30 =	vmov s2;
	v39 =	vmov s29;
	v25 =	vadd.s32 v7, v10;
	v23 =	vld.idx.msk [tilespmem:v5+s14+$0x0], $0xffff  }
0xbc: {  	s31 =	simm.s32 $0x9;
	v32 =	vshrl.u32 v32, $0x3;
	v33 =	vmov s30;
	v6 =	vor.u32 $0x3, v4;
	v26 =	vld.idx.msk [tilespmem:v5+s16+$0x0], $0xffff  }
0xbd: {  	s2 =	simm.s32 $0x18;
	v35 =	vmov s31;
	v31 =	vadd.s32 v6, v10;
	v16 =	vmul.f32 v17, v16;
	v17 =	vld.idx.msk [tilespmem:v24+s16+$0x0], $0xffff  }
0xbe: {  	v36 =	vmov s2;
	v29 =	vshrl.u32 v29, $0x3;
	v5 =	vor.u32 $0x5, v4;
	v21 =	vld.idx.msk [tilespmem:v11+s14+$0x0], $0xffff  }
0xbf: {  	s31 =	simm.s32 $0xB;
	v30 =	vshrl.u32 v30, $0x3;
	v35 =	vshrl.u32 v35, $0x3;
	v11 =	vld.idx.msk [tilespmem:v11+s16+$0x0], $0xffff;
	v37 =	vadd.s32 v5, v10  }
0xc0: {  	v39 =	vshrl.u32 v39, $0x3;
	v38 =	vmov s31;
	v35 =	vshll.u32 v35, v1;
	v40 =	vld.idx.msk [tilespmem:v25+s14+$0x0], $0xffff  }
0xc1: {  	v38 =	vshrl.u32 v38, $0x3;
	v35 =	vbroadcast v35, $0x0;
	v25 =	vld.idx.msk [tilespmem:v25+s16+$0x0], $0xffff;
	v10 =	vadd.s32 v3, v10  }
0xc2: {  	v32 =	vshll.u32 v32, v1;
	v33 =	vshrl.u32 v33, $0x3;
	v38 =	vshll.u32 v38, v1;
	v41 =	vld.idx.msk [tilespmem:v31+s14+$0x0], $0xffff  }
0xc3: {  	v36 =	vshrl.u32 v36, $0x3;
	v38 =	vbroadcast v38, $0x0;
	v35 =	vadd.s32 v7, v35;
	v31 =	vld.idx.msk [tilespmem:v31+s16+$0x0], $0xffff  }
0xc4: {  	v29 =	vshll.u32 v29, v1;
	v32 =	vbroadcast v32, $0x0;
	v33 =	vshll.u32 v33, v1;
	v42 =	vld.idx.msk [tilespmem:v37+s14+$0x0], $0xffff  }
0xc5: {  	v33 =	vbroadcast v33, $0x0;
	v38 =	vadd.s32 v6, v38;
	v22 =	vmul.f32 v22, v34;
	v37 =	vld.idx.msk [tilespmem:v37+s16+$0x0], $0xffff  }
0xc6: {  	v30 =	vshll.u32 v30, v1;
	v29 =	vbroadcast v29, $0x0;
	v43 =	vld.idx.msk [tilespmem:v10+s14+$0x0], $0xffff;
	v25 =	vmul.f32 v25, v40  }
0xc7: {  	v33 =	vadd.s32 v5, v33;
	v19 =	vmul.f32 v19, v28;
	v22 =	vadd.f32 v22, v27;
	v10 =	vld.idx.msk [tilespmem:v10+s16+$0x0], $0xffff  }
0xc8: {  	v36 =	vshll.u32 v36, v1;
	v59 =	vld.idx.msk [tilespmem:v35+s14+$0x0], $0xffff;
	v25 =	vadd.f32 v25, v27;
	v27 =	vmul.f32 v31, v41  }
0xc9: {  	v60 =	vadd.s32 v2, v29;
	v61 =	vld.idx.msk [tilespmem:v35+s16+$0x0], $0xffff;
	v23 =	vmul.f32 v26, v23;
	v19 =	vadd.f32 v19, v22  }
0xca: {  	v30 =	vbroadcast v30, $0x0;
	v62 =	vld.idx.msk [tilespmem:v38+s14+$0x0], $0xffff;
	v22 =	vadd.f32 v27, v25;
	v25 =	vmul.f32 v37, v42  }
0xcb: {  	v32 =	vadd.s32 v8, v32;
	v26 =	vld.idx.msk [tilespmem:v38+s16+$0x0], $0xffff;
	v11 =	vmul.f32 v11, v21;
	v19 =	vadd.f32 v23, v19  }
0xcc: {  	v21 =	vld.idx.msk [tilespmem:v33+s16+$0x0], $0xffff;
	v23 =	vbroadcast v36, $0x0;
	v10 =	vmul.f32 v10, v43;
	v22 =	vadd.f32 v25, v22  }
0xcd: {  	v30 =	vadd.s32 v9, v30;
	v18 =	vmul.f32 v20, v18;
	v11 =	vadd.f32 v11, v19;
	v27 =	vld.idx.msk [tilespmem:v33+s14+$0x0], $0xffff  }
0xce: {  	v28 =	vld.idx.msk [tilespmem:v60+s16+$0x0], $0xffff;
	v19 =	vadd.s32 v4, v23;
	v20 =	vadd.f32 v10, v22;
	v22 =	vmul.f32 v61, v59  }
0xcf: {  	v63 =	vshll.u32 v39, v1;
	v23 =	vadd.f32 v18, v11;
	v25 =	vld.idx.msk [tilespmem:v60+s14+$0x0], $0xffff  }
0xd0: {  	v11 =	vld.idx.msk [tilespmem:v32+s14+$0x0], $0xffff;
	v18 =	vbroadcast v63, $0x0;
	v20 =	vadd.f32 v22, v20;
	v22 =	vmul.f32 v26, v62  }
0xd1: {  	v23 =	vadd.f32 v16, v23;
	v16 =	vmul.f32 v15, v14;
	v10 =	vld.idx.msk [tilespmem:v24+s14+$0x0], $0xffff;
	v24 =	vmul.f32 v13, v12  }
0xd2: {  	v14 =	vld.idx.msk [tilespmem:v30+s16+$0x0], $0xffff;
	v26 =	vmul.f32 v21, v27;
	v20 =	vadd.f32 v22, v20;
	v22 =	vadd.s32 v2, v18  }
0xd3: {  	v15 =	vld.idx.msk [tilespmem:v19+s14+$0x0], $0xffff;
	v21 =	vadd.s32 v8, v18  }
0xd4: {  	v12 =	vld.idx.msk [tilespmem:v32+s16+$0x0], $0xffff;
	v23 =	vadd.f32 v24, v23;
	v24 =	vmul.f32 v28, v25;
	v20 =	vadd.f32 v26, v20  }
0xd5: {  	s29 =	simm.s32 $0x2F;
	v13 =	vld.idx.msk [tilespmem:v30+s14+$0x0], $0xffff  }
.LBB2_7:
0xd6: {  	p0 =	sne.s32 s29, $0x3F;
	v25 =	vadd.s32 v9, v18;
	v19 =	vld.idx.msk [tilespmem:v19+s16+$0x0], $0xffff;
	v23 =	vadd.f32 v24, v23;
	v20 =	vadd.f32 v16, v20  }
0xd7: {  	v16 =	vmov v17;
	v24 =	vld.idx.msk [tilespmem:v22+s14+$0x0], $0xffff  }
0xd8: {  	v17 =	vor.u32 v4, v18;
	v22 =	vld.idx.msk [tilespmem:v22+s16+$0x0], $0xffff  }
0xd9: {  	v26 =	vmov s29;
	s0 =	sadd.s32 $0xFFFFFFFF, s28;
	v27 =	vld.idx.msk [tilespmem:v21+s14+$0x0], $0xffff  }
0xda: {  	s2 =	sadd.s32 $0xFFFFFFFB, s29;
	s30 =	sadd.s32 $0xFFFFFFFD, s29;
	v28 =	vadd.s32 v7, v18;
	s31 =	sadd.s32 $0xFFFFFFFE, s28;
	v26 =	vshrl.u32 v26, $0x3;
	v29 =	vmov s0;
	v21 =	vld.idx.msk [tilespmem:v21+s16+$0x0], $0xffff  }
0xdb: {  	s0 =	sadd.s32 $0xFFFFFFF9, s29;
	v30 =	vmov s2;
	v31 =	vmov s30;
	s2 =	sadd.s32 $0xFFFFFFFC, s28;
	v33 =	vmov s31;
	v32 =	vld.idx.msk [tilespmem:v25+s14+$0x0], $0xffff  }
0xdc: {  	v35 =	vadd.s32 v6, v18;
	s30 =	sadd.s32 $0xFFFFFFF1, s29;
	v34 =	vmov s0;
	s0 =	sadd.s32 $0xFFFFFFFA, s28;
	v36 =	vmov s2;
	s28 =	smov.u32 s29;
	v25 =	vld.idx.msk [tilespmem:v25+s16+$0x0], $0xffff  }
0xdd: {  	v37 =	vmov s30;
	v26 =	vshll.u32 v26, v1;
	v39 =	vmov s0;
	v38 =	vld.idx.msk [tilespmem:v17+s14+$0x0], $0xffff  }
0xde: {  	v40 =	vadd.s32 v5, v18;
	v29 =	vshrl.u32 v29, $0x3;
	v39 =	vshrl.u32 v39, $0x3;
	v17 =	vld.idx.msk [tilespmem:v17+s16+$0x0], $0xffff  }
0xdf: {  	v31 =	vshrl.u32 v31, $0x3;
	v33 =	vshrl.u32 v33, $0x3;
	v39 =	vshll.u32 v39, v1;
	v41 =	vld.idx.msk [tilespmem:v28+s14+$0x0], $0xffff  }
0xe0: {  	v18 =	vadd.s32 v3, v18;
	v36 =	vshrl.u32 v36, $0x3;
	v39 =	vbroadcast v39, $0x0;
	v28 =	vld.idx.msk [tilespmem:v28+s16+$0x0], $0xffff  }
0xe1: {  	v30 =	vshrl.u32 v30, $0x3;
	v34 =	vshrl.u32 v34, $0x3;
	v36 =	vshll.u32 v36, v1;
	v42 =	vld.idx.msk [tilespmem:v35+s14+$0x0], $0xffff  }
0xe2: {  	v37 =	vshrl.u32 v37, $0x3;
	v36 =	vbroadcast v36, $0x0;
	v39 =	vadd.s32 v7, v39;
	v35 =	vld.idx.msk [tilespmem:v35+s16+$0x0], $0xffff  }
0xe3: {  	v26 =	vbroadcast v26, $0x0;
	v33 =	vshll.u32 v33, v1;
	v29 =	vshll.u32 v29, v1;
	v43 =	vld.idx.msk [tilespmem:v40+s14+$0x0], $0xffff  }
0xe4: {  	v31 =	vshll.u32 v31, v1;
	v33 =	vbroadcast v33, $0x0;
	v36 =	vadd.s32 v6, v36;
	v40 =	vld.idx.msk [tilespmem:v40+s16+$0x0], $0xffff  }
0xe5: {  	v30 =	vshll.u32 v30, v1;
	v34 =	vshll.u32 v34, v1;
	v29 =	vbroadcast v29, $0x0;
	v44 =	vld.idx.msk [tilespmem:v18+s14+$0x0], $0xffff  }
0xe6: {  	v33 =	vadd.s32 v5, v33;
	v17 =	vmul.f32 v17, v38;
	v28 =	vmul.f32 v28, v41;
	v18 =	vld.idx.msk [tilespmem:v18+s16+$0x0], $0xffff  }
0xe7: {  	v37 =	vshll.u32 v37, v1;
	v29 =	vadd.s32 v2, v29;
	v25 =	vmul.f32 v25, v32;
	v32 =	vld.idx.msk [tilespmem:v39+s14+$0x0], $0xffff  }
0xe8: {  	v17 =	vadd.f32 v17, v23;
	v20 =	vadd.f32 v28, v20;
	v23 =	vmul.f32 v35, v42;
	v28 =	vld.idx.msk [tilespmem:v39+s16+$0x0], $0xffff  }
0xe9: {  	v31 =	vbroadcast v31, $0x0;
	v26 =	vadd.s32 v3, v26;
	v21 =	vmul.f32 v21, v27;
	v27 =	vld.idx.msk [tilespmem:v36+s14+$0x0], $0xffff  }
0xea: {  	v17 =	vadd.f32 v25, v17;
	v20 =	vadd.f32 v23, v20;
	v23 =	vmul.f32 v40, v43;
	v25 =	vld.idx.msk [tilespmem:v36+s16+$0x0], $0xffff  }
0xeb: {  	v30 =	vbroadcast v30, $0x0;
	v31 =	vadd.s32 v8, v31;
	v22 =	vmul.f32 v22, v24;
	v24 =	vld.idx.msk [tilespmem:v33+s14+$0x0], $0xffff  }
0xec: {  	v17 =	vadd.f32 v21, v17;
	v20 =	vadd.f32 v23, v20;
	v18 =	vmul.f32 v18, v44;
	v21 =	vld.idx.msk [tilespmem:v33+s16+$0x0], $0xffff  }
0xed: {  	v15 =	vmul.f32 v19, v15;
	v30 =	vadd.s32 v9, v30;
	v23 =	vbroadcast v34, $0x0;
	v33 =	vld.idx.msk [tilespmem:v29+s14+$0x0], $0xffff  }
0xee: {  	v22 =	vadd.f32 v22, v17;
	v20 =	vadd.f32 v18, v20;
	v28 =	vmul.f32 v28, v32;
	v29 =	vld.idx.msk [tilespmem:v29+s16+$0x0], $0xffff  }
0xef: {  	v13 =	vmul.f32 v14, v13;
	v18 =	vbroadcast v37, $0x0;
	v19 =	vadd.s32 v4, v23;
	v32 =	vld.idx.msk [tilespmem:v26+s14+$0x0], $0xffff  }
0xf0: {  	v14 =	vadd.f32 v15, v22;
	v15 =	vadd.f32 v28, v20;
	v20 =	vmul.f32 v25, v27;
	v17 =	vld.idx.msk [tilespmem:v26+s16+$0x0], $0xffff  }
.Ltmp2:
0xf1: {  	v23 =	vmul.f32 v12, v11;
	v22 =	vadd.s32 v2, v18;
	v11 =	vld.idx.msk [tilespmem:v31+s14+$0x0], $0xffff;
	(pc) =	sbr.rel @p0 .LBB2_7-.Ltmp2, $4  }
0xf2: {  	v25 =	vadd.f32 v13, v14;
	v15 =	vadd.f32 v20, v15;
	v20 =	vmul.f32 v21, v24;
	v12 =	vld.idx.msk [tilespmem:v31+s16+$0x0], $0xffff  }
0xf3: {  	v16 =	vmul.f32 v16, v10;
	v21 =	vadd.s32 v8, v18;
	v13 =	vld.idx.msk [tilespmem:v30+s14+$0x0], $0xffff  }
0xf4: {  	v23 =	vadd.f32 v23, v25;
	v20 =	vadd.f32 v20, v15;
	v24 =	vmul.f32 v29, v33;
	v14 =	vld.idx.msk [tilespmem:v30+s16+$0x0], $0xffff  }
0xf5: {  	s29 =	sadd.s32 $0x10, s29;
	v10 =	vmov v32;
	v15 =	vld.idx.msk [tilespmem:v19+s14+$0x0], $0xffff  }
0xf6: {  	_ =	sdelay $0x3  }
0xf7: {  	v8 =	vadd.s32 v9, v18;
	v37 =	vld.idx.msk [tilespmem:v19+s16+$0x0], $0xffff  }
0xf8: {  	v38 =	vld.idx.msk [tilespmem:v22+s14+$0x0], $0xffff  }
0xf9: {  	v4 =	vor.u32 v4, v18;
	v39 =	vld.idx.msk [tilespmem:v22+s16+$0x0], $0xffff  }
0xfa: {  	v25 =	vld.idx.msk [tilespmem:v21+s14+$0x0], $0xffff  }
0xfb: {  	v26 =	vadd.s32 v7, v18;
	v40 =	vld.idx.msk [tilespmem:v21+s16+$0x0], $0xffff  }
0xfc: {  	v27 =	vld.idx.msk [tilespmem:v8+s14+$0x0], $0xffff  }
0xfd: {  	v28 =	vadd.s32 v6, v18;
	s0 =	sadd.s32 $0xFFFFFFFA, s28;
	v8 =	vld.idx.msk [tilespmem:v8+s16+$0x0], $0xffff  }
0xfe: {  	v30 =	vmov s0;
	v29 =	vld.idx.msk [tilespmem:v4+s14+$0x0], $0xffff  }
0xff: {  	s29 =	sadd.s32 $0xFFFFFFFC, s28;
	v31 =	vadd.s32 v5, v18;
	v30 =	vshrl.u32 v30, $0x3;
	v4 =	vld.idx.msk [tilespmem:v4+s16+$0x0], $0xffff  }
0x100: {  	v32 =	vmov s29;
	v30 =	vshll.u32 v30, v1;
	v33 =	vld.idx.msk [tilespmem:v26+s14+$0x0], $0xffff  }
0x101: {  	s30 =	sadd.s32 $0xFFFFFFFE, s28;
	v3 =	vadd.s32 v3, v18;
	v42 =	vshrl.u32 v32, $0x3;
	v41 =	vbroadcast v30, $0x0;
	v26 =	vld.idx.msk [tilespmem:v26+s16+$0x0], $0xffff  }
0x102: {  	v23 =	vadd.f32 v24, v23;
	v43 =	vmov s30;
	v30 =	vshll.u32 v42, v1;
	v44 =	vld.idx.msk [tilespmem:v28+s14+$0x0], $0xffff  }
0x103: {  	s31 =	sadd.s32 $0xFFFFFFFF, s28;
	v24 =	vshrl.u32 v43, $0x3;
	v28 =	vld.idx.msk [tilespmem:v28+s16+$0x0], $0xffff;
	v46 =	vbroadcast v30, $0x0;
	v45 =	vadd.s32 v7, v41  }
0x104: {  	v16 =	vadd.f32 v16, v20;
	v47 =	vmov s31;
	v24 =	vshll.u32 v24, v1;
	v48 =	vld.idx.msk [tilespmem:v31+s14+$0x0], $0xffff  }
0x105: {  	v20 =	vshrl.u32 v47, $0x3;
	v50 =	vbroadcast v24, $0x0;
	v31 =	vld.idx.msk [tilespmem:v31+s16+$0x0], $0xffff;
	v49 =	vadd.s32 v6, v46  }
0x106: {  	v20 =	vshll.u32 v20, v1;
	v51 =	vld.idx.msk [tilespmem:v3+s14+$0x0], $0xffff;
	v4 =	vmul.f32 v4, v29;
	v26 =	vmul.f32 v26, v33  }
0x107: {  	v20 =	vbroadcast v20, $0x0;
	v3 =	vld.idx.msk [tilespmem:v3+s16+$0x0], $0xffff;
	v52 =	vadd.s32 v5, v50;
	v8 =	vmul.f32 v8, v27  }
0x108: {  	v54 =	vmul.f32 v28, v44;
	v53 =	vld.idx.msk [tilespmem:v45+s14+$0x0], $0xffff;
	v4 =	vadd.f32 v4, v23;
	v16 =	vadd.f32 v26, v16  }
0x109: {  	v55 =	vmul.f32 v40, v25;
	v2 =	vadd.s32 v2, v20;
	v7 =	vld.idx.msk [tilespmem:v45+s16+$0x0], $0xffff  }
0x10a: {  	v58 =	vmul.f32 v31, v48;
	v56 =	vld.idx.msk [tilespmem:v49+s14+$0x0], $0xffff;
	v4 =	vadd.f32 v8, v4;
	v57 =	vadd.f32 v54, v16  }
0x10b: {  	v19 =	vmul.f32 v39, v38;
	v6 =	vld.idx.msk [tilespmem:v49+s16+$0x0], $0xffff  }
0x10c: {  	v3 =	vmul.f32 v3, v51;
	v59 =	vld.idx.msk [tilespmem:v52+s14+$0x0], $0xffff;
	v4 =	vadd.f32 v55, v4;
	v8 =	vadd.f32 v58, v57  }
0x10d: {  	v9 =	vmul.f32 v37, v15;
	v5 =	vld.idx.msk [tilespmem:v52+s16+$0x0], $0xffff  }
0x10e: {  	v60 =	vld.idx.msk [tilespmem:v2+s14+$0x0], $0xffff;
	v7 =	vmul.f32 v7, v53;
	v4 =	vadd.f32 v19, v4;
	v3 =	vadd.f32 v3, v8  }
0x10f: {  	v61 =	vmul.f32 v14, v13;
	v2 =	vld.idx.msk [tilespmem:v2+s16+$0x0], $0xffff  }
0x110: {  	v6 =	vmul.f32 v6, v56;
	v4 =	vadd.f32 v9, v4;
	v3 =	vadd.f32 v7, v3  }
0x111: {  	v62 =	vmul.f32 v12, v11  }
0x112: {  	v5 =	vmul.f32 v5, v59;
	v4 =	vadd.f32 v61, v4;
	v3 =	vadd.f32 v6, v3  }
0x113: {  	v63 =	vmul.f32 v17, v10  }
0x114: {  	s25 =	sadd.s32 $0x1, s25;
	v2 =	vmul.f32 v2, v60;
	v4 =	vadd.f32 v62, v4;
	v3 =	vadd.f32 v5, v3  }
0x115: {  	p0 =	sne.s32 s25, $0x8  }
.Ltmp3:
0x116: {  	v2 =	vadd.f32 v2, v4;
	v3 =	vadd.f32 v63, v3;
	(pc) =	sbr.rel @p0 .LBB2_6-.Ltmp3, $3  }
0x117: {  	_ = 	snop  }
0x118: {  	v2 =	vadd.f32 v3, v2;
	_ =	sdelay $0x1  }
0x119: {  	[tilespmem:s26+$0x8480] =	vst v2  }
0x11a: {  	[tilespmem:s14], [sflag:$0x1] =	stream.indirect.gather [hbm4b:s3+s11], $0x40, s21, s11, $0xb8;
	[tilespmem:$0x8600] =	vst v63  }
0x11b: {  	_ = 	snop  }
0x11c: {  	[tilespmem:s16], [sflag:$0x2] =	stream.indirect.gather [hbm4b:s4+s11], $0x40, s22, s11, $0xb8;
	[tilespmem:$0x8600] =	vst v63  }
0x11d: {  	_ =	swait.ge [sflag:s17], $0x2000  }
0x11e: {  	[sflag:s17] =	ssyncset.done $0x0  }
0x11f: {  	[sflag:s17] =	ssyncadd.s32 $0xFFFFE000  }
0x120: {  	_ =	swait.ge [sflag:s18], $0x2000  }
0x121: {  	[sflag:s18] =	ssyncset.done $0x0  }
0x122: {  	s25 =	simm.s32 $0x0;
	[sflag:s18] =	ssyncadd.s32 $0xFFFFE000  }
.LBB2_10:
0x123: {  	s0 =	simm.s32 $0xF  }
0x124: {  	s26 =	sshll.u32 s25, $0x4;
	v2 =	vmov s0  }
0x125: {  	s30 =	simm.s32 $0xC;
	v3 =	vmov s26;
	v2 =	vshrl.u32 v2, $0x3  }
0x126: {  	v5 =	vmov s30;
	v3 =	vshll.u32 v3, $0x6;
	v2 =	vshll.u32 v2, v1  }
0x127: {  	s31 =	simm.s32 $0xA;
	v5 =	vshrl.u32 v5, $0x3;
	v4 =	vor.u32 v0, v3;
	v2 =	vbroadcast v2, $0x0  }
0x128: {  	v6 =	vmov s31;
	v5 =	vshll.u32 v5, v1;
	v3 =	vor.u32 $0x7, v4  }
0x129: {  	s2 =	simm.s32 $0x8;
	v6 =	vshrl.u32 v6, $0x3;
	v5 =	vbroadcast v5, $0x0;
	v2 =	vadd.s32 v3, v2  }
0x12a: {  	v7 =	vmov s2;
	v6 =	vshll.u32 v6, v1;
	v8 =	vor.u32 $0x4, v4  }
0x12b: {  	s30 =	simm.s32 $0x0;
	v7 =	vshrl.u32 v7, $0x3;
	v6 =	vbroadcast v6, $0x0;
	v5 =	vadd.s32 v8, v5  }
0x12c: {  	v10 =	vmov s30;
	v7 =	vshll.u32 v7, v1;
	v9 =	vor.u32 $0x2, v4  }
0x12d: {  	v10 =	vshrl.u32 v10, $0x3;
	v7 =	vbroadcast v7, $0x0;
	v6 =	vadd.s32 v9, v6  }
0x12e: {  	v10 =	vshll.u32 v10, v1;
	v14 =	vld.idx.msk [tilespmem:v2+s12+$0x0], $0xffff  }
0x12f: {  	v10 =	vbroadcast v10, $0x0;
	v7 =	vadd.s32 v4, v7;
	v15 =	vld.idx.msk [tilespmem:v2+s13+$0x0], $0xffff  }
0x130: {  	v12 =	vld.idx.msk [tilespmem:v5+s12+$0x0], $0xffff  }
0x131: {  	s28 =	simm.s32 $0x1F;
	v19 =	vadd.s32 v9, v10;
	v13 =	vld.idx.msk [tilespmem:v5+s13+$0x0], $0xffff  }
0x132: {  	v24 =	vmov s28;
	v16 =	vld.idx.msk [tilespmem:v6+s12+$0x0], $0xffff  }
0x133: {  	v24 =	vshrl.u32 v24, $0x3;
	v22 =	vor.u32 v4, v10;
	v17 =	vld.idx.msk [tilespmem:v6+s13+$0x0], $0xffff  }
0x134: {  	v24 =	vshll.u32 v24, v1;
	v18 =	vld.idx.msk [tilespmem:v7+s12+$0x0], $0xffff  }
0x135: {  	v24 =	vbroadcast v24, $0x0;
	v5 =	vadd.s32 v8, v10;
	v20 =	vld.idx.msk [tilespmem:v7+s13+$0x0], $0xffff  }
0x136: {  	v28 =	vld.idx.msk [tilespmem:v19+s12+$0x0], $0xffff  }
0x137: {  	v24 =	vadd.s32 v3, v24;
	v2 =	vor.u32 $0x6, v4;
	v19 =	vld.idx.msk [tilespmem:v19+s13+$0x0], $0xffff  }
0x138: {  	v27 =	vimm.f32 $0.0e+00;
	s29 =	simm.s32 $0x1C;
	s31 =	simm.s32 $0xE;
	v11 =	vadd.s32 v2, v10;
	v34 =	vld.idx.msk [tilespmem:v22+s12+$0x0], $0xffff  }
0x139: {  	s2 =	simm.s32 $0x1A;
	v32 =	vmov s29;
	s29 =	simm.s32 $0x10;
	v29 =	vmov s31;
	v7 =	vor.u32 $0x1, v4;
	v22 =	vld.idx.msk [tilespmem:v22+s13+$0x0], $0xffff  }
0x13a: {  	s30 =	simm.s32 $0xD;
	v30 =	vmov s2;
	v39 =	vmov s29;
	v25 =	vadd.s32 v7, v10;
	v23 =	vld.idx.msk [tilespmem:v5+s12+$0x0], $0xffff  }
0x13b: {  	s31 =	simm.s32 $0x9;
	v32 =	vshrl.u32 v32, $0x3;
	v33 =	vmov s30;
	v6 =	vor.u32 $0x3, v4;
	v26 =	vld.idx.msk [tilespmem:v5+s13+$0x0], $0xffff  }
0x13c: {  	s2 =	simm.s32 $0x18;
	v35 =	vmov s31;
	v31 =	vadd.s32 v6, v10;
	v16 =	vmul.f32 v17, v16;
	v17 =	vld.idx.msk [tilespmem:v24+s13+$0x0], $0xffff  }
0x13d: {  	v36 =	vmov s2;
	v29 =	vshrl.u32 v29, $0x3;
	v5 =	vor.u32 $0x5, v4;
	v21 =	vld.idx.msk [tilespmem:v11+s12+$0x0], $0xffff  }
0x13e: {  	s31 =	simm.s32 $0xB;
	v30 =	vshrl.u32 v30, $0x3;
	v35 =	vshrl.u32 v35, $0x3;
	v11 =	vld.idx.msk [tilespmem:v11+s13+$0x0], $0xffff;
	v37 =	vadd.s32 v5, v10  }
0x13f: {  	v39 =	vshrl.u32 v39, $0x3;
	v38 =	vmov s31;
	v35 =	vshll.u32 v35, v1;
	v40 =	vld.idx.msk [tilespmem:v25+s12+$0x0], $0xffff  }
0x140: {  	v38 =	vshrl.u32 v38, $0x3;
	v35 =	vbroadcast v35, $0x0;
	v25 =	vld.idx.msk [tilespmem:v25+s13+$0x0], $0xffff;
	v10 =	vadd.s32 v3, v10  }
0x141: {  	v32 =	vshll.u32 v32, v1;
	v33 =	vshrl.u32 v33, $0x3;
	v38 =	vshll.u32 v38, v1;
	v41 =	vld.idx.msk [tilespmem:v31+s12+$0x0], $0xffff  }
0x142: {  	v36 =	vshrl.u32 v36, $0x3;
	v38 =	vbroadcast v38, $0x0;
	v35 =	vadd.s32 v7, v35;
	v31 =	vld.idx.msk [tilespmem:v31+s13+$0x0], $0xffff  }
0x143: {  	v29 =	vshll.u32 v29, v1;
	v32 =	vbroadcast v32, $0x0;
	v33 =	vshll.u32 v33, v1;
	v42 =	vld.idx.msk [tilespmem:v37+s12+$0x0], $0xffff  }
0x144: {  	v33 =	vbroadcast v33, $0x0;
	v38 =	vadd.s32 v6, v38;
	v22 =	vmul.f32 v22, v34;
	v37 =	vld.idx.msk [tilespmem:v37+s13+$0x0], $0xffff  }
0x145: {  	v30 =	vshll.u32 v30, v1;
	v29 =	vbroadcast v29, $0x0;
	v43 =	vld.idx.msk [tilespmem:v10+s12+$0x0], $0xffff;
	v25 =	vmul.f32 v25, v40  }
0x146: {  	v33 =	vadd.s32 v5, v33;
	v19 =	vmul.f32 v19, v28;
	v22 =	vadd.f32 v22, v27;
	v10 =	vld.idx.msk [tilespmem:v10+s13+$0x0], $0xffff  }
0x147: {  	v36 =	vshll.u32 v36, v1;
	v59 =	vld.idx.msk [tilespmem:v35+s12+$0x0], $0xffff;
	v25 =	vadd.f32 v25, v27;
	v27 =	vmul.f32 v31, v41  }
0x148: {  	v60 =	vadd.s32 v2, v29;
	v61 =	vld.idx.msk [tilespmem:v35+s13+$0x0], $0xffff;
	v23 =	vmul.f32 v26, v23;
	v19 =	vadd.f32 v19, v22  }
0x149: {  	v30 =	vbroadcast v30, $0x0;
	v62 =	vld.idx.msk [tilespmem:v38+s12+$0x0], $0xffff;
	v22 =	vadd.f32 v27, v25;
	v25 =	vmul.f32 v37, v42  }
0x14a: {  	v32 =	vadd.s32 v8, v32;
	v26 =	vld.idx.msk [tilespmem:v38+s13+$0x0], $0xffff;
	v11 =	vmul.f32 v11, v21;
	v19 =	vadd.f32 v23, v19  }
0x14b: {  	v21 =	vld.idx.msk [tilespmem:v33+s13+$0x0], $0xffff;
	v23 =	vbroadcast v36, $0x0;
	v10 =	vmul.f32 v10, v43;
	v22 =	vadd.f32 v25, v22  }
0x14c: {  	v30 =	vadd.s32 v9, v30;
	v18 =	vmul.f32 v20, v18;
	v11 =	vadd.f32 v11, v19;
	v27 =	vld.idx.msk [tilespmem:v33+s12+$0x0], $0xffff  }
0x14d: {  	v28 =	vld.idx.msk [tilespmem:v60+s13+$0x0], $0xffff;
	v19 =	vadd.s32 v4, v23;
	v20 =	vadd.f32 v10, v22;
	v22 =	vmul.f32 v61, v59  }
0x14e: {  	v63 =	vshll.u32 v39, v1;
	v23 =	vadd.f32 v18, v11;
	v25 =	vld.idx.msk [tilespmem:v60+s12+$0x0], $0xffff  }
0x14f: {  	v11 =	vld.idx.msk [tilespmem:v32+s12+$0x0], $0xffff;
	v18 =	vbroadcast v63, $0x0;
	v20 =	vadd.f32 v22, v20;
	v22 =	vmul.f32 v26, v62  }
0x150: {  	v23 =	vadd.f32 v16, v23;
	v16 =	vmul.f32 v15, v14;
	v10 =	vld.idx.msk [tilespmem:v24+s12+$0x0], $0xffff;
	v24 =	vmul.f32 v13, v12  }
0x151: {  	v14 =	vld.idx.msk [tilespmem:v30+s13+$0x0], $0xffff;
	v26 =	vmul.f32 v21, v27;
	v20 =	vadd.f32 v22, v20;
	v22 =	vadd.s32 v2, v18  }
0x152: {  	v15 =	vld.idx.msk [tilespmem:v19+s12+$0x0], $0xffff;
	v21 =	vadd.s32 v8, v18  }
0x153: {  	v12 =	vld.idx.msk [tilespmem:v32+s13+$0x0], $0xffff;
	v23 =	vadd.f32 v24, v23;
	v24 =	vmul.f32 v28, v25;
	v20 =	vadd.f32 v26, v20  }
0x154: {  	s29 =	simm.s32 $0x2F;
	v13 =	vld.idx.msk [tilespmem:v30+s12+$0x0], $0xffff  }
.LBB2_11:
0x155: {  	p0 =	sne.s32 s29, $0x3F;
	v25 =	vadd.s32 v9, v18;
	v19 =	vld.idx.msk [tilespmem:v19+s13+$0x0], $0xffff;
	v23 =	vadd.f32 v24, v23;
	v20 =	vadd.f32 v16, v20  }
0x156: {  	v16 =	vmov v17;
	v24 =	vld.idx.msk [tilespmem:v22+s12+$0x0], $0xffff  }
0x157: {  	v17 =	vor.u32 v4, v18;
	v22 =	vld.idx.msk [tilespmem:v22+s13+$0x0], $0xffff  }
0x158: {  	v26 =	vmov s29;
	s0 =	sadd.s32 $0xFFFFFFFF, s28;
	v27 =	vld.idx.msk [tilespmem:v21+s12+$0x0], $0xffff  }
0x159: {  	s2 =	sadd.s32 $0xFFFFFFFB, s29;
	s30 =	sadd.s32 $0xFFFFFFFD, s29;
	v28 =	vadd.s32 v7, v18;
	s31 =	sadd.s32 $0xFFFFFFFE, s28;
	v26 =	vshrl.u32 v26, $0x3;
	v29 =	vmov s0;
	v21 =	vld.idx.msk [tilespmem:v21+s13+$0x0], $0xffff  }
0x15a: {  	s0 =	sadd.s32 $0xFFFFFFF9, s29;
	v30 =	vmov s2;
	v31 =	vmov s30;
	s2 =	sadd.s32 $0xFFFFFFFC, s28;
	v33 =	vmov s31;
	v32 =	vld.idx.msk [tilespmem:v25+s12+$0x0], $0xffff  }
0x15b: {  	v35 =	vadd.s32 v6, v18;
	s30 =	sadd.s32 $0xFFFFFFF1, s29;
	v34 =	vmov s0;
	s0 =	sadd.s32 $0xFFFFFFFA, s28;
	v36 =	vmov s2;
	s28 =	smov.u32 s29;
	v25 =	vld.idx.msk [tilespmem:v25+s13+$0x0], $0xffff  }
0x15c: {  	v37 =	vmov s30;
	v26 =	vshll.u32 v26, v1;
	v39 =	vmov s0;
	v38 =	vld.idx.msk [tilespmem:v17+s12+$0x0], $0xffff  }
0x15d: {  	v40 =	vadd.s32 v5, v18;
	v29 =	vshrl.u32 v29, $0x3;
	v39 =	vshrl.u32 v39, $0x3;
	v17 =	vld.idx.msk [tilespmem:v17+s13+$0x0], $0xffff  }
0x15e: {  	v31 =	vshrl.u32 v31, $0x3;
	v33 =	vshrl.u32 v33, $0x3;
	v39 =	vshll.u32 v39, v1;
	v41 =	vld.idx.msk [tilespmem:v28+s12+$0x0], $0xffff  }
0x15f: {  	v18 =	vadd.s32 v3, v18;
	v36 =	vshrl.u32 v36, $0x3;
	v39 =	vbroadcast v39, $0x0;
	v28 =	vld.idx.msk [tilespmem:v28+s13+$0x0], $0xffff  }
0x160: {  	v30 =	vshrl.u32 v30, $0x3;
	v34 =	vshrl.u32 v34, $0x3;
	v36 =	vshll.u32 v36, v1;
	v42 =	vld.idx.msk [tilespmem:v35+s12+$0x0], $0xffff  }
0x161: {  	v37 =	vshrl.u32 v37, $0x3;
	v36 =	vbroadcast v36, $0x0;
	v39 =	vadd.s32 v7, v39;
	v35 =	vld.idx.msk [tilespmem:v35+s13+$0x0], $0xffff  }
0x162: {  	v26 =	vbroadcast v26, $0x0;
	v33 =	vshll.u32 v33, v1;
	v29 =	vshll.u32 v29, v1;
	v43 =	vld.idx.msk [tilespmem:v40+s12+$0x0], $0xffff  }
0x163: {  	v31 =	vshll.u32 v31, v1;
	v33 =	vbroadcast v33, $0x0;
	v36 =	vadd.s32 v6, v36;
	v40 =	vld.idx.msk [tilespmem:v40+s13+$0x0], $0xffff  }
0x164: {  	v30 =	vshll.u32 v30, v1;
	v34 =	vshll.u32 v34, v1;
	v29 =	vbroadcast v29, $0x0;
	v44 =	vld.idx.msk [tilespmem:v18+s12+$0x0], $0xffff  }
0x165: {  	v33 =	vadd.s32 v5, v33;
	v17 =	vmul.f32 v17, v38;
	v28 =	vmul.f32 v28, v41;
	v18 =	vld.idx.msk [tilespmem:v18+s13+$0x0], $0xffff  }
0x166: {  	v37 =	vshll.u32 v37, v1;
	v29 =	vadd.s32 v2, v29;
	v25 =	vmul.f32 v25, v32;
	v32 =	vld.idx.msk [tilespmem:v39+s12+$0x0], $0xffff  }
0x167: {  	v17 =	vadd.f32 v17, v23;
	v20 =	vadd.f32 v28, v20;
	v23 =	vmul.f32 v35, v42;
	v28 =	vld.idx.msk [tilespmem:v39+s13+$0x0], $0xffff  }
0x168: {  	v31 =	vbroadcast v31, $0x0;
	v26 =	vadd.s32 v3, v26;
	v21 =	vmul.f32 v21, v27;
	v27 =	vld.idx.msk [tilespmem:v36+s12+$0x0], $0xffff  }
0x169: {  	v17 =	vadd.f32 v25, v17;
	v20 =	vadd.f32 v23, v20;
	v23 =	vmul.f32 v40, v43;
	v25 =	vld.idx.msk [tilespmem:v36+s13+$0x0], $0xffff  }
0x16a: {  	v30 =	vbroadcast v30, $0x0;
	v31 =	vadd.s32 v8, v31;
	v22 =	vmul.f32 v22, v24;
	v24 =	vld.idx.msk [tilespmem:v33+s12+$0x0], $0xffff  }
0x16b: {  	v17 =	vadd.f32 v21, v17;
	v20 =	vadd.f32 v23, v20;
	v18 =	vmul.f32 v18, v44;
	v21 =	vld.idx.msk [tilespmem:v33+s13+$0x0], $0xffff  }
0x16c: {  	v15 =	vmul.f32 v19, v15;
	v30 =	vadd.s32 v9, v30;
	v23 =	vbroadcast v34, $0x0;
	v33 =	vld.idx.msk [tilespmem:v29+s12+$0x0], $0xffff  }
0x16d: {  	v22 =	vadd.f32 v22, v17;
	v20 =	vadd.f32 v18, v20;
	v28 =	vmul.f32 v28, v32;
	v29 =	vld.idx.msk [tilespmem:v29+s13+$0x0], $0xffff  }
0x16e: {  	v13 =	vmul.f32 v14, v13;
	v18 =	vbroadcast v37, $0x0;
	v19 =	vadd.s32 v4, v23;
	v32 =	vld.idx.msk [tilespmem:v26+s12+$0x0], $0xffff  }
0x16f: {  	v14 =	vadd.f32 v15, v22;
	v15 =	vadd.f32 v28, v20;
	v20 =	vmul.f32 v25, v27;
	v17 =	vld.idx.msk [tilespmem:v26+s13+$0x0], $0xffff  }
.Ltmp4:
0x170: {  	v23 =	vmul.f32 v12, v11;
	v22 =	vadd.s32 v2, v18;
	v11 =	vld.idx.msk [tilespmem:v31+s12+$0x0], $0xffff;
	(pc) =	sbr.rel @p0 .LBB2_11-.Ltmp4, $4  }
0x171: {  	v25 =	vadd.f32 v13, v14;
	v15 =	vadd.f32 v20, v15;
	v20 =	vmul.f32 v21, v24;
	v12 =	vld.idx.msk [tilespmem:v31+s13+$0x0], $0xffff  }
0x172: {  	v16 =	vmul.f32 v16, v10;
	v21 =	vadd.s32 v8, v18;
	v13 =	vld.idx.msk [tilespmem:v30+s12+$0x0], $0xffff  }
0x173: {  	v23 =	vadd.f32 v23, v25;
	v20 =	vadd.f32 v20, v15;
	v24 =	vmul.f32 v29, v33;
	v14 =	vld.idx.msk [tilespmem:v30+s13+$0x0], $0xffff  }
0x174: {  	s29 =	sadd.s32 $0x10, s29;
	v10 =	vmov v32;
	v15 =	vld.idx.msk [tilespmem:v19+s12+$0x0], $0xffff  }
0x175: {  	_ =	sdelay $0x3  }
0x176: {  	v8 =	vadd.s32 v9, v18;
	v37 =	vld.idx.msk [tilespmem:v19+s13+$0x0], $0xffff  }
0x177: {  	v38 =	vld.idx.msk [tilespmem:v22+s12+$0x0], $0xffff  }
0x178: {  	v4 =	vor.u32 v4, v18;
	v39 =	vld.idx.msk [tilespmem:v22+s13+$0x0], $0xffff  }
0x179: {  	v25 =	vld.idx.msk [tilespmem:v21+s12+$0x0], $0xffff  }
0x17a: {  	v26 =	vadd.s32 v7, v18;
	v40 =	vld.idx.msk [tilespmem:v21+s13+$0x0], $0xffff  }
0x17b: {  	v27 =	vld.idx.msk [tilespmem:v8+s12+$0x0], $0xffff  }
0x17c: {  	v28 =	vadd.s32 v6, v18;
	s0 =	sadd.s32 $0xFFFFFFFA, s28;
	v8 =	vld.idx.msk [tilespmem:v8+s13+$0x0], $0xffff  }
0x17d: {  	v30 =	vmov s0;
	v29 =	vld.idx.msk [tilespmem:v4+s12+$0x0], $0xffff  }
0x17e: {  	s29 =	sadd.s32 $0xFFFFFFFC, s28;
	v31 =	vadd.s32 v5, v18;
	v30 =	vshrl.u32 v30, $0x3;
	v4 =	vld.idx.msk [tilespmem:v4+s13+$0x0], $0xffff  }
0x17f: {  	v32 =	vmov s29;
	v30 =	vshll.u32 v30, v1;
	v33 =	vld.idx.msk [tilespmem:v26+s12+$0x0], $0xffff  }
0x180: {  	s30 =	sadd.s32 $0xFFFFFFFE, s28;
	v3 =	vadd.s32 v3, v18;
	v42 =	vshrl.u32 v32, $0x3;
	v41 =	vbroadcast v30, $0x0;
	v26 =	vld.idx.msk [tilespmem:v26+s13+$0x0], $0xffff  }
0x181: {  	v23 =	vadd.f32 v24, v23;
	v43 =	vmov s30;
	v30 =	vshll.u32 v42, v1;
	v44 =	vld.idx.msk [tilespmem:v28+s12+$0x0], $0xffff  }
0x182: {  	s31 =	sadd.s32 $0xFFFFFFFF, s28;
	v24 =	vshrl.u32 v43, $0x3;
	v28 =	vld.idx.msk [tilespmem:v28+s13+$0x0], $0xffff;
	v46 =	vbroadcast v30, $0x0;
	v45 =	vadd.s32 v7, v41  }
0x183: {  	v16 =	vadd.f32 v16, v20;
	v47 =	vmov s31;
	v24 =	vshll.u32 v24, v1;
	v48 =	vld.idx.msk [tilespmem:v31+s12+$0x0], $0xffff  }
0x184: {  	v20 =	vshrl.u32 v47, $0x3;
	v50 =	vbroadcast v24, $0x0;
	v31 =	vld.idx.msk [tilespmem:v31+s13+$0x0], $0xffff;
	v49 =	vadd.s32 v6, v46  }
0x185: {  	v20 =	vshll.u32 v20, v1;
	v51 =	vld.idx.msk [tilespmem:v3+s12+$0x0], $0xffff;
	v4 =	vmul.f32 v4, v29;
	v26 =	vmul.f32 v26, v33  }
0x186: {  	v20 =	vbroadcast v20, $0x0;
	v3 =	vld.idx.msk [tilespmem:v3+s13+$0x0], $0xffff;
	v52 =	vadd.s32 v5, v50;
	v8 =	vmul.f32 v8, v27  }
0x187: {  	v54 =	vmul.f32 v28, v44;
	v53 =	vld.idx.msk [tilespmem:v45+s12+$0x0], $0xffff;
	v4 =	vadd.f32 v4, v23;
	v16 =	vadd.f32 v26, v16  }
0x188: {  	v55 =	vmul.f32 v40, v25;
	v2 =	vadd.s32 v2, v20;
	v7 =	vld.idx.msk [tilespmem:v45+s13+$0x0], $0xffff  }
0x189: {  	v58 =	vmul.f32 v31, v48;
	v56 =	vld.idx.msk [tilespmem:v49+s12+$0x0], $0xffff;
	v4 =	vadd.f32 v8, v4;
	v57 =	vadd.f32 v54, v16  }
0x18a: {  	v19 =	vmul.f32 v39, v38;
	v6 =	vld.idx.msk [tilespmem:v49+s13+$0x0], $0xffff  }
0x18b: {  	v3 =	vmul.f32 v3, v51;
	v59 =	vld.idx.msk [tilespmem:v52+s12+$0x0], $0xffff;
	v4 =	vadd.f32 v55, v4;
	v8 =	vadd.f32 v58, v57  }
0x18c: {  	v9 =	vmul.f32 v37, v15;
	v5 =	vld.idx.msk [tilespmem:v52+s13+$0x0], $0xffff  }
0x18d: {  	v60 =	vld.idx.msk [tilespmem:v2+s12+$0x0], $0xffff;
	v7 =	vmul.f32 v7, v53;
	v4 =	vadd.f32 v19, v4;
	v3 =	vadd.f32 v3, v8  }
0x18e: {  	v61 =	vmul.f32 v14, v13;
	v2 =	vld.idx.msk [tilespmem:v2+s13+$0x0], $0xffff  }
0x18f: {  	v6 =	vmul.f32 v6, v56;
	v4 =	vadd.f32 v9, v4;
	v3 =	vadd.f32 v7, v3  }
0x190: {  	v62 =	vmul.f32 v12, v11  }
0x191: {  	v5 =	vmul.f32 v5, v59;
	v4 =	vadd.f32 v61, v4;
	v3 =	vadd.f32 v6, v3  }
0x192: {  	v63 =	vmul.f32 v17, v10  }
0x193: {  	s25 =	sadd.s32 $0x1, s25;
	v2 =	vmul.f32 v2, v60;
	v4 =	vadd.f32 v62, v4;
	v3 =	vadd.f32 v5, v3  }
0x194: {  	p0 =	sne.s32 s25, $0x8  }
.Ltmp5:
0x195: {  	v2 =	vadd.f32 v2, v4;
	v3 =	vadd.f32 v63, v3;
	(pc) =	sbr.rel @p0 .LBB2_10-.Ltmp5, $3  }
0x196: {  	_ = 	snop  }
0x197: {  	v2 =	vadd.f32 v3, v2;
	_ =	sdelay $0x1  }
0x198: {  	[tilespmem:s26+$0x8500] =	vst v2  }
0x199: {  	_ =	swait.ge [sflag:s17], $0x2000  }
0x19a: {  	[sflag:s17] =	ssyncset.done $0x0  }
0x19b: {  	[sflag:s17] =	ssyncadd.s32 $0xFFFFE000  }
0x19c: {  	_ =	swait.ge [sflag:s18], $0x2000  }
0x19d: {  	[sflag:s18] =	ssyncset.done $0x0  }
0x19e: {  	s25 =	simm.s32 $0x0;
	[sflag:s18] =	ssyncadd.s32 $0xFFFFE000  }
.LBB2_14:
0x19f: {  	s0 =	simm.s32 $0xF  }
0x1a0: {  	s26 =	sshll.u32 s25, $0x4;
	v2 =	vmov s0  }
0x1a1: {  	s30 =	simm.s32 $0xC;
	v3 =	vmov s26;
	v2 =	vshrl.u32 v2, $0x3  }
0x1a2: {  	v5 =	vmov s30;
	v3 =	vshll.u32 v3, $0x6;
	v2 =	vshll.u32 v2, v1  }
0x1a3: {  	s31 =	simm.s32 $0xA;
	v5 =	vshrl.u32 v5, $0x3;
	v4 =	vor.u32 v0, v3;
	v2 =	vbroadcast v2, $0x0  }
0x1a4: {  	v6 =	vmov s31;
	v5 =	vshll.u32 v5, v1;
	v3 =	vor.u32 $0x7, v4  }
0x1a5: {  	s2 =	simm.s32 $0x8;
	v6 =	vshrl.u32 v6, $0x3;
	v5 =	vbroadcast v5, $0x0;
	v2 =	vadd.s32 v3, v2  }
0x1a6: {  	v7 =	vmov s2;
	v6 =	vshll.u32 v6, v1;
	v8 =	vor.u32 $0x4, v4  }
0x1a7: {  	s30 =	simm.s32 $0x0;
	v7 =	vshrl.u32 v7, $0x3;
	v6 =	vbroadcast v6, $0x0;
	v5 =	vadd.s32 v8, v5  }
0x1a8: {  	v10 =	vmov s30;
	v7 =	vshll.u32 v7, v1;
	v9 =	vor.u32 $0x2, v4  }
0x1a9: {  	v10 =	vshrl.u32 v10, $0x3;
	v7 =	vbroadcast v7, $0x0;
	v6 =	vadd.s32 v9, v6  }
0x1aa: {  	v10 =	vshll.u32 v10, v1;
	v14 =	vld.idx.msk [tilespmem:v2+s14+$0x0], $0xffff  }
0x1ab: {  	v10 =	vbroadcast v10, $0x0;
	v7 =	vadd.s32 v4, v7;
	v15 =	vld.idx.msk [tilespmem:v2+s16+$0x0], $0xffff  }
0x1ac: {  	v12 =	vld.idx.msk [tilespmem:v5+s14+$0x0], $0xffff  }
0x1ad: {  	s28 =	simm.s32 $0x1F;
	v19 =	vadd.s32 v9, v10;
	v13 =	vld.idx.msk [tilespmem:v5+s16+$0x0], $0xffff  }
0x1ae: {  	v24 =	vmov s28;
	v16 =	vld.idx.msk [tilespmem:v6+s14+$0x0], $0xffff  }
0x1af: {  	v24 =	vshrl.u32 v24, $0x3;
	v22 =	vor.u32 v4, v10;
	v17 =	vld.idx.msk [tilespmem:v6+s16+$0x0], $0xffff  }
0x1b0: {  	v24 =	vshll.u32 v24, v1;
	v18 =	vld.idx.msk [tilespmem:v7+s14+$0x0], $0xffff  }
0x1b1: {  	v24 =	vbroadcast v24, $0x0;
	v5 =	vadd.s32 v8, v10;
	v20 =	vld.idx.msk [tilespmem:v7+s16+$0x0], $0xffff  }
0x1b2: {  	v28 =	vld.idx.msk [tilespmem:v19+s14+$0x0], $0xffff  }
0x1b3: {  	v24 =	vadd.s32 v3, v24;
	v2 =	vor.u32 $0x6, v4;
	v19 =	vld.idx.msk [tilespmem:v19+s16+$0x0], $0xffff  }
0x1b4: {  	v27 =	vimm.f32 $0.0e+00;
	s29 =	simm.s32 $0x1C;
	s31 =	simm.s32 $0xE;
	v11 =	vadd.s32 v2, v10;
	v34 =	vld.idx.msk [tilespmem:v22+s14+$0x0], $0xffff  }
0x1b5: {  	s2 =	simm.s32 $0x1A;
	v32 =	vmov s29;
	s29 =	simm.s32 $0x10;
	v29 =	vmov s31;
	v7 =	vor.u32 $0x1, v4;
	v22 =	vld.idx.msk [tilespmem:v22+s16+$0x0], $0xffff  }
0x1b6: {  	s30 =	simm.s32 $0xD;
	v30 =	vmov s2;
	v39 =	vmov s29;
	v25 =	vadd.s32 v7, v10;
	v23 =	vld.idx.msk [tilespmem:v5+s14+$0x0], $0xffff  }
0x1b7: {  	s31 =	simm.s32 $0x9;
	v32 =	vshrl.u32 v32, $0x3;
	v33 =	vmov s30;
	v6 =	vor.u32 $0x3, v4;
	v26 =	vld.idx.msk [tilespmem:v5+s16+$0x0], $0xffff  }
0x1b8: {  	s2 =	simm.s32 $0x18;
	v35 =	vmov s31;
	v31 =	vadd.s32 v6, v10;
	v16 =	vmul.f32 v17, v16;
	v17 =	vld.idx.msk [tilespmem:v24+s16+$0x0], $0xffff  }
0x1b9: {  	v36 =	vmov s2;
	v29 =	vshrl.u32 v29, $0x3;
	v5 =	vor.u32 $0x5, v4;
	v21 =	vld.idx.msk [tilespmem:v11+s14+$0x0], $0xffff  }
0x1ba: {  	s31 =	simm.s32 $0xB;
	v30 =	vshrl.u32 v30, $0x3;
	v35 =	vshrl.u32 v35, $0x3;
	v11 =	vld.idx.msk [tilespmem:v11+s16+$0x0], $0xffff;
	v37 =	vadd.s32 v5, v10  }
0x1bb: {  	v39 =	vshrl.u32 v39, $0x3;
	v38 =	vmov s31;
	v35 =	vshll.u32 v35, v1;
	v40 =	vld.idx.msk [tilespmem:v25+s14+$0x0], $0xffff  }
0x1bc: {  	v38 =	vshrl.u32 v38, $0x3;
	v35 =	vbroadcast v35, $0x0;
	v25 =	vld.idx.msk [tilespmem:v25+s16+$0x0], $0xffff;
	v10 =	vadd.s32 v3, v10  }
0x1bd: {  	v32 =	vshll.u32 v32, v1;
	v33 =	vshrl.u32 v33, $0x3;
	v38 =	vshll.u32 v38, v1;
	v41 =	vld.idx.msk [tilespmem:v31+s14+$0x0], $0xffff  }
0x1be: {  	v36 =	vshrl.u32 v36, $0x3;
	v38 =	vbroadcast v38, $0x0;
	v35 =	vadd.s32 v7, v35;
	v31 =	vld.idx.msk [tilespmem:v31+s16+$0x0], $0xffff  }
0x1bf: {  	v29 =	vshll.u32 v29, v1;
	v32 =	vbroadcast v32, $0x0;
	v33 =	vshll.u32 v33, v1;
	v42 =	vld.idx.msk [tilespmem:v37+s14+$0x0], $0xffff  }
0x1c0: {  	v33 =	vbroadcast v33, $0x0;
	v38 =	vadd.s32 v6, v38;
	v22 =	vmul.f32 v22, v34;
	v37 =	vld.idx.msk [tilespmem:v37+s16+$0x0], $0xffff  }
0x1c1: {  	v30 =	vshll.u32 v30, v1;
	v29 =	vbroadcast v29, $0x0;
	v43 =	vld.idx.msk [tilespmem:v10+s14+$0x0], $0xffff;
	v25 =	vmul.f32 v25, v40  }
0x1c2: {  	v33 =	vadd.s32 v5, v33;
	v19 =	vmul.f32 v19, v28;
	v22 =	vadd.f32 v22, v27;
	v10 =	vld.idx.msk [tilespmem:v10+s16+$0x0], $0xffff  }
0x1c3: {  	v36 =	vshll.u32 v36, v1;
	v59 =	vld.idx.msk [tilespmem:v35+s14+$0x0], $0xffff;
	v25 =	vadd.f32 v25, v27;
	v27 =	vmul.f32 v31, v41  }
0x1c4: {  	v60 =	vadd.s32 v2, v29;
	v61 =	vld.idx.msk [tilespmem:v35+s16+$0x0], $0xffff;
	v23 =	vmul.f32 v26, v23;
	v19 =	vadd.f32 v19, v22  }
0x1c5: {  	v30 =	vbroadcast v30, $0x0;
	v62 =	vld.idx.msk [tilespmem:v38+s14+$0x0], $0xffff;
	v22 =	vadd.f32 v27, v25;
	v25 =	vmul.f32 v37, v42  }
0x1c6: {  	v32 =	vadd.s32 v8, v32;
	v26 =	vld.idx.msk [tilespmem:v38+s16+$0x0], $0xffff;
	v11 =	vmul.f32 v11, v21;
	v19 =	vadd.f32 v23, v19  }
0x1c7: {  	v21 =	vld.idx.msk [tilespmem:v33+s16+$0x0], $0xffff;
	v23 =	vbroadcast v36, $0x0;
	v10 =	vmul.f32 v10, v43;
	v22 =	vadd.f32 v25, v22  }
0x1c8: {  	v30 =	vadd.s32 v9, v30;
	v18 =	vmul.f32 v20, v18;
	v11 =	vadd.f32 v11, v19;
	v27 =	vld.idx.msk [tilespmem:v33+s14+$0x0], $0xffff  }
0x1c9: {  	v28 =	vld.idx.msk [tilespmem:v60+s16+$0x0], $0xffff;
	v19 =	vadd.s32 v4, v23;
	v20 =	vadd.f32 v10, v22;
	v22 =	vmul.f32 v61, v59  }
0x1ca: {  	v63 =	vshll.u32 v39, v1;
	v23 =	vadd.f32 v18, v11;
	v25 =	vld.idx.msk [tilespmem:v60+s14+$0x0], $0xffff  }
0x1cb: {  	v11 =	vld.idx.msk [tilespmem:v32+s14+$0x0], $0xffff;
	v18 =	vbroadcast v63, $0x0;
	v20 =	vadd.f32 v22, v20;
	v22 =	vmul.f32 v26, v62  }
0x1cc: {  	v23 =	vadd.f32 v16, v23;
	v16 =	vmul.f32 v15, v14;
	v10 =	vld.idx.msk [tilespmem:v24+s14+$0x0], $0xffff;
	v24 =	vmul.f32 v13, v12  }
0x1cd: {  	v14 =	vld.idx.msk [tilespmem:v30+s16+$0x0], $0xffff;
	v26 =	vmul.f32 v21, v27;
	v20 =	vadd.f32 v22, v20;
	v22 =	vadd.s32 v2, v18  }
0x1ce: {  	v15 =	vld.idx.msk [tilespmem:v19+s14+$0x0], $0xffff;
	v21 =	vadd.s32 v8, v18  }
0x1cf: {  	v12 =	vld.idx.msk [tilespmem:v32+s16+$0x0], $0xffff;
	v23 =	vadd.f32 v24, v23;
	v24 =	vmul.f32 v28, v25;
	v20 =	vadd.f32 v26, v20  }
0x1d0: {  	s29 =	simm.s32 $0x2F;
	v13 =	vld.idx.msk [tilespmem:v30+s14+$0x0], $0xffff  }
.LBB2_15:
0x1d1: {  	p0 =	sne.s32 s29, $0x3F;
	v25 =	vadd.s32 v9, v18;
	v19 =	vld.idx.msk [tilespmem:v19+s16+$0x0], $0xffff;
	v23 =	vadd.f32 v24, v23;
	v20 =	vadd.f32 v16, v20  }
0x1d2: {  	v16 =	vmov v17;
	v24 =	vld.idx.msk [tilespmem:v22+s14+$0x0], $0xffff  }
0x1d3: {  	v17 =	vor.u32 v4, v18;
	v22 =	vld.idx.msk [tilespmem:v22+s16+$0x0], $0xffff  }
0x1d4: {  	v26 =	vmov s29;
	s0 =	sadd.s32 $0xFFFFFFFF, s28;
	v27 =	vld.idx.msk [tilespmem:v21+s14+$0x0], $0xffff  }
0x1d5: {  	s2 =	sadd.s32 $0xFFFFFFFB, s29;
	s30 =	sadd.s32 $0xFFFFFFFD, s29;
	v28 =	vadd.s32 v7, v18;
	s31 =	sadd.s32 $0xFFFFFFFE, s28;
	v26 =	vshrl.u32 v26, $0x3;
	v29 =	vmov s0;
	v21 =	vld.idx.msk [tilespmem:v21+s16+$0x0], $0xffff  }
0x1d6: {  	s0 =	sadd.s32 $0xFFFFFFF9, s29;
	v30 =	vmov s2;
	v31 =	vmov s30;
	s2 =	sadd.s32 $0xFFFFFFFC, s28;
	v33 =	vmov s31;
	v32 =	vld.idx.msk [tilespmem:v25+s14+$0x0], $0xffff  }
0x1d7: {  	v35 =	vadd.s32 v6, v18;
	s30 =	sadd.s32 $0xFFFFFFF1, s29;
	v34 =	vmov s0;
	s0 =	sadd.s32 $0xFFFFFFFA, s28;
	v36 =	vmov s2;
	s28 =	smov.u32 s29;
	v25 =	vld.idx.msk [tilespmem:v25+s16+$0x0], $0xffff  }
0x1d8: {  	v37 =	vmov s30;
	v26 =	vshll.u32 v26, v1;
	v39 =	vmov s0;
	v38 =	vld.idx.msk [tilespmem:v17+s14+$0x0], $0xffff  }
0x1d9: {  	v40 =	vadd.s32 v5, v18;
	v29 =	vshrl.u32 v29, $0x3;
	v39 =	vshrl.u32 v39, $0x3;
	v17 =	vld.idx.msk [tilespmem:v17+s16+$0x0], $0xffff  }
0x1da: {  	v31 =	vshrl.u32 v31, $0x3;
	v33 =	vshrl.u32 v33, $0x3;
	v39 =	vshll.u32 v39, v1;
	v41 =	vld.idx.msk [tilespmem:v28+s14+$0x0], $0xffff  }
0x1db: {  	v18 =	vadd.s32 v3, v18;
	v36 =	vshrl.u32 v36, $0x3;
	v39 =	vbroadcast v39, $0x0;
	v28 =	vld.idx.msk [tilespmem:v28+s16+$0x0], $0xffff  }
0x1dc: {  	v30 =	vshrl.u32 v30, $0x3;
	v34 =	vshrl.u32 v34, $0x3;
	v36 =	vshll.u32 v36, v1;
	v42 =	vld.idx.msk [tilespmem:v35+s14+$0x0], $0xffff  }
0x1dd: {  	v37 =	vshrl.u32 v37, $0x3;
	v36 =	vbroadcast v36, $0x0;
	v39 =	vadd.s32 v7, v39;
	v35 =	vld.idx.msk [tilespmem:v35+s16+$0x0], $0xffff  }
0x1de: {  	v26 =	vbroadcast v26, $0x0;
	v33 =	vshll.u32 v33, v1;
	v29 =	vshll.u32 v29, v1;
	v43 =	vld.idx.msk [tilespmem:v40+s14+$0x0], $0xffff  }
0x1df: {  	v31 =	vshll.u32 v31, v1;
	v33 =	vbroadcast v33, $0x0;
	v36 =	vadd.s32 v6, v36;
	v40 =	vld.idx.msk [tilespmem:v40+s16+$0x0], $0xffff  }
0x1e0: {  	v30 =	vshll.u32 v30, v1;
	v34 =	vshll.u32 v34, v1;
	v29 =	vbroadcast v29, $0x0;
	v44 =	vld.idx.msk [tilespmem:v18+s14+$0x0], $0xffff  }
0x1e1: {  	v33 =	vadd.s32 v5, v33;
	v17 =	vmul.f32 v17, v38;
	v28 =	vmul.f32 v28, v41;
	v18 =	vld.idx.msk [tilespmem:v18+s16+$0x0], $0xffff  }
0x1e2: {  	v37 =	vshll.u32 v37, v1;
	v29 =	vadd.s32 v2, v29;
	v25 =	vmul.f32 v25, v32;
	v32 =	vld.idx.msk [tilespmem:v39+s14+$0x0], $0xffff  }
0x1e3: {  	v17 =	vadd.f32 v17, v23;
	v20 =	vadd.f32 v28, v20;
	v23 =	vmul.f32 v35, v42;
	v28 =	vld.idx.msk [tilespmem:v39+s16+$0x0], $0xffff  }
0x1e4: {  	v31 =	vbroadcast v31, $0x0;
	v26 =	vadd.s32 v3, v26;
	v21 =	vmul.f32 v21, v27;
	v27 =	vld.idx.msk [tilespmem:v36+s14+$0x0], $0xffff  }
0x1e5: {  	v17 =	vadd.f32 v25, v17;
	v20 =	vadd.f32 v23, v20;
	v23 =	vmul.f32 v40, v43;
	v25 =	vld.idx.msk [tilespmem:v36+s16+$0x0], $0xffff  }
0x1e6: {  	v30 =	vbroadcast v30, $0x0;
	v31 =	vadd.s32 v8, v31;
	v22 =	vmul.f32 v22, v24;
	v24 =	vld.idx.msk [tilespmem:v33+s14+$0x0], $0xffff  }
0x1e7: {  	v17 =	vadd.f32 v21, v17;
	v20 =	vadd.f32 v23, v20;
	v18 =	vmul.f32 v18, v44;
	v21 =	vld.idx.msk [tilespmem:v33+s16+$0x0], $0xffff  }
0x1e8: {  	v15 =	vmul.f32 v19, v15;
	v30 =	vadd.s32 v9, v30;
	v23 =	vbroadcast v34, $0x0;
	v33 =	vld.idx.msk [tilespmem:v29+s14+$0x0], $0xffff  }
0x1e9: {  	v22 =	vadd.f32 v22, v17;
	v20 =	vadd.f32 v18, v20;
	v28 =	vmul.f32 v28, v32;
	v29 =	vld.idx.msk [tilespmem:v29+s16+$0x0], $0xffff  }
0x1ea: {  	v13 =	vmul.f32 v14, v13;
	v18 =	vbroadcast v37, $0x0;
	v19 =	vadd.s32 v4, v23;
	v32 =	vld.idx.msk [tilespmem:v26+s14+$0x0], $0xffff  }
0x1eb: {  	v14 =	vadd.f32 v15, v22;
	v15 =	vadd.f32 v28, v20;
	v20 =	vmul.f32 v25, v27;
	v17 =	vld.idx.msk [tilespmem:v26+s16+$0x0], $0xffff  }
.Ltmp6:
0x1ec: {  	v23 =	vmul.f32 v12, v11;
	v22 =	vadd.s32 v2, v18;
	v11 =	vld.idx.msk [tilespmem:v31+s14+$0x0], $0xffff;
	(pc) =	sbr.rel @p0 .LBB2_15-.Ltmp6, $4  }
0x1ed: {  	v25 =	vadd.f32 v13, v14;
	v15 =	vadd.f32 v20, v15;
	v20 =	vmul.f32 v21, v24;
	v12 =	vld.idx.msk [tilespmem:v31+s16+$0x0], $0xffff  }
0x1ee: {  	v16 =	vmul.f32 v16, v10;
	v21 =	vadd.s32 v8, v18;
	v13 =	vld.idx.msk [tilespmem:v30+s14+$0x0], $0xffff  }
0x1ef: {  	v23 =	vadd.f32 v23, v25;
	v20 =	vadd.f32 v20, v15;
	v24 =	vmul.f32 v29, v33;
	v14 =	vld.idx.msk [tilespmem:v30+s16+$0x0], $0xffff  }
0x1f0: {  	s29 =	sadd.s32 $0x10, s29;
	v10 =	vmov v32;
	v15 =	vld.idx.msk [tilespmem:v19+s14+$0x0], $0xffff  }
0x1f1: {  	_ =	sdelay $0x3  }
0x1f2: {  	v8 =	vadd.s32 v9, v18;
	v37 =	vld.idx.msk [tilespmem:v19+s16+$0x0], $0xffff  }
0x1f3: {  	v38 =	vld.idx.msk [tilespmem:v22+s14+$0x0], $0xffff  }
0x1f4: {  	v4 =	vor.u32 v4, v18;
	v39 =	vld.idx.msk [tilespmem:v22+s16+$0x0], $0xffff  }
0x1f5: {  	v25 =	vld.idx.msk [tilespmem:v21+s14+$0x0], $0xffff  }
0x1f6: {  	v26 =	vadd.s32 v7, v18;
	v40 =	vld.idx.msk [tilespmem:v21+s16+$0x0], $0xffff  }
0x1f7: {  	v27 =	vld.idx.msk [tilespmem:v8+s14+$0x0], $0xffff  }
0x1f8: {  	v28 =	vadd.s32 v6, v18;
	s0 =	sadd.s32 $0xFFFFFFFA, s28;
	v8 =	vld.idx.msk [tilespmem:v8+s16+$0x0], $0xffff  }
0x1f9: {  	v30 =	vmov s0;
	v29 =	vld.idx.msk [tilespmem:v4+s14+$0x0], $0xffff  }
0x1fa: {  	s29 =	sadd.s32 $0xFFFFFFFC, s28;
	v31 =	vadd.s32 v5, v18;
	v30 =	vshrl.u32 v30, $0x3;
	v4 =	vld.idx.msk [tilespmem:v4+s16+$0x0], $0xffff  }
0x1fb: {  	v32 =	vmov s29;
	v30 =	vshll.u32 v30, v1;
	v33 =	vld.idx.msk [tilespmem:v26+s14+$0x0], $0xffff  }
0x1fc: {  	s30 =	sadd.s32 $0xFFFFFFFE, s28;
	v3 =	vadd.s32 v3, v18;
	v42 =	vshrl.u32 v32, $0x3;
	v41 =	vbroadcast v30, $0x0;
	v26 =	vld.idx.msk [tilespmem:v26+s16+$0x0], $0xffff  }
0x1fd: {  	v23 =	vadd.f32 v24, v23;
	v43 =	vmov s30;
	v30 =	vshll.u32 v42, v1;
	v44 =	vld.idx.msk [tilespmem:v28+s14+$0x0], $0xffff  }
0x1fe: {  	s31 =	sadd.s32 $0xFFFFFFFF, s28;
	v24 =	vshrl.u32 v43, $0x3;
	v28 =	vld.idx.msk [tilespmem:v28+s16+$0x0], $0xffff;
	v46 =	vbroadcast v30, $0x0;
	v45 =	vadd.s32 v7, v41  }
0x1ff: {  	v16 =	vadd.f32 v16, v20;
	v47 =	vmov s31;
	v24 =	vshll.u32 v24, v1;
	v48 =	vld.idx.msk [tilespmem:v31+s14+$0x0], $0xffff  }
0x200: {  	v20 =	vshrl.u32 v47, $0x3;
	v50 =	vbroadcast v24, $0x0;
	v31 =	vld.idx.msk [tilespmem:v31+s16+$0x0], $0xffff;
	v49 =	vadd.s32 v6, v46  }
0x201: {  	v20 =	vshll.u32 v20, v1;
	v51 =	vld.idx.msk [tilespmem:v3+s14+$0x0], $0xffff;
	v4 =	vmul.f32 v4, v29;
	v26 =	vmul.f32 v26, v33  }
0x202: {  	v20 =	vbroadcast v20, $0x0;
	v3 =	vld.idx.msk [tilespmem:v3+s16+$0x0], $0xffff;
	v52 =	vadd.s32 v5, v50;
	v8 =	vmul.f32 v8, v27  }
0x203: {  	v54 =	vmul.f32 v28, v44;
	v53 =	vld.idx.msk [tilespmem:v45+s14+$0x0], $0xffff;
	v4 =	vadd.f32 v4, v23;
	v16 =	vadd.f32 v26, v16  }
0x204: {  	v55 =	vmul.f32 v40, v25;
	v2 =	vadd.s32 v2, v20;
	v7 =	vld.idx.msk [tilespmem:v45+s16+$0x0], $0xffff  }
0x205: {  	v58 =	vmul.f32 v31, v48;
	v56 =	vld.idx.msk [tilespmem:v49+s14+$0x0], $0xffff;
	v4 =	vadd.f32 v8, v4;
	v57 =	vadd.f32 v54, v16  }
0x206: {  	v19 =	vmul.f32 v39, v38;
	v6 =	vld.idx.msk [tilespmem:v49+s16+$0x0], $0xffff  }
0x207: {  	v3 =	vmul.f32 v3, v51;
	v59 =	vld.idx.msk [tilespmem:v52+s14+$0x0], $0xffff;
	v4 =	vadd.f32 v55, v4;
	v8 =	vadd.f32 v58, v57  }
0x208: {  	v9 =	vmul.f32 v37, v15;
	v5 =	vld.idx.msk [tilespmem:v52+s16+$0x0], $0xffff  }
0x209: {  	v60 =	vld.idx.msk [tilespmem:v2+s14+$0x0], $0xffff;
	v7 =	vmul.f32 v7, v53;
	v4 =	vadd.f32 v19, v4;
	v3 =	vadd.f32 v3, v8  }
0x20a: {  	v61 =	vmul.f32 v14, v13;
	v2 =	vld.idx.msk [tilespmem:v2+s16+$0x0], $0xffff  }
0x20b: {  	v6 =	vmul.f32 v6, v56;
	v4 =	vadd.f32 v9, v4;
	v3 =	vadd.f32 v7, v3  }
0x20c: {  	v62 =	vmul.f32 v12, v11  }
0x20d: {  	v5 =	vmul.f32 v5, v59;
	v4 =	vadd.f32 v61, v4;
	v3 =	vadd.f32 v6, v3  }
0x20e: {  	v63 =	vmul.f32 v17, v10  }
0x20f: {  	s25 =	sadd.s32 $0x1, s25;
	v2 =	vmul.f32 v2, v60;
	v4 =	vadd.f32 v62, v4;
	v3 =	vadd.f32 v5, v3  }
0x210: {  	p0 =	sne.s32 s25, $0x8  }
.Ltmp7:
0x211: {  	v2 =	vadd.f32 v2, v4;
	v3 =	vadd.f32 v63, v3;
	(pc) =	sbr.rel @p0 .LBB2_14-.Ltmp7, $3  }
0x212: {  	_ = 	snop  }
0x213: {  	v2 =	vadd.f32 v3, v2;
	_ =	sdelay $0x1  }
0x214: {  	[tilespmem:s26+$0x8580] =	vst v2  }
0x215: {  	s24 =	sadd.s32 $0x1, s24  }
0x216: {  	p0 =	sne.s32 s24, s8  }
.Ltmp8:
0x217: {  	_ = 	snop;
	(pc) =	sbr.rel @p0 .LBB2_1-.Ltmp8, $4  }
0x218: {  	[hbm4b:s7+s1] =	stream.linear.scatter [tilespmem:s23], [sflag:$0x3], $0x200, $0x38;
	[tilespmem:$0x8600] =	vst v63  }
0x219: {  	_ =	swait.ge [sflag:s9], $0x200  }
0x21a: {  	[sflag:s9] =	ssyncset.done $0x0  }
0x21b: {  	[sflag:s9] =	ssyncadd.s32 $0xFFFFFE00  }
0x21c: {  	_ =	sfence.sel $0x180000  }
0x21d: {  	[bflag:$0x0] =	sbarrier.arrive $0xFFFF  }
0x21e: {  	_ =	strace $0x90000047  }
0x21f: {  	s0 =	stileid.u32;
	[bflag:$0x2] =	sbarrier.arrive $0xFFFF  }
0x220: {  	p0 =	sne.s32 s0, $0x0;
	s0 =	rddreg [dreg:$0x4]  }
0x221: {  	s0 =	sadd.s32 @!p0 $0x100000, s0  }
0x222: {  	[sflag:s0] =	ssyncadd.tile.s32 @!p0 $0x1;
	_ =	shalt  }
.Lfunc_end2:
_tile_overlayer_lowered:
.L_overlay_start_2:
0x223: {  	(tag) =	ssettag $0x2  }
0x224: {  	s0 =	rddreg [dreg:$0x0];
	s2 =	stileid.u32  }
0x225: {  	s1 =	rddreg [dreg:$0x1];
	p0 =	sne.s32 s2, $0x0  }
0x226: {  	s3 =	rddreg [dreg:$0x2];
	[bflag:$0x3] =	sbarrier.arrive $0xFFFF;
	s2 =	simm.s32 @!p0 $0x1C03  }
0x227: {  	[timem:s3], [sflag:s2] =	dma.local @!p0 [hbm:s0], s1  }
0x228: {  	s0 =	simm.s32 @!p0 $0x3  }
0x229: {  	_ =	swait.ge @!p0 [sflag:s0], s1  }
0x22a: {  	s1 =	ssub.s32 @!p0 $0x0, s1;
	[sflag:s0] =	ssyncset.done @!p0 $0x0  }
0x22b: {  	[sflag:s0] =	ssyncadd.s32 @!p0 s1  }
0x22c: {  	[bflag:$0x3] =	sbarrier.arrive $0xFFFF  }
0x22d: {  	_ =	shalt  }

</sc_bundles>
